<compile_context>
chip_gen: v7x
topology: tpu7x:2x2x1
jax: 0.10.2.dev20260603
libtpu: 0.0.44.dev20260713+nightly
codegen_flags: <defaults>
</compile_context>

<pallas_src>
import functools

import jax
import jax.numpy as jnp
from jax import lax
from jax.experimental import pallas as pl
from jax.experimental.pallas import tpu as pltpu
from jax.experimental.pallas import tpu_sc as plsc

N = 10000
D = 128
H = 16
C = 2
NC = 2
NS = 16
NW = NC * NS
EB = 1024
NBUF = 4
LAG = 2
NROW = N + 112
RPT = NROW // NS


def _sc_mesh():
    return plsc.VectorSubcoreMesh(core_axis_name="c", subcore_axis_name="s")


def _rsqrt16(x):
    i = lax.bitcast_convert_type(x, jnp.int32)
    i = jnp.int32(0x5F3759DF) - lax.shift_right_logical(i, 1)
    y = lax.bitcast_convert_type(i, jnp.float32)
    y = y * (1.5 - 0.5 * x * y * y)
    y = y * (1.5 - 0.5 * x * y * y)
    y = y * (1.5 - 0.5 * x * y * y)
    return y


def _make_deg_kernel(ew, rem):
    def body(ei_hbm, zero_hbm, out_hbm, dstb, ones, acc, sem):
        c = lax.axis_index("c")
        s = lax.axis_index("s")
        wid = c * NS + s

        @pl.when(s == 0)
        def _():
            pltpu.sync_copy(zero_hbm, acc)

        @plsc.parallel_loop(0, EB, 1, unroll=8)
        def _(i):
            ones[i, :] = jnp.ones((H,), jnp.float32)

        pltpu.sync_copy(ei_hbm.at[1, pl.ds(wid * ew, ew)],
                        dstb.at[pl.ds(0, ew)])
        if rem:
            @pl.when(wid == NW - 1)
            def _():
                pltpu.sync_copy(ei_hbm.at[1, pl.ds(NW * ew, rem)],
                                dstb.at[pl.ds(ew, rem)])
        plsc.subcore_barrier()

        descs = [
            pltpu.async_copy(ones.at[pl.ds(0, ln)],
                             acc.at[dstb.at[pl.ds(off, ln)]], sem, add=True)
            for off, ln in _chunks(ew)
        ]
        for d in descs:
            d.wait()
        if rem:
            @pl.when(wid == NW - 1)
            def _():
                pltpu.sync_copy(ones.at[pl.ds(0, rem)],
                                acc.at[dstb.at[pl.ds(ew, rem)]], add=True)

        plsc.subcore_barrier()
        pltpu.sync_copy(acc.at[pl.ds(s * RPT, RPT)],
                        out_hbm.at[c, pl.ds(s * RPT, RPT)])

    return pl.kernel(
        body,
        out_type=jax.ShapeDtypeStruct((NC, NROW, H), jnp.float32),
        mesh=_sc_mesh(),
        scratch_types=[
            pltpu.VMEM((ew + EB,), jnp.int32),
            pltpu.VMEM((EB, H), jnp.float32),
            pltpu.VMEM_SHARED((NROW, H), jnp.float32),
            pltpu.SemaphoreType.DMA,
        ],
        compiler_params=pltpu.CompilerParams(use_tc_tiling_on_sc=False),
    )


def _chunks(ew):
    ck = [(j * EB, EB) for j in range(ew // EB)]
    if ew % EB:
        ck.append((ew - ew % EB, ew % EB))
    return ck


def _edge_pass(ew, srcb, dstb, rows, gsems, ssems, acc, ytab):
    ck = _chunks(ew)
    nsc = len(ck)
    gat = [None] * NBUF
    sca = [None] * NBUF
    for j in range(nsc + LAG):
        if j < nsc:
            b = j % NBUF
            if sca[b] is not None:
                sca[b].wait()
            off, ln = ck[j]
            gat[b] = pltpu.async_copy(
                ytab.at[srcb.at[pl.ds(off, ln)]],
                rows[b].at[pl.ds(0, ln)], gsems[b])
        i = j - LAG
        if i >= 0:
            bi = i % NBUF
            gat[bi].wait()
            off, ln = ck[i]
            sca[bi] = pltpu.async_copy(
                rows[bi].at[pl.ds(0, ln)], acc.at[dstb.at[pl.ds(off, ln)]],
                ssems[bi], add=True)
    for i in range(max(0, nsc - NBUF), nsc):
        sca[i % NBUF].wait()


def _load_idx(ei_hbm, srcb, dstb, wid, ew, rem):
    pltpu.sync_copy(ei_hbm.at[0, pl.ds(wid * ew, ew)], srcb.at[pl.ds(0, ew)])
    pltpu.sync_copy(ei_hbm.at[1, pl.ds(wid * ew, ew)], dstb.at[pl.ds(0, ew)])
    if rem:
        @pl.when(wid == NW - 1)
        def _():
            pltpu.sync_copy(ei_hbm.at[0, pl.ds(NW * ew, rem)],
                            srcb.at[pl.ds(ew, rem)])
            pltpu.sync_copy(ei_hbm.at[1, pl.ds(NW * ew, rem)],
                            dstb.at[pl.ds(ew, rem)])


def _rem_pass(srcb, dstb, row, sem, acc, ytab, wid, ew, rem):
    if rem:
        @pl.when(wid == NW - 1)
        def _():
            pltpu.async_copy(ytab.at[srcb.at[pl.ds(ew, rem)]],
                             row.at[pl.ds(0, rem)], sem).wait()
            pltpu.sync_copy(row.at[pl.ds(0, rem)],
                            acc.at[dstb.at[pl.ds(ew, rem)]], add=True)


def _make_gs1_kernel(ew, rem):
    def body(h_hbm, dacc_hbm, ei_hbm, zero_hbm,
             aacc_hbm, dinv_hbm,
             srcb, dstb, r0, r1, r2, r3, acc, ytab,
             g0, g1, g2, g3, s0, s1, s2, s3):
        c = lax.axis_index("c")
        s = lax.axis_index("s")
        wid = c * NS + s
        base = s * RPT

        @pl.when(s == 0)
        def _():
            pltpu.sync_copy(zero_hbm, acc)

        _load_idx(ei_hbm, srcb, dstb, wid, ew, rem)

        pltpu.sync_copy(dacc_hbm.at[0, pl.ds(base, RPT)], r0.at[pl.ds(0, RPT)])
        pltpu.sync_copy(dacc_hbm.at[1, pl.ds(base, RPT)], r1.at[pl.ds(0, RPT)])
        pltpu.sync_copy(h_hbm.at[pl.ds(base, RPT)], r2.at[pl.ds(0, RPT)])

        @plsc.parallel_loop(0, RPT, 1, unroll=8)
        def _(i):
            deg = r0[i, :] + r1[i, :] + 1.0
            dv = _rsqrt16(deg)
            r0[i, :] = dv
            r2[i, :] = dv * r2[i, :]

        pltpu.sync_copy(r2.at[pl.ds(0, RPT)], ytab.at[pl.ds(base, RPT)])

        @pl.when(c == 0)
        def _():
            pltpu.sync_copy(r0.at[pl.ds(0, RPT)], dinv_hbm.at[pl.ds(base, RPT)])

        plsc.subcore_barrier()
        _edge_pass(ew, srcb, dstb, [r0, r1, r2, r3],
                   [g0, g1, g2, g3], [s0, s1, s2, s3], acc, ytab)
        _rem_pass(srcb, dstb, r0, g0, acc, ytab, wid, ew, rem)
        plsc.subcore_barrier()
        pltpu.sync_copy(acc.at[pl.ds(base, RPT)],
                        aacc_hbm.at[c, pl.ds(base, RPT)])

    return pl.kernel(
        body,
        out_type=(jax.ShapeDtypeStruct((NC, NROW, H), jnp.float32),
                  jax.ShapeDtypeStruct((NROW, H), jnp.float32)),
        mesh=_sc_mesh(),
        scratch_types=[
            pltpu.VMEM((ew + EB,), jnp.int32),
            pltpu.VMEM((ew + EB,), jnp.int32),
            pltpu.VMEM((EB, H), jnp.float32),
            pltpu.VMEM((EB, H), jnp.float32),
            pltpu.VMEM((EB, H), jnp.float32),
            pltpu.VMEM((EB, H), jnp.float32),
            pltpu.VMEM_SHARED((NROW, H), jnp.float32),
            pltpu.VMEM_SHARED((NROW, H), jnp.float32),
        ] + [pltpu.SemaphoreType.DMA] * 8,
        compiler_params=pltpu.CompilerParams(use_tc_tiling_on_sc=False),
    )


def _make_gs2_kernel(ew, rem):
    def body(h_hbm, dinv_hbm, aacc_hbm, ei_hbm, b1_hbm, zero_hbm,
             aacc2_hbm, y2_hbm,
             srcb, dstb, r0, r1, r2, r3, tb, acc, ytab,
             g0, g1, g2, g3, s0, s1, s2, s3):
        c = lax.axis_index("c")
        s = lax.axis_index("s")
        wid = c * NS + s
        base = s * RPT

        @pl.when(s == 0)
        def _():
            pltpu.sync_copy(zero_hbm, acc)

        _load_idx(ei_hbm, srcb, dstb, wid, ew, rem)

        pltpu.sync_copy(aacc_hbm.at[0, pl.ds(base, RPT)], r0.at[pl.ds(0, RPT)])
        pltpu.sync_copy(aacc_hbm.at[1, pl.ds(base, RPT)], r1.at[pl.ds(0, RPT)])
        pltpu.sync_copy(h_hbm.at[pl.ds(base, RPT)], r2.at[pl.ds(0, RPT)])
        pltpu.sync_copy(dinv_hbm.at[pl.ds(base, RPT)], r3.at[pl.ds(0, RPT)])
        pltpu.sync_copy(b1_hbm, tb)
        b1v = tb[...]

        @plsc.parallel_loop(0, RPT, 1, unroll=8)
        def _(i):
            dv = r3[i, :]
            y1 = dv * r2[i, :]
            z = dv * (r0[i, :] + r1[i, :] + y1) + b1v
            r2[i, :] = dv * jnp.maximum(z, 0.0)

        pltpu.sync_copy(r2.at[pl.ds(0, RPT)], ytab.at[pl.ds(base, RPT)])

        @pl.when(c == 0)
        def _():
            pltpu.sync_copy(r2.at[pl.ds(0, RPT)], y2_hbm.at[pl.ds(base, RPT)])

        plsc.subcore_barrier()
        _edge_pass(ew, srcb, dstb, [r0, r1, r2, r3],
                   [g0, g1, g2, g3], [s0, s1, s2, s3], acc, ytab)
        _rem_pass(srcb, dstb, r0, g0, acc, ytab, wid, ew, rem)
        plsc.subcore_barrier()
        pltpu.sync_copy(acc.at[pl.ds(base, RPT)],
                        aacc2_hbm.at[c, pl.ds(base, RPT)])

    return pl.kernel(
        body,
        out_type=(jax.ShapeDtypeStruct((NC, NROW, H), jnp.float32),
                  jax.ShapeDtypeStruct((NROW, H), jnp.float32)),
        mesh=_sc_mesh(),
        scratch_types=[
            pltpu.VMEM((ew + EB,), jnp.int32),
            pltpu.VMEM((ew + EB,), jnp.int32),
            pltpu.VMEM((EB, H), jnp.float32),
            pltpu.VMEM((EB, H), jnp.float32),
            pltpu.VMEM((EB, H), jnp.float32),
            pltpu.VMEM((EB, H), jnp.float32),
            pltpu.VMEM((H,), jnp.float32),
            pltpu.VMEM_SHARED((NROW, H), jnp.float32),
            pltpu.VMEM_SHARED((NROW, H), jnp.float32),
        ] + [pltpu.SemaphoreType.DMA] * 8,
        compiler_params=pltpu.CompilerParams(use_tc_tiling_on_sc=False),
    )


def _tch_body(x_ref, w1_ref, h_ref):
    h_ref[:N, :] = jnp.dot(x_ref[...], w1_ref[...],
                           preferred_element_type=jnp.float32)
    h_ref[N:, :] = jnp.zeros((NROW - N, H), jnp.float32)


def _tc3_body(aacc_ref, y2_ref, dinv_ref, w2p_ref, b2p_ref, out_ref):
    t = dinv_ref[...] * (aacc_ref[0] + aacc_ref[1] + y2_ref[...])
    out_ref[...] = (jnp.dot(t, w2p_ref[...],
                            preferred_element_type=jnp.float32) + b2p_ref[...])


@functools.lru_cache(maxsize=4)
def _build(e_total):
    ew = (e_total // NW) // 8 * 8
    rem = e_total - NW * ew
    deg_kernel = _make_deg_kernel(ew, rem)
    gs1_kernel = _make_gs1_kernel(ew, rem)
    gs2_kernel = _make_gs2_kernel(ew, rem)

    tch = pl.pallas_call(
        _tch_body,
        out_shape=jax.ShapeDtypeStruct((NROW, H), jnp.float32),
    )
    tc3 = pl.pallas_call(
        _tc3_body,
        out_shape=jax.ShapeDtypeStruct((NROW // 8, 8 * C), jnp.float32),
    )

    @jax.jit
    def run(x, ei, w1, b1, w2, b2):
        zero_acc = jnp.zeros((NROW, H), jnp.float32)
        h = tch(x, w1)
        dacc = deg_kernel(ei, zero_acc)
        aacc1, dinv = gs1_kernel(h, dacc, ei, zero_acc)
        aacc2, y2 = gs2_kernel(h, dinv, aacc1, ei, b1, zero_acc)
        l = jnp.arange(8 * H)[:, None]
        j = jnp.arange(8 * C)[None, :]
        w2p = jnp.where(l // H == j // C, jnp.tile(w2, (8, 8)), 0.0)
        b2p = jnp.tile(b2, 8)[None, :]
        outp = tc3(aacc2.reshape(NC, NROW // 8, 8 * H),
                   y2.reshape(NROW // 8, 8 * H),
                   dinv.reshape(NROW // 8, 8 * H), w2p, b2p)
        return outp.reshape(NROW, C)[:N]

    return run


def kernel(x, edge_index, W1, b1, W2, b2):
    e_total = edge_index.shape[1]
    return _build(e_total)(x, edge_index, W1, b1, W2, b2)

# --- scband reference (transcript-rebuilt; emitter-appended) ---
"""Pipeline reference for scband-gcn-21947282883210 (READ-ONLY COPY).

The authoritative reference and input builder live on the scoring server;
editing this copy changes nothing except your own understanding.
"""

import jax, jax.numpy as jnp
import numpy as np

N = 10000
E = 320000
D = 128
H = 16
C = 2


def setup_inputs(seed: int = 0) -> dict:
    key = jax.random.key(seed)
    k1, k2, k3, k4 = jax.random.split(key, 4)
    x = jax.random.normal(k1, (N, D), dtype=jnp.float32)
    edge_index = jax.random.randint(k2, (2, E), 0, N, dtype=jnp.int32)
    W1 = jax.random.normal(k3, (D, H), dtype=jnp.float32) * (1.0 / np.sqrt(D))
    b1 = jnp.zeros((H,), dtype=jnp.float32)
    W2 = jax.random.normal(k4, (H, C), dtype=jnp.float32) * (1.0 / np.sqrt(H))
    b2 = jnp.zeros((C,), dtype=jnp.float32)
    return {"x": x, "edge_index": edge_index, "W1": W1, "b1": b1, "W2": W2, "b2": b2}


def _gcn_conv(x, src, dst, W, b, n):
    # GCNConv: add self-loops, symmetric normalization D^-1/2 (A+I) D^-1/2 X W + b
    h = x @ W
    loop = jnp.arange(n, dtype=src.dtype)
    s = jnp.concatenate([src, loop])
    d = jnp.concatenate([dst, loop])
    deg = jax.ops.segment_sum(jnp.ones(s.shape[0], dtype=h.dtype), d, num_segments=n)
    dinv = jnp.where(deg > 0, 1.0 / jnp.sqrt(deg), 0.0)
    norm = dinv[s] * dinv[d]
    msg = h[s] * norm[:, None]
    out = jax.ops.segment_sum(msg, d, num_segments=n)
    return out + b


def reference(x, edge_index, W1, b1, W2, b2):
    src = edge_index[0]
    dst = edge_index[1]
    n = x.shape[0]
    h = jax.nn.relu(_gcn_conv(x, src, dst, W1, b1, n))
    out = _gcn_conv(h, src, dst, W2, b2, n)
    return out

if __name__ == "__main__":
    import jax
    _d = setup_inputs()
    print(jax.jit(kernel)(*tuple(_d.values())))

</pallas_src>

<mosaic_0001>
#map = affine_map<(d0, d1) -> (0, 0)>
#map1 = affine_map<(d0, d1) -> (0, 0, 0)>
module attributes {stable_mosaic.version = 14 : i64} {
  func.func @body(%arg0: i32, %arg1: i32, %arg2: memref<2x320000xi32, #tpu.memory_space<hbm>>, %arg3: memref<10112x16xf32, #tpu.memory_space<hbm>>, %arg4: memref<2x10112x16xf32, #tpu.memory_space<hbm>>, %arg5: memref<11024xi32, #tpu.memory_space<vmem>>, %arg6: memref<1024x16xf32, #tpu.memory_space<vmem>>, %arg7: memref<10112x16xf32, #tpu.memory_space<vmem_shared>>, %arg8: memref<!tpu.dma_semaphore, #tpu.memory_space<semaphore_mem>>) attributes {dimension_semantics = [#tpu.dimension_semantics<core_parallel>, #tpu.dimension_semantics<subcore_parallel>], iteration_bounds = array<i64: 2, 16>, scalar_prefetch = 0 : i64, scratch_operands = 4 : i64, tpu.core_type = #tpu.core_type<sc_vector_subcore>, window_params = [{transform_indices = #map}, {transform_indices = #map}, {transform_indices = #map1}]} {
    %mul3A = arith.constant 16 : i32
    %mul3A_0 = arith.muli %arg0, %mul3A : i32
    %add3A = arith.addi %mul3A_0, %arg1 : i32
    %eq3A = arith.constant 0 : i32
    %eq3A_1 = arith.cmpi eq, %arg1, %eq3A : i32
    %convert_element_type3A = arith.extui %eq3A_1 : i1 to i32
    %cond3A = arith.constant 0 : i32
    %cond3A_2 = arith.cmpi ne, %convert_element_type3A, %cond3A : i32
    scf.if %cond3A_2 {
      "tpu.region"() ({
        %run_scoped3A_170 = tpu.sem_alloc : memref<!tpu.dma_semaphore, #tpu.memory_space<semaphore_mem>>
        tpu.enqueue_dma source(%arg3 : memref<10112x16xf32, #tpu.memory_space<hbm>>) target(%arg7 : memref<10112x16xf32, #tpu.memory_space<vmem_shared>>) target_semaphore(%run_scoped3A_170 : memref<!tpu.dma_semaphore, #tpu.memory_space<semaphore_mem>>)
        tpu.wait_dma2 semaphore(%run_scoped3A_170 : memref<!tpu.dma_semaphore, #tpu.memory_space<semaphore_mem>>) src(%arg3 : memref<10112x16xf32, #tpu.memory_space<hbm>>) dst(%arg7 : memref<10112x16xf32, #tpu.memory_space<vmem_shared>>)
        tpu.yield
      }) : () -> ()
    } else {
    }
    %parallel_loop3A = arith.constant 0 : i32
    %parallel_loop3A_3 = arith.constant 1024 : i32
    %parallel_loop3A_4 = arith.constant 1 : i32
    scf.for %parallel_loop3A_170 = %parallel_loop3A to %parallel_loop3A_3 step %parallel_loop3A_4  : i32 {
      %parallel_loop3A_171 = arith.constant 1.000000e+00 : f32
      %parallel_loop3A_172 = vector.broadcast %parallel_loop3A_171 : f32 to vector<16xf32>
      %parallel_loop3A_173 = arith.index_cast %parallel_loop3A_170 : i32 to index
      %parallel_loop3A_174 = arith.constant 0 : index
      %parallel_loop3A_175 = tpu.vector_load %arg6[%parallel_loop3A_173, %parallel_loop3A_174] {strides = array<i32>} : memref<1024x16xf32, #tpu.memory_space<vmem>>, vector<1x16xf32>,
      %parallel_loop3A_176 = vector.shape_cast %parallel_loop3A_175 : vector<1x16xf32> to vector<16xf32>
      %parallel_loop3A_177 = vector.shape_cast %parallel_loop3A_172 : vector<16xf32> to vector<1x16xf32>
      tpu.vector_store %arg6[%parallel_loop3A_173, %parallel_loop3A_174], %parallel_loop3A_177 {strides = array<i32>} : memref<1024x16xf32, #tpu.memory_space<vmem>>, vector<1x16xf32>,
    } {sc.loop_unroll_factor = 8 : i64, sc.parallel_access}
    %mul3A_5 = arith.constant 10000 : i32
    %mul3A_6 = arith.muli %add3A, %mul3A_5 : i32
    %run_scoped3A = arith.constant 1 : i32
    "tpu.region"() ({
      %run_scoped3A_170 = tpu.sem_alloc : memref<!tpu.dma_semaphore, #tpu.memory_space<semaphore_mem>>
      %dma_start3A_171 = arith.constant 0 : i32
      %dma_start3A_172 = tpu.memref_slice %arg5[%dma_start3A_171] : memref<11024xi32, #tpu.memory_space<vmem>> -> memref<10000xi32, #tpu.memory_space<vmem>>
      %dma_start3A_173 = tpu.memref_slice %arg2[%run_scoped3A, %mul3A_6] : memref<2x320000xi32, #tpu.memory_space<hbm>> -> memref<1x10000xi32, #tpu.memory_space<hbm>>
      %dma_start3A_174 = tpu.memref_squeeze %dma_start3A_173 : memref<1x10000xi32, #tpu.memory_space<hbm>> -> memref<10000xi32, #tpu.memory_space<hbm>>
      %dma_start3A_175 = arith.constant 0 : i32
      %dma_start3A_176 = tpu.memref_slice %arg5[%dma_start3A_175] : memref<11024xi32, #tpu.memory_space<vmem>> -> memref<10000xi32, #tpu.memory_space<vmem>>
      %dma_start3A_177 = tpu.memref_slice %arg2[%run_scoped3A, %mul3A_6] : memref<2x320000xi32, #tpu.memory_space<hbm>> -> memref<1x10000xi32, #tpu.memory_space<hbm>>
      %dma_start3A_178 = tpu.memref_squeeze %dma_start3A_177 : memref<1x10000xi32, #tpu.memory_space<hbm>> -> memref<10000xi32, #tpu.memory_space<hbm>>
      tpu.enqueue_dma source(%dma_start3A_178 : memref<10000xi32, #tpu.memory_space<hbm>>) target(%dma_start3A_176 : memref<10000xi32, #tpu.memory_space<vmem>>) target_semaphore(%run_scoped3A_170 : memref<!tpu.dma_semaphore, #tpu.memory_space<semaphore_mem>>)
      %dma_wait3A_179 = arith.constant 0 : i32
      %dma_wait3A_180 = tpu.memref_slice %arg5[%dma_wait3A_179] : memref<11024xi32, #tpu.memory_space<vmem>> -> memref<10000xi32, #tpu.memory_space<vmem>>
      %dma_wait3A_181 = tpu.memref_slice %arg2[%run_scoped3A, %mul3A_6] : memref<2x320000xi32, #tpu.memory_space<hbm>> -> memref<1x10000xi32, #tpu.memory_space<hbm>>
      %dma_wait3A_182 = tpu.memref_squeeze %dma_wait3A_181 : memref<1x10000xi32, #tpu.memory_space<hbm>> -> memref<10000xi32, #tpu.memory_space<hbm>>
      %dma_wait3A_183 = arith.constant 0 : i32
      %dma_wait3A_184 = tpu.memref_slice %arg5[%dma_wait3A_183] : memref<11024xi32, #tpu.memory_space<vmem>> -> memref<10000xi32, #tpu.memory_space<vmem>>
      %dma_wait3A_185 = tpu.memref_slice %arg2[%run_scoped3A, %mul3A_6] : memref<2x320000xi32, #tpu.memory_space<hbm>> -> memref<1x10000xi32, #tpu.memory_space<hbm>>
      %dma_wait3A_186 = tpu.memref_squeeze %dma_wait3A_185 : memref<1x10000xi32, #tpu.memory_space<hbm>> -> memref<10000xi32, #tpu.memory_space<hbm>>
      tpu.wait_dma2 semaphore(%run_scoped3A_170 : memref<!tpu.dma_semaphore, #tpu.memory_space<semaphore_mem>>) src(%dma_wait3A_186 : memref<10000xi32, #tpu.memory_space<hbm>>) dst(%dma_wait3A_184 : memref<10000xi32, #tpu.memory_space<vmem>>)
      tpu.yield
    }) : () -> ()
    %barrier3A = arith.constant 0 : index
    tpu.barrier barrier_id(%barrier3A)
    %dma_start3A = arith.constant 0 : i32
    %dma_start3A_7 = arith.constant 0 : i32
    %dma_start3A_8 = tpu.memref_slice %arg6[%dma_start3A, %dma_start3A_7] : memref<1024x16xf32, #tpu.memory_space<vmem>> -> memref<1024x16xf32, #tpu.memory_space<vmem>>
    %dma_start3A_9 = arith.constant 0 : i32
    %dma_start3A_10 = tpu.memref_slice %arg5[%dma_start3A_9] : memref<11024xi32, #tpu.memory_space<vmem>> -> memref<1024xi32, #tpu.memory_space<vmem>>
    %dma_start3A_11 = arith.constant 0 : i32
    %dma_start3A_12 = arith.constant 0 : i32
    %dma_start3A_13 = tpu.memref_slice %arg7[%dma_start3A_11, %dma_start3A_12] : memref<10112x16xf32, #tpu.memory_space<vmem_shared>> -> memref<10112x16xf32, #tpu.memory_space<vmem_shared>>
    tpu.enqueue_indirect_dma source(%dma_start3A_8 : memref<1024x16xf32, #tpu.memory_space<vmem>>) target(%dma_start3A_13 : memref<10112x16xf32, #tpu.memory_space<vmem_shared>>) offsets(%dma_start3A_10 : memref<1024xi32, #tpu.memory_space<vmem>>) semaphore(%arg8 : memref<!tpu.dma_semaphore, #tpu.memory_space<semaphore_mem>>) {add = true}
    %dma_start3A_14 = arith.constant 0 : i32
    %dma_start3A_15 = arith.constant 0 : i32
    %dma_start3A_16 = tpu.memref_slice %arg6[%dma_start3A_14, %dma_start3A_15] : memref<1024x16xf32, #tpu.memory_space<vmem>> -> memref<1024x16xf32, #tpu.memory_space<vmem>>
    %dma_start3A_17 = arith.constant 1024 : i32
    %dma_start3A_18 = tpu.memref_slice %arg5[%dma_start3A_17] : memref<11024xi32, #tpu.memory_space<vmem>> -> memref<1024xi32, #tpu.memory_space<vmem>>
    %dma_start3A_19 = arith.constant 0 : i32
    %dma_start3A_20 = arith.constant 0 : i32
    %dma_start3A_21 = tpu.memref_slice %arg7[%dma_start3A_19, %dma_start3A_20] : memref<10112x16xf32, #tpu.memory_space<vmem_shared>> -> memref<10112x16xf32, #tpu.memory_space<vmem_shared>>
    tpu.enqueue_indirect_dma source(%dma_start3A_16 : memref<1024x16xf32, #tpu.memory_space<vmem>>) target(%dma_start3A_21 : memref<10112x16xf32, #tpu.memory_space<vmem_shared>>) offsets(%dma_start3A_18 : memref<1024xi32, #tpu.memory_space<vmem>>) semaphore(%arg8 : memref<!tpu.dma_semaphore, #tpu.memory_space<semaphore_mem>>) {add = true}
    %dma_start3A_22 = arith.constant 0 : i32
    %dma_start3A_23 = arith.constant 0 : i32
    %dma_start3A_24 = tpu.memref_slice %arg6[%dma_start3A_22, %dma_start3A_23] : memref<1024x16xf32, #tpu.memory_space<vmem>> -> memref<1024x16xf32, #tpu.memory_space<vmem>>
    %dma_start3A_25 = arith.constant 2048 : i32
    %dma_start3A_26 = tpu.memref_slice %arg5[%dma_start3A_25] : memref<11024xi32, #tpu.memory_space<vmem>> -> memref<1024xi32, #tpu.memory_space<vmem>>
    %dma_start3A_27 = arith.constant 0 : i32
    %dma_start3A_28 = arith.constant 0 : i32
    %dma_start3A_29 = tpu.memref_slice %arg7[%dma_start3A_27, %dma_start3A_28] : memref<10112x16xf32, #tpu.memory_space<vmem_shared>> -> memref<10112x16xf32, #tpu.memory_space<vmem_shared>>
    tpu.enqueue_indirect_dma source(%dma_start3A_24 : memref<1024x16xf32, #tpu.memory_space<vmem>>) target(%dma_start3A_29 : memref<10112x16xf32, #tpu.memory_space<vmem_shared>>) offsets(%dma_start3A_26 : memref<1024xi32, #tpu.memory_space<vmem>>) semaphore(%arg8 : memref<!tpu.dma_semaphore, #tpu.memory_space<semaphore_mem>>) {add = true}
    %dma_start3A_30 = arith.constant 0 : i32
    %dma_start3A_31 = arith.constant 0 : i32
    %dma_start3A_32 = tpu.memref_slice %arg6[%dma_start3A_30, %dma_start3A_31] : memref<1024x16xf32, #tpu.memory_space<vmem>> -> memref<1024x16xf32, #tpu.memory_space<vmem>>
    %dma_start3A_33 = arith.constant 3072 : i32
    %dma_start3A_34 = tpu.memref_slice %arg5[%dma_start3A_33] : memref<11024xi32, #tpu.memory_space<vmem>> -> memref<1024xi32, #tpu.memory_space<vmem>>
    %dma_start3A_35 = arith.constant 0 : i32
    %dma_start3A_36 = arith.constant 0 : i32
    %dma_start3A_37 = tpu.memref_slice %arg7[%dma_start3A_35, %dma_start3A_36] : memref<10112x16xf32, #tpu.memory_space<vmem_shared>> -> memref<10112x16xf32, #tpu.memory_space<vmem_shared>>
    tpu.enqueue_indirect_dma source(%dma_start3A_32 : memref<1024x16xf32, #tpu.memory_space<vmem>>) target(%dma_start3A_37 : memref<10112x16xf32, #tpu.memory_space<vmem_shared>>) offsets(%dma_start3A_34 : memref<1024xi32, #tpu.memory_space<vmem>>) semaphore(%arg8 : memref<!tpu.dma_semaphore, #tpu.memory_space<semaphore_mem>>) {add = true}
    %dma_start3A_38 = arith.constant 0 : i32
    %dma_start3A_39 = arith.constant 0 : i32
    %dma_start3A_40 = tpu.memref_slice %arg6[%dma_start3A_38, %dma_start3A_39] : memref<1024x16xf32, #tpu.memory_space<vmem>> -> memref<1024x16xf32, #tpu.memory_space<vmem>>
    %dma_start3A_41 = arith.constant 4096 : i32
    %dma_start3A_42 = tpu.memref_slice %arg5[%dma_start3A_41] : memref<11024xi32, #tpu.memory_space<vmem>> -> memref<1024xi32, #tpu.memory_space<vmem>>
    %dma_start3A_43 = arith.constant 0 : i32
    %dma_start3A_44 = arith.constant 0 : i32
    %dma_start3A_45 = tpu.memref_slice %arg7[%dma_start3A_43, %dma_start3A_44] : memref<10112x16xf32, #tpu.memory_space<vmem_shared>> -> memref<10112x16xf32, #tpu.memory_space<vmem_shared>>
    tpu.enqueue_indirect_dma source(%dma_start3A_40 : memref<1024x16xf32, #tpu.memory_space<vmem>>) target(%dma_start3A_45 : memref<10112x16xf32, #tpu.memory_space<vmem_shared>>) offsets(%dma_start3A_42 : memref<1024xi32, #tpu.memory_space<vmem>>) semaphore(%arg8 : memref<!tpu.dma_semaphore, #tpu.memory_space<semaphore_mem>>) {add = true}
    %dma_start3A_46 = arith.constant 0 : i32
    %dma_start3A_47 = arith.constant 0 : i32
    %dma_start3A_48 = tpu.memref_slice %arg6[%dma_start3A_46, %dma_start3A_47] : memref<1024x16xf32, #tpu.memory_space<vmem>> -> memref<1024x16xf32, #tpu.memory_space<vmem>>
    %dma_start3A_49 = arith.constant 5120 : i32
    %dma_start3A_50 = tpu.memref_slice %arg5[%dma_start3A_49] : memref<11024xi32, #tpu.memory_space<vmem>> -> memref<1024xi32, #tpu.memory_space<vmem>>
    %dma_start3A_51 = arith.constant 0 : i32
    %dma_start3A_52 = arith.constant 0 : i32
    %dma_start3A_53 = tpu.memref_slice %arg7[%dma_start3A_51, %dma_start3A_52] : memref<10112x16xf32, #tpu.memory_space<vmem_shared>> -> memref<10112x16xf32, #tpu.memory_space<vmem_shared>>
    tpu.enqueue_indirect_dma source(%dma_start3A_48 : memref<1024x16xf32, #tpu.memory_space<vmem>>) target(%dma_start3A_53 : memref<10112x16xf32, #tpu.memory_space<vmem_shared>>) offsets(%dma_start3A_50 : memref<1024xi32, #tpu.memory_space<vmem>>) semaphore(%arg8 : memref<!tpu.dma_semaphore, #tpu.memory_space<semaphore_mem>>) {add = true}
    %dma_start3A_54 = arith.constant 0 : i32
    %dma_start3A_55 = arith.constant 0 : i32
    %dma_start3A_56 = tpu.memref_slice %arg6[%dma_start3A_54, %dma_start3A_55] : memref<1024x16xf32, #tpu.memory_space<vmem>> -> memref<1024x16xf32, #tpu.memory_space<vmem>>
    %dma_start3A_57 = arith.constant 6144 : i32
    %dma_start3A_58 = tpu.memref_slice %arg5[%dma_start3A_57] : memref<11024xi32, #tpu.memory_space<vmem>> -> memref<1024xi32, #tpu.memory_space<vmem>>
    %dma_start3A_59 = arith.constant 0 : i32
    %dma_start3A_60 = arith.constant 0 : i32
    %dma_start3A_61 = tpu.memref_slice %arg7[%dma_start3A_59, %dma_start3A_60] : memref<10112x16xf32, #tpu.memory_space<vmem_shared>> -> memref<10112x16xf32, #tpu.memory_space<vmem_shared>>
    tpu.enqueue_indirect_dma source(%dma_start3A_56 : memref<1024x16xf32, #tpu.memory_space<vmem>>) target(%dma_start3A_61 : memref<10112x16xf32, #tpu.memory_space<vmem_shared>>) offsets(%dma_start3A_58 : memref<1024xi32, #tpu.memory_space<vmem>>) semaphore(%arg8 : memref<!tpu.dma_semaphore, #tpu.memory_space<semaphore_mem>>) {add = true}
    %dma_start3A_62 = arith.constant 0 : i32
    %dma_start3A_63 = arith.constant 0 : i32
    %dma_start3A_64 = tpu.memref_slice %arg6[%dma_start3A_62, %dma_start3A_63] : memref<1024x16xf32, #tpu.memory_space<vmem>> -> memref<1024x16xf32, #tpu.memory_space<vmem>>
    %dma_start3A_65 = arith.constant 7168 : i32
    %dma_start3A_66 = tpu.memref_slice %arg5[%dma_start3A_65] : memref<11024xi32, #tpu.memory_space<vmem>> -> memref<1024xi32, #tpu.memory_space<vmem>>
    %dma_start3A_67 = arith.constant 0 : i32
    %dma_start3A_68 = arith.constant 0 : i32
    %dma_start3A_69 = tpu.memref_slice %arg7[%dma_start3A_67, %dma_start3A_68] : memref<10112x16xf32, #tpu.memory_space<vmem_shared>> -> memref<10112x16xf32, #tpu.memory_space<vmem_shared>>
    tpu.enqueue_indirect_dma source(%dma_start3A_64 : memref<1024x16xf32, #tpu.memory_space<vmem>>) target(%dma_start3A_69 : memref<10112x16xf32, #tpu.memory_space<vmem_shared>>) offsets(%dma_start3A_66 : memref<1024xi32, #tpu.memory_space<vmem>>) semaphore(%arg8 : memref<!tpu.dma_semaphore, #tpu.memory_space<semaphore_mem>>) {add = true}
    %dma_start3A_70 = arith.constant 0 : i32
    %dma_start3A_71 = arith.constant 0 : i32
    %dma_start3A_72 = tpu.memref_slice %arg6[%dma_start3A_70, %dma_start3A_71] : memref<1024x16xf32, #tpu.memory_space<vmem>> -> memref<1024x16xf32, #tpu.memory_space<vmem>>
    %dma_start3A_73 = arith.constant 8192 : i32
    %dma_start3A_74 = tpu.memref_slice %arg5[%dma_start3A_73] : memref<11024xi32, #tpu.memory_space<vmem>> -> memref<1024xi32, #tpu.memory_space<vmem>>
    %dma_start3A_75 = arith.constant 0 : i32
    %dma_start3A_76 = arith.constant 0 : i32
    %dma_start3A_77 = tpu.memref_slice %arg7[%dma_start3A_75, %dma_start3A_76] : memref<10112x16xf32, #tpu.memory_space<vmem_shared>> -> memref<10112x16xf32, #tpu.memory_space<vmem_shared>>
    tpu.enqueue_indirect_dma source(%dma_start3A_72 : memref<1024x16xf32, #tpu.memory_space<vmem>>) target(%dma_start3A_77 : memref<10112x16xf32, #tpu.memory_space<vmem_shared>>) offsets(%dma_start3A_74 : memref<1024xi32, #tpu.memory_space<vmem>>) semaphore(%arg8 : memref<!tpu.dma_semaphore, #tpu.memory_space<semaphore_mem>>) {add = true}
    %dma_start3A_78 = arith.constant 0 : i32
    %dma_start3A_79 = arith.constant 0 : i32
    %dma_start3A_80 = tpu.memref_slice %arg6[%dma_start3A_78, %dma_start3A_79] : memref<1024x16xf32, #tpu.memory_space<vmem>> -> memref<784x16xf32, #tpu.memory_space<vmem>>
    %dma_start3A_81 = arith.constant 9216 : i32
    %dma_start3A_82 = tpu.memref_slice %arg5[%dma_start3A_81] : memref<11024xi32, #tpu.memory_space<vmem>> -> memref<784xi32, #tpu.memory_space<vmem>>
    %dma_start3A_83 = arith.constant 0 : i32
    %dma_start3A_84 = arith.constant 0 : i32
    %dma_start3A_85 = tpu.memref_slice %arg7[%dma_start3A_83, %dma_start3A_84] : memref<10112x16xf32, #tpu.memory_space<vmem_shared>> -> memref<10112x16xf32, #tpu.memory_space<vmem_shared>>
    tpu.enqueue_indirect_dma source(%dma_start3A_80 : memref<784x16xf32, #tpu.memory_space<vmem>>) target(%dma_start3A_85 : memref<10112x16xf32, #tpu.memory_space<vmem_shared>>) offsets(%dma_start3A_82 : memref<784xi32, #tpu.memory_space<vmem>>) semaphore(%arg8 : memref<!tpu.dma_semaphore, #tpu.memory_space<semaphore_mem>>) {add = true}
    %dma_wait3A = arith.constant 0 : i32
    %dma_wait3A_86 = arith.constant 0 : i32
    %dma_wait3A_87 = tpu.memref_slice %arg6[%dma_wait3A, %dma_wait3A_86] : memref<1024x16xf32, #tpu.memory_space<vmem>> -> memref<1024x16xf32, #tpu.memory_space<vmem>>
    %dma_wait3A_88 = arith.constant 0 : i32
    %dma_wait3A_89 = tpu.memref_slice %arg5[%dma_wait3A_88] : memref<11024xi32, #tpu.memory_space<vmem>> -> memref<1024xi32, #tpu.memory_space<vmem>>
    %dma_wait3A_90 = arith.constant 0 : i32
    %dma_wait3A_91 = arith.constant 0 : i32
    %dma_wait3A_92 = tpu.memref_slice %arg7[%dma_wait3A_90, %dma_wait3A_91] : memref<10112x16xf32, #tpu.memory_space<vmem_shared>> -> memref<10112x16xf32, #tpu.memory_space<vmem_shared>>
    tpu.wait_indirect_dma semaphore(%arg8 : memref<!tpu.dma_semaphore, #tpu.memory_space<semaphore_mem>>) src(%dma_wait3A_87 : memref<1024x16xf32, #tpu.memory_space<vmem>>) dst(%dma_wait3A_92 : memref<10112x16xf32, #tpu.memory_space<vmem_shared>>)
    %dma_wait3A_93 = arith.constant 0 : i32
    %dma_wait3A_94 = arith.constant 0 : i32
    %dma_wait3A_95 = tpu.memref_slice %arg6[%dma_wait3A_93, %dma_wait3A_94] : memref<1024x16xf32, #tpu.memory_space<vmem>> -> memref<1024x16xf32, #tpu.memory_space<vmem>>
    %dma_wait3A_96 = arith.constant 1024 : i32
    %dma_wait3A_97 = tpu.memref_slice %arg5[%dma_wait3A_96] : memref<11024xi32, #tpu.memory_space<vmem>> -> memref<1024xi32, #tpu.memory_space<vmem>>
    %dma_wait3A_98 = arith.constant 0 : i32
    %dma_wait3A_99 = arith.constant 0 : i32
    %dma_wait3A_100 = tpu.memref_slice %arg7[%dma_wait3A_98, %dma_wait3A_99] : memref<10112x16xf32, #tpu.memory_space<vmem_shared>> -> memref<10112x16xf32, #tpu.memory_space<vmem_shared>>
    tpu.wait_indirect_dma semaphore(%arg8 : memref<!tpu.dma_semaphore, #tpu.memory_space<semaphore_mem>>) src(%dma_wait3A_95 : memref<1024x16xf32, #tpu.memory_space<vmem>>) dst(%dma_wait3A_100 : memref<10112x16xf32, #tpu.memory_space<vmem_shared>>)
    %dma_wait3A_101 = arith.constant 0 : i32
    %dma_wait3A_102 = arith.constant 0 : i32
    %dma_wait3A_103 = tpu.memref_slice %arg6[%dma_wait3A_101, %dma_wait3A_102] : memref<1024x16xf32, #tpu.memory_space<vmem>> -> memref<1024x16xf32, #tpu.memory_space<vmem>>
    %dma_wait3A_104 = arith.constant 2048 : i32
    %dma_wait3A_105 = tpu.memref_slice %arg5[%dma_wait3A_104] : memref<11024xi32, #tpu.memory_space<vmem>> -> memref<1024xi32, #tpu.memory_space<vmem>>
    %dma_wait3A_106 = arith.constant 0 : i32
    %dma_wait3A_107 = arith.constant 0 : i32
    %dma_wait3A_108 = tpu.memref_slice %arg7[%dma_wait3A_106, %dma_wait3A_107] : memref<10112x16xf32, #tpu.memory_space<vmem_shared>> -> memref<10112x16xf32, #tpu.memory_space<vmem_shared>>
    tpu.wait_indirect_dma semaphore(%arg8 : memref<!tpu.dma_semaphore, #tpu.memory_space<semaphore_mem>>) src(%dma_wait3A_103 : memref<1024x16xf32, #tpu.memory_space<vmem>>) dst(%dma_wait3A_108 : memref<10112x16xf32, #tpu.memory_space<vmem_shared>>)
    %dma_wait3A_109 = arith.constant 0 : i32
    %dma_wait3A_110 = arith.constant 0 : i32
    %dma_wait3A_111 = tpu.memref_slice %arg6[%dma_wait3A_109, %dma_wait3A_110] : memref<1024x16xf32, #tpu.memory_space<vmem>> -> memref<1024x16xf32, #tpu.memory_space<vmem>>
    %dma_wait3A_112 = arith.constant 3072 : i32
    %dma_wait3A_113 = tpu.memref_slice %arg5[%dma_wait3A_112] : memref<11024xi32, #tpu.memory_space<vmem>> -> memref<1024xi32, #tpu.memory_space<vmem>>
    %dma_wait3A_114 = arith.constant 0 : i32
    %dma_wait3A_115 = arith.constant 0 : i32
    %dma_wait3A_116 = tpu.memref_slice %arg7[%dma_wait3A_114, %dma_wait3A_115] : memref<10112x16xf32, #tpu.memory_space<vmem_shared>> -> memref<10112x16xf32, #tpu.memory_space<vmem_shared>>
    tpu.wait_indirect_dma semaphore(%arg8 : memref<!tpu.dma_semaphore, #tpu.memory_space<semaphore_mem>>) src(%dma_wait3A_111 : memref<1024x16xf32, #tpu.memory_space<vmem>>) dst(%dma_wait3A_116 : memref<10112x16xf32, #tpu.memory_space<vmem_shared>>)
    %dma_wait3A_117 = arith.constant 0 : i32
    %dma_wait3A_118 = arith.constant 0 : i32
    %dma_wait3A_119 = tpu.memref_slice %arg6[%dma_wait3A_117, %dma_wait3A_118] : memref<1024x16xf32, #tpu.memory_space<vmem>> -> memref<1024x16xf32, #tpu.memory_space<vmem>>
    %dma_wait3A_120 = arith.constant 4096 : i32
    %dma_wait3A_121 = tpu.memref_slice %arg5[%dma_wait3A_120] : memref<11024xi32, #tpu.memory_space<vmem>> -> memref<1024xi32, #tpu.memory_space<vmem>>
    %dma_wait3A_122 = arith.constant 0 : i32
    %dma_wait3A_123 = arith.constant 0 : i32
    %dma_wait3A_124 = tpu.memref_slice %arg7[%dma_wait3A_122, %dma_wait3A_123] : memref<10112x16xf32, #tpu.memory_space<vmem_shared>> -> memref<10112x16xf32, #tpu.memory_space<vmem_shared>>
    tpu.wait_indirect_dma semaphore(%arg8 : memref<!tpu.dma_semaphore, #tpu.memory_space<semaphore_mem>>) src(%dma_wait3A_119 : memref<1024x16xf32, #tpu.memory_space<vmem>>) dst(%dma_wait3A_124 : memref<10112x16xf32, #tpu.memory_space<vmem_shared>>)
    %dma_wait3A_125 = arith.constant 0 : i32
    %dma_wait3A_126 = arith.constant 0 : i32
    %dma_wait3A_127 = tpu.memref_slice %arg6[%dma_wait3A_125, %dma_wait3A_126] : memref<1024x16xf32, #tpu.memory_space<vmem>> -> memref<1024x16xf32, #tpu.memory_space<vmem>>
    %dma_wait3A_128 = arith.constant 5120 : i32
    %dma_wait3A_129 = tpu.memref_slice %arg5[%dma_wait3A_128] : memref<11024xi32, #tpu.memory_space<vmem>> -> memref<1024xi32, #tpu.memory_space<vmem>>
    %dma_wait3A_130 = arith.constant 0 : i32
    %dma_wait3A_131 = arith.constant 0 : i32
    %dma_wait3A_132 = tpu.memref_slice %arg7[%dma_wait3A_130, %dma_wait3A_131] : memref<10112x16xf32, #tpu.memory_space<vmem_shared>> -> memref<10112x16xf32, #tpu.memory_space<vmem_shared>>
    tpu.wait_indirect_dma semaphore(%arg8 : memref<!tpu.dma_semaphore, #tpu.memory_space<semaphore_mem>>) src(%dma_wait3A_127 : memref<1024x16xf32, #tpu.memory_space<vmem>>) dst(%dma_wait3A_132 : memref<10112x16xf32, #tpu.memory_space<vmem_shared>>)
    %dma_wait3A_133 = arith.constant 0 : i32
    %dma_wait3A_134 = arith.constant 0 : i32
    %dma_wait3A_135 = tpu.memref_slice %arg6[%dma_wait3A_133, %dma_wait3A_134] : memref<1024x16xf32, #tpu.memory_space<vmem>> -> memref<1024x16xf32, #tpu.memory_space<vmem>>
    %dma_wait3A_136 = arith.constant 6144 : i32
    %dma_wait3A_137 = tpu.memref_slice %arg5[%dma_wait3A_136] : memref<11024xi32, #tpu.memory_space<vmem>> -> memref<1024xi32, #tpu.memory_space<vmem>>
    %dma_wait3A_138 = arith.constant 0 : i32
    %dma_wait3A_139 = arith.constant 0 : i32
    %dma_wait3A_140 = tpu.memref_slice %arg7[%dma_wait3A_138, %dma_wait3A_139] : memref<10112x16xf32, #tpu.memory_space<vmem_shared>> -> memref<10112x16xf32, #tpu.memory_space<vmem_shared>>
    tpu.wait_indirect_dma semaphore(%arg8 : memref<!tpu.dma_semaphore, #tpu.memory_space<semaphore_mem>>) src(%dma_wait3A_135 : memref<1024x16xf32, #tpu.memory_space<vmem>>) dst(%dma_wait3A_140 : memref<10112x16xf32, #tpu.memory_space<vmem_shared>>)
    %dma_wait3A_141 = arith.constant 0 : i32
    %dma_wait3A_142 = arith.constant 0 : i32
    %dma_wait3A_143 = tpu.memref_slice %arg6[%dma_wait3A_141, %dma_wait3A_142] : memref<1024x16xf32, #tpu.memory_space<vmem>> -> memref<1024x16xf32, #tpu.memory_space<vmem>>
    %dma_wait3A_144 = arith.constant 7168 : i32
    %dma_wait3A_145 = tpu.memref_slice %arg5[%dma_wait3A_144] : memref<11024xi32, #tpu.memory_space<vmem>> -> memref<1024xi32, #tpu.memory_space<vmem>>
    %dma_wait3A_146 = arith.constant 0 : i32
    %dma_wait3A_147 = arith.constant 0 : i32
    %dma_wait3A_148 = tpu.memref_slice %arg7[%dma_wait3A_146, %dma_wait3A_147] : memref<10112x16xf32, #tpu.memory_space<vmem_shared>> -> memref<10112x16xf32, #tpu.memory_space<vmem_shared>>
    tpu.wait_indirect_dma semaphore(%arg8 : memref<!tpu.dma_semaphore, #tpu.memory_space<semaphore_mem>>) src(%dma_wait3A_143 : memref<1024x16xf32, #tpu.memory_space<vmem>>) dst(%dma_wait3A_148 : memref<10112x16xf32, #tpu.memory_space<vmem_shared>>)
    %dma_wait3A_149 = arith.constant 0 : i32
    %dma_wait3A_150 = arith.constant 0 : i32
    %dma_wait3A_151 = tpu.memref_slice %arg6[%dma_wait3A_149, %dma_wait3A_150] : memref<1024x16xf32, #tpu.memory_space<vmem>> -> memref<1024x16xf32, #tpu.memory_space<vmem>>
    %dma_wait3A_152 = arith.constant 8192 : i32
    %dma_wait3A_153 = tpu.memref_slice %arg5[%dma_wait3A_152] : memref<11024xi32, #tpu.memory_space<vmem>> -> memref<1024xi32, #tpu.memory_space<vmem>>
    %dma_wait3A_154 = arith.constant 0 : i32
    %dma_wait3A_155 = arith.constant 0 : i32
    %dma_wait3A_156 = tpu.memref_slice %arg7[%dma_wait3A_154, %dma_wait3A_155] : memref<10112x16xf32, #tpu.memory_space<vmem_shared>> -> memref<10112x16xf32, #tpu.memory_space<vmem_shared>>
    tpu.wait_indirect_dma semaphore(%arg8 : memref<!tpu.dma_semaphore, #tpu.memory_space<semaphore_mem>>) src(%dma_wait3A_151 : memref<1024x16xf32, #tpu.memory_space<vmem>>) dst(%dma_wait3A_156 : memref<10112x16xf32, #tpu.memory_space<vmem_shared>>)
    %dma_wait3A_157 = arith.constant 0 : i32
    %dma_wait3A_158 = arith.constant 0 : i32
    %dma_wait3A_159 = tpu.memref_slice %arg6[%dma_wait3A_157, %dma_wait3A_158] : memref<1024x16xf32, #tpu.memory_space<vmem>> -> memref<784x16xf32, #tpu.memory_space<vmem>>
    %dma_wait3A_160 = arith.constant 9216 : i32
    %dma_wait3A_161 = tpu.memref_slice %arg5[%dma_wait3A_160] : memref<11024xi32, #tpu.memory_space<vmem>> -> memref<784xi32, #tpu.memory_space<vmem>>
    %dma_wait3A_162 = arith.constant 0 : i32
    %dma_wait3A_163 = arith.constant 0 : i32
    %dma_wait3A_164 = tpu.memref_slice %arg7[%dma_wait3A_162, %dma_wait3A_163] : memref<10112x16xf32, #tpu.memory_space<vmem_shared>> -> memref<10112x16xf32, #tpu.memory_space<vmem_shared>>
    tpu.wait_indirect_dma semaphore(%arg8 : memref<!tpu.dma_semaphore, #tpu.memory_space<semaphore_mem>>) src(%dma_wait3A_159 : memref<784x16xf32, #tpu.memory_space<vmem>>) dst(%dma_wait3A_164 : memref<10112x16xf32, #tpu.memory_space<vmem_shared>>)
    %barrier3A_165 = arith.constant 0 : index
    tpu.barrier barrier_id(%barrier3A_165)
    %mul3A_166 = arith.constant 632 : i32
    %mul3A_167 = arith.muli %arg1, %mul3A_166 : i32
    %mul3A_168 = arith.constant 632 : i32
    %mul3A_169 = arith.muli %arg1, %mul3A_168 : i32
    "tpu.region"() ({
      %run_scoped3A_170 = tpu.sem_alloc : memref<!tpu.dma_semaphore, #tpu.memory_space<semaphore_mem>>
      %dma_start3A_171 = arith.constant 0 : i32
      %dma_start3A_172 = tpu.memref_slice %arg4[%arg0, %mul3A_169, %dma_start3A_171] : memref<2x10112x16xf32, #tpu.memory_space<hbm>> -> memref<1x632x16xf32, #tpu.memory_space<hbm>>
      %dma_start3A_173 = tpu.memref_squeeze %dma_start3A_172 : memref<1x632x16xf32, #tpu.memory_space<hbm>> -> memref<632x16xf32, #tpu.memory_space<hbm>>
      %dma_start3A_174 = arith.constant 0 : i32
      %dma_start3A_175 = tpu.memref_slice %arg7[%mul3A_167, %dma_start3A_174] : memref<10112x16xf32, #tpu.memory_space<vmem_shared>> -> memref<632x16xf32, #tpu.memory_space<vmem_shared>>
      tpu.enqueue_dma source(%dma_start3A_175 : memref<632x16xf32, #tpu.memory_space<vmem_shared>>) target(%dma_start3A_173 : memref<632x16xf32, #tpu.memory_space<hbm>>) target_semaphore(%run_scoped3A_170 : memref<!tpu.dma_semaphore, #tpu.memory_space<semaphore_mem>>)
      %dma_wait3A_176 = arith.constant 0 : i32
      %dma_wait3A_177 = tpu.memref_slice %arg4[%arg0, %mul3A_169, %dma_wait3A_176] : memref<2x10112x16xf32, #tpu.memory_space<hbm>> -> memref<1x632x16xf32, #tpu.memory_space<hbm>>
      %dma_wait3A_178 = tpu.memref_squeeze %dma_wait3A_177 : memref<1x632x16xf32, #tpu.memory_space<hbm>> -> memref<632x16xf32, #tpu.memory_space<hbm>>
      %dma_wait3A_179 = arith.constant 0 : i32
      %dma_wait3A_180 = tpu.memref_slice %arg7[%mul3A_167, %dma_wait3A_179] : memref<10112x16xf32, #tpu.memory_space<vmem_shared>> -> memref<632x16xf32, #tpu.memory_space<vmem_shared>>
      tpu.wait_dma2 semaphore(%run_scoped3A_170 : memref<!tpu.dma_semaphore, #tpu.memory_space<semaphore_mem>>) src(%dma_wait3A_180 : memref<632x16xf32, #tpu.memory_space<vmem_shared>>) dst(%dma_wait3A_178 : memref<632x16xf32, #tpu.memory_space<hbm>>)
      tpu.yield
    }) : () -> ()
    return
  }
}

#map = affine_map<(d0, d1) -> (0, 0)>
#map1 = affine_map<(d0, d1) -> (0, 0, 0)>
#map2 = affine_map<(d0, d1) -> (0)>
module attributes {stable_mosaic.version = 14 : i64} {
  func.func @body(%arg0: i32, %arg1: i32, %arg2: memref<10112x16xf32, #tpu.memory_space<hbm>>, %arg3: memref<10112x16xf32, #tpu.memory_space<hbm>>, %arg4: memref<2x10112x16xf32, #tpu.memory_space<hbm>>, %arg5: memref<2x320000xi32, #tpu.memory_space<hbm>>, %arg6: memref<16xf32, #tpu.memory_space<hbm>>, %arg7: memref<10112x16xf32, #tpu.memory_space<hbm>>, %arg8: memref<2x10112x16xf32, #tpu.memory_space<hbm>>, %arg9: memref<10112x16xf32, #tpu.memory_space<hbm>>, %arg10: memref<11024xi32, #tpu.memory_space<vmem>>, %arg11: memref<11024xi32, #tpu.memory_space<vmem>>, %arg12: memref<1024x16xf32, #tpu.memory_space<vmem>>, %arg13: memref<1024x16xf32, #tpu.memory_space<vmem>>, %arg14: memref<1024x16xf32, #tpu.memory_space<vmem>>, %arg15: memref<1024x16xf32, #tpu.memory_space<vmem>>, %arg16: memref<16xf32, #tpu.memory_space<vmem>>, %arg17: memref<10112x16xf32, #tpu.memory_space<vmem_shared>>, %arg18: memref<10112x16xf32, #tpu.memory_space<vmem_shared>>, %arg19: memref<!tpu.dma_semaphore, #tpu.memory_space<semaphore_mem>>, %arg20: memref<!tpu.dma_semaphore, #tpu.memory_space<semaphore_mem>>, %arg21: memref<!tpu.dma_semaphore, #tpu.memory_space<semaphore_mem>>, %arg22: memref<!tpu.dma_semaphore, #tpu.memory_space<semaphore_mem>>, %arg23: memref<!tpu.dma_semaphore, #tpu.memory_space<semaphore_mem>>, %arg24: memref<!tpu.dma_semaphore, #tpu.memory_space<semaphore_mem>>, %arg25: memref<!tpu.dma_semaphore, #tpu.memory_space<semaphore_mem>>, %arg26: memref<!tpu.dma_semaphore, #tpu.memory_space<semaphore_mem>>) attributes {dimension_semantics = [#tpu.dimension_semantics<core_parallel>, #tpu.dimension_semantics<subcore_parallel>], iteration_bounds = array<i64: 2, 16>, scalar_prefetch = 0 : i64, scratch_operands = 17 : i64, tpu.core_type = #tpu.core_type<sc_vector_subcore>, window_params = [{transform_indices = #map}, {transform_indices = #map}, {transform_indices = #map1}, {transform_indices = #map}, {transform_indices = #map2}, {transform_indices = #map}, {transform_indices = #map1}, {transform_indices = #map}]} {
    %mul3A = arith.constant 16 : i32
    %mul3A_0 = arith.muli %arg0, %mul3A : i32
    %add3A = arith.addi %mul3A_0, %arg1 : i32
    %mul3A_1 = arith.constant 632 : i32
    %mul3A_2 = arith.muli %arg1, %mul3A_1 : i32
    %eq3A = arith.constant 0 : i32
    %eq3A_3 = arith.cmpi eq, %arg1, %eq3A : i32
    %convert_element_type3A = arith.extui %eq3A_3 : i1 to i32
    %cond3A = arith.constant 0 : i32
    %cond3A_4 = arith.cmpi ne, %convert_element_type3A, %cond3A : i32
    scf.if %cond3A_4 {
      "tpu.region"() ({
        %run_scoped3A_340 = tpu.sem_alloc : memref<!tpu.dma_semaphore, #tpu.memory_space<semaphore_mem>>
        tpu.enqueue_dma source(%arg7 : memref<10112x16xf32, #tpu.memory_space<hbm>>) target(%arg17 : memref<10112x16xf32, #tpu.memory_space<vmem_shared>>) target_semaphore(%run_scoped3A_340 : memref<!tpu.dma_semaphore, #tpu.memory_space<semaphore_mem>>)
        tpu.wait_dma2 semaphore(%run_scoped3A_340 : memref<!tpu.dma_semaphore, #tpu.memory_space<semaphore_mem>>) src(%arg7 : memref<10112x16xf32, #tpu.memory_space<hbm>>) dst(%arg17 : memref<10112x16xf32, #tpu.memory_space<vmem_shared>>)
        tpu.yield
      }) : () -> ()
    } else {
    }
    %mul3A_5 = arith.constant 10000 : i32
    %mul3A_6 = arith.muli %add3A, %mul3A_5 : i32
    %run_scoped3A = arith.constant 0 : i32
    "tpu.region"() ({
      %run_scoped3A_340 = tpu.sem_alloc : memref<!tpu.dma_semaphore, #tpu.memory_space<semaphore_mem>>
      %dma_start3A_341 = arith.constant 0 : i32
      %dma_start3A_342 = tpu.memref_slice %arg10[%dma_start3A_341] : memref<11024xi32, #tpu.memory_space<vmem>> -> memref<10000xi32, #tpu.memory_space<vmem>>
      %dma_start3A_343 = tpu.memref_slice %arg5[%run_scoped3A, %mul3A_6] : memref<2x320000xi32, #tpu.memory_space<hbm>> -> memref<1x10000xi32, #tpu.memory_space<hbm>>
      %dma_start3A_344 = tpu.memref_squeeze %dma_start3A_343 : memref<1x10000xi32, #tpu.memory_space<hbm>> -> memref<10000xi32, #tpu.memory_space<hbm>>
      %dma_start3A_345 = arith.constant 0 : i32
      %dma_start3A_346 = tpu.memref_slice %arg10[%dma_start3A_345] : memref<11024xi32, #tpu.memory_space<vmem>> -> memref<10000xi32, #tpu.memory_space<vmem>>
      %dma_start3A_347 = tpu.memref_slice %arg5[%run_scoped3A, %mul3A_6] : memref<2x320000xi32, #tpu.memory_space<hbm>> -> memref<1x10000xi32, #tpu.memory_space<hbm>>
      %dma_start3A_348 = tpu.memref_squeeze %dma_start3A_347 : memref<1x10000xi32, #tpu.memory_space<hbm>> -> memref<10000xi32, #tpu.memory_space<hbm>>
      tpu.enqueue_dma source(%dma_start3A_348 : memref<10000xi32, #tpu.memory_space<hbm>>) target(%dma_start3A_346 : memref<10000xi32, #tpu.memory_space<vmem>>) target_semaphore(%run_scoped3A_340 : memref<!tpu.dma_semaphore, #tpu.memory_space<semaphore_mem>>)
      %dma_wait3A_349 = arith.constant 0 : i32
      %dma_wait3A_350 = tpu.memref_slice %arg10[%dma_wait3A_349] : memref<11024xi32, #tpu.memory_space<vmem>> -> memref<10000xi32, #tpu.memory_space<vmem>>
      %dma_wait3A_351 = tpu.memref_slice %arg5[%run_scoped3A, %mul3A_6] : memref<2x320000xi32, #tpu.memory_space<hbm>> -> memref<1x10000xi32, #tpu.memory_space<hbm>>
      %dma_wait3A_352 = tpu.memref_squeeze %dma_wait3A_351 : memref<1x10000xi32, #tpu.memory_space<hbm>> -> memref<10000xi32, #tpu.memory_space<hbm>>
      %dma_wait3A_353 = arith.constant 0 : i32
      %dma_wait3A_354 = tpu.memref_slice %arg10[%dma_wait3A_353] : memref<11024xi32, #tpu.memory_space<vmem>> -> memref<10000xi32, #tpu.memory_space<vmem>>
      %dma_wait3A_355 = tpu.memref_slice %arg5[%run_scoped3A, %mul3A_6] : memref<2x320000xi32, #tpu.memory_space<hbm>> -> memref<1x10000xi32, #tpu.memory_space<hbm>>
      %dma_wait3A_356 = tpu.memref_squeeze %dma_wait3A_355 : memref<1x10000xi32, #tpu.memory_space<hbm>> -> memref<10000xi32, #tpu.memory_space<hbm>>
      tpu.wait_dma2 semaphore(%run_scoped3A_340 : memref<!tpu.dma_semaphore, #tpu.memory_space<semaphore_mem>>) src(%dma_wait3A_356 : memref<10000xi32, #tpu.memory_space<hbm>>) dst(%dma_wait3A_354 : memref<10000xi32, #tpu.memory_space<vmem>>)
      tpu.yield
    }) : () -> ()
    %mul3A_7 = arith.constant 10000 : i32
    %mul3A_8 = arith.muli %add3A, %mul3A_7 : i32
    %run_scoped3A_9 = arith.constant 1 : i32
    "tpu.region"() ({
      %run_scoped3A_340 = tpu.sem_alloc : memref<!tpu.dma_semaphore, #tpu.memory_space<semaphore_mem>>
      %dma_start3A_341 = arith.constant 0 : i32
      %dma_start3A_342 = tpu.memref_slice %arg11[%dma_start3A_341] : memref<11024xi32, #tpu.memory_space<vmem>> -> memref<10000xi32, #tpu.memory_space<vmem>>
      %dma_start3A_343 = tpu.memref_slice %arg5[%run_scoped3A_9, %mul3A_8] : memref<2x320000xi32, #tpu.memory_space<hbm>> -> memref<1x10000xi32, #tpu.memory_space<hbm>>
      %dma_start3A_344 = tpu.memref_squeeze %dma_start3A_343 : memref<1x10000xi32, #tpu.memory_space<hbm>> -> memref<10000xi32, #tpu.memory_space<hbm>>
      %dma_start3A_345 = arith.constant 0 : i32
      %dma_start3A_346 = tpu.memref_slice %arg11[%dma_start3A_345] : memref<11024xi32, #tpu.memory_space<vmem>> -> memref<10000xi32, #tpu.memory_space<vmem>>
      %dma_start3A_347 = tpu.memref_slice %arg5[%run_scoped3A_9, %mul3A_8] : memref<2x320000xi32, #tpu.memory_space<hbm>> -> memref<1x10000xi32, #tpu.memory_space<hbm>>
      %dma_start3A_348 = tpu.memref_squeeze %dma_start3A_347 : memref<1x10000xi32, #tpu.memory_space<hbm>> -> memref<10000xi32, #tpu.memory_space<hbm>>
      tpu.enqueue_dma source(%dma_start3A_348 : memref<10000xi32, #tpu.memory_space<hbm>>) target(%dma_start3A_346 : memref<10000xi32, #tpu.memory_space<vmem>>) target_semaphore(%run_scoped3A_340 : memref<!tpu.dma_semaphore, #tpu.memory_space<semaphore_mem>>)
      %dma_wait3A_349 = arith.constant 0 : i32
      %dma_wait3A_350 = tpu.memref_slice %arg11[%dma_wait3A_349] : memref<11024xi32, #tpu.memory_space<vmem>> -> memref<10000xi32, #tpu.memory_space<vmem>>
      %dma_wait3A_351 = tpu.memref_slice %arg5[%run_scoped3A_9, %mul3A_8] : memref<2x320000xi32, #tpu.memory_space<hbm>> -> memref<1x10000xi32, #tpu.memory_space<hbm>>
      %dma_wait3A_352 = tpu.memref_squeeze %dma_wait3A_351 : memref<1x10000xi32, #tpu.memory_space<hbm>> -> memref<10000xi32, #tpu.memory_space<hbm>>
      %dma_wait3A_353 = arith.constant 0 : i32
      %dma_wait3A_354 = tpu.memref_slice %arg11[%dma_wait3A_353] : memref<11024xi32, #tpu.memory_space<vmem>> -> memref<10000xi32, #tpu.memory_space<vmem>>
      %dma_wait3A_355 = tpu.memref_slice %arg5[%run_scoped3A_9, %mul3A_8] : memref<2x320000xi32, #tpu.memory_space<hbm>> -> memref<1x10000xi32, #tpu.memory_space<hbm>>
      %dma_wait3A_356 = tpu.memref_squeeze %dma_wait3A_355 : memref<1x10000xi32, #tpu.memory_space<hbm>> -> memref<10000xi32, #tpu.memory_space<hbm>>
      tpu.wait_dma2 semaphore(%run_scoped3A_340 : memref<!tpu.dma_semaphore, #tpu.memory_space<semaphore_mem>>) src(%dma_wait3A_356 : memref<10000xi32, #tpu.memory_space<hbm>>) dst(%dma_wait3A_354 : memref<10000xi32, #tpu.memory_space<vmem>>)
      tpu.yield
    }) : () -> ()
    %run_scoped3A_10 = arith.constant 0 : i32
    "tpu.region"() ({
      %run_scoped3A_340 = tpu.sem_alloc : memref<!tpu.dma_semaphore, #tpu.memory_space<semaphore_mem>>
      %dma_start3A_341 = arith.constant 0 : i32
      %dma_start3A_342 = arith.constant 0 : i32
      %dma_start3A_343 = tpu.memref_slice %arg12[%dma_start3A_341, %dma_start3A_342] : memref<1024x16xf32, #tpu.memory_space<vmem>> -> memref<632x16xf32, #tpu.memory_space<vmem>>
      %dma_start3A_344 = arith.constant 0 : i32
      %dma_start3A_345 = tpu.memref_slice %arg4[%run_scoped3A_10, %mul3A_2, %dma_start3A_344] : memref<2x10112x16xf32, #tpu.memory_space<hbm>> -> memref<1x632x16xf32, #tpu.memory_space<hbm>>
      %dma_start3A_346 = tpu.memref_squeeze %dma_start3A_345 : memref<1x632x16xf32, #tpu.memory_space<hbm>> -> memref<632x16xf32, #tpu.memory_space<hbm>>
      %dma_start3A_347 = arith.constant 0 : i32
      %dma_start3A_348 = arith.constant 0 : i32
      %dma_start3A_349 = tpu.memref_slice %arg12[%dma_start3A_347, %dma_start3A_348] : memref<1024x16xf32, #tpu.memory_space<vmem>> -> memref<632x16xf32, #tpu.memory_space<vmem>>
      %dma_start3A_350 = arith.constant 0 : i32
      %dma_start3A_351 = tpu.memref_slice %arg4[%run_scoped3A_10, %mul3A_2, %dma_start3A_350] : memref<2x10112x16xf32, #tpu.memory_space<hbm>> -> memref<1x632x16xf32, #tpu.memory_space<hbm>>
      %dma_start3A_352 = tpu.memref_squeeze %dma_start3A_351 : memref<1x632x16xf32, #tpu.memory_space<hbm>> -> memref<632x16xf32, #tpu.memory_space<hbm>>
      tpu.enqueue_dma source(%dma_start3A_352 : memref<632x16xf32, #tpu.memory_space<hbm>>) target(%dma_start3A_349 : memref<632x16xf32, #tpu.memory_space<vmem>>) target_semaphore(%run_scoped3A_340 : memref<!tpu.dma_semaphore, #tpu.memory_space<semaphore_mem>>)
      %dma_wait3A_353 = arith.constant 0 : i32
      %dma_wait3A_354 = arith.constant 0 : i32
      %dma_wait3A_355 = tpu.memref_slice %arg12[%dma_wait3A_353, %dma_wait3A_354] : memref<1024x16xf32, #tpu.memory_space<vmem>> -> memref<632x16xf32, #tpu.memory_space<vmem>>
      %dma_wait3A_356 = arith.constant 0 : i32
      %dma_wait3A_357 = tpu.memref_slice %arg4[%run_scoped3A_10, %mul3A_2, %dma_wait3A_356] : memref<2x10112x16xf32, #tpu.memory_space<hbm>> -> memref<1x632x16xf32, #tpu.memory_space<hbm>>
      %dma_wait3A_358 = tpu.memref_squeeze %dma_wait3A_357 : memref<1x632x16xf32, #tpu.memory_space<hbm>> -> memref<632x16xf32, #tpu.memory_space<hbm>>
      %dma_wait3A_359 = arith.constant 0 : i32
      %dma_wait3A_360 = arith.constant 0 : i32
      %dma_wait3A_361 = tpu.memref_slice %arg12[%dma_wait3A_359, %dma_wait3A_360] : memref<1024x16xf32, #tpu.memory_space<vmem>> -> memref<632x16xf32, #tpu.memory_space<vmem>>
      %dma_wait3A_362 = arith.constant 0 : i32
      %dma_wait3A_363 = tpu.memref_slice %arg4[%run_scoped3A_10, %mul3A_2, %dma_wait3A_362] : memref<2x10112x16xf32, #tpu.memory_space<hbm>> -> memref<1x632x16xf32, #tpu.memory_space<hbm>>
      %dma_wait3A_364 = tpu.memref_squeeze %dma_wait3A_363 : memref<1x632x16xf32, #tpu.memory_space<hbm>> -> memref<632x16xf32, #tpu.memory_space<hbm>>
      tpu.wait_dma2 semaphore(%run_scoped3A_340 : memref<!tpu.dma_semaphore, #tpu.memory_space<semaphore_mem>>) src(%dma_wait3A_364 : memref<632x16xf32, #tpu.memory_space<hbm>>) dst(%dma_wait3A_361 : memref<632x16xf32, #tpu.memory_space<vmem>>)
      tpu.yield
    }) : () -> ()
    %run_scoped3A_11 = arith.constant 1 : i32
    "tpu.region"() ({
      %run_scoped3A_340 = tpu.sem_alloc : memref<!tpu.dma_semaphore, #tpu.memory_space<semaphore_mem>>
      %dma_start3A_341 = arith.constant 0 : i32
      %dma_start3A_342 = arith.constant 0 : i32
      %dma_start3A_343 = tpu.memref_slice %arg13[%dma_start3A_341, %dma_start3A_342] : memref<1024x16xf32, #tpu.memory_space<vmem>> -> memref<632x16xf32, #tpu.memory_space<vmem>>
      %dma_start3A_344 = arith.constant 0 : i32
      %dma_start3A_345 = tpu.memref_slice %arg4[%run_scoped3A_11, %mul3A_2, %dma_start3A_344] : memref<2x10112x16xf32, #tpu.memory_space<hbm>> -> memref<1x632x16xf32, #tpu.memory_space<hbm>>
      %dma_start3A_346 = tpu.memref_squeeze %dma_start3A_345 : memref<1x632x16xf32, #tpu.memory_space<hbm>> -> memref<632x16xf32, #tpu.memory_space<hbm>>
      %dma_start3A_347 = arith.constant 0 : i32
      %dma_start3A_348 = arith.constant 0 : i32
      %dma_start3A_349 = tpu.memref_slice %arg13[%dma_start3A_347, %dma_start3A_348] : memref<1024x16xf32, #tpu.memory_space<vmem>> -> memref<632x16xf32, #tpu.memory_space<vmem>>
      %dma_start3A_350 = arith.constant 0 : i32
      %dma_start3A_351 = tpu.memref_slice %arg4[%run_scoped3A_11, %mul3A_2, %dma_start3A_350] : memref<2x10112x16xf32, #tpu.memory_space<hbm>> -> memref<1x632x16xf32, #tpu.memory_space<hbm>>
      %dma_start3A_352 = tpu.memref_squeeze %dma_start3A_351 : memref<1x632x16xf32, #tpu.memory_space<hbm>> -> memref<632x16xf32, #tpu.memory_space<hbm>>
      tpu.enqueue_dma source(%dma_start3A_352 : memref<632x16xf32, #tpu.memory_space<hbm>>) target(%dma_start3A_349 : memref<632x16xf32, #tpu.memory_space<vmem>>) target_semaphore(%run_scoped3A_340 : memref<!tpu.dma_semaphore, #tpu.memory_space<semaphore_mem>>)
      %dma_wait3A_353 = arith.constant 0 : i32
      %dma_wait3A_354 = arith.constant 0 : i32
      %dma_wait3A_355 = tpu.memref_slice %arg13[%dma_wait3A_353, %dma_wait3A_354] : memref<1024x16xf32, #tpu.memory_space<vmem>> -> memref<632x16xf32, #tpu.memory_space<vmem>>
      %dma_wait3A_356 = arith.constant 0 : i32
      %dma_wait3A_357 = tpu.memref_slice %arg4[%run_scoped3A_11, %mul3A_2, %dma_wait3A_356] : memref<2x10112x16xf32, #tpu.memory_space<hbm>> -> memref<1x632x16xf32, #tpu.memory_space<hbm>>
      %dma_wait3A_358 = tpu.memref_squeeze %dma_wait3A_357 : memref<1x632x16xf32, #tpu.memory_space<hbm>> -> memref<632x16xf32, #tpu.memory_space<hbm>>
      %dma_wait3A_359 = arith.constant 0 : i32
      %dma_wait3A_360 = arith.constant 0 : i32
      %dma_wait3A_361 = tpu.memref_slice %arg13[%dma_wait3A_359, %dma_wait3A_360] : memref<1024x16xf32, #tpu.memory_space<vmem>> -> memref<632x16xf32, #tpu.memory_space<vmem>>
      %dma_wait3A_362 = arith.constant 0 : i32
      %dma_wait3A_363 = tpu.memref_slice %arg4[%run_scoped3A_11, %mul3A_2, %dma_wait3A_362] : memref<2x10112x16xf32, #tpu.memory_space<hbm>> -> memref<1x632x16xf32, #tpu.memory_space<hbm>>
      %dma_wait3A_364 = tpu.memref_squeeze %dma_wait3A_363 : memref<1x632x16xf32, #tpu.memory_space<hbm>> -> memref<632x16xf32, #tpu.memory_space<hbm>>
      tpu.wait_dma2 semaphore(%run_scoped3A_340 : memref<!tpu.dma_semaphore, #tpu.memory_space<semaphore_mem>>) src(%dma_wait3A_364 : memref<632x16xf32, #tpu.memory_space<hbm>>) dst(%dma_wait3A_361 : memref<632x16xf32, #tpu.memory_space<vmem>>)
      tpu.yield
    }) : () -> ()
    "tpu.region"() ({
      %run_scoped3A_340 = tpu.sem_alloc : memref<!tpu.dma_semaphore, #tpu.memory_space<semaphore_mem>>
      %dma_start3A_341 = arith.constant 0 : i32
      %dma_start3A_342 = arith.constant 0 : i32
      %dma_start3A_343 = tpu.memref_slice %arg14[%dma_start3A_341, %dma_start3A_342] : memref<1024x16xf32, #tpu.memory_space<vmem>> -> memref<632x16xf32, #tpu.memory_space<vmem>>
      %dma_start3A_344 = arith.constant 0 : i32
      %dma_start3A_345 = tpu.memref_slice %arg2[%mul3A_2, %dma_start3A_344] : memref<10112x16xf32, #tpu.memory_space<hbm>> -> memref<632x16xf32, #tpu.memory_space<hbm>>
      %dma_start3A_346 = arith.constant 0 : i32
      %dma_start3A_347 = arith.constant 0 : i32
      %dma_start3A_348 = tpu.memref_slice %arg14[%dma_start3A_346, %dma_start3A_347] : memref<1024x16xf32, #tpu.memory_space<vmem>> -> memref<632x16xf32, #tpu.memory_space<vmem>>
      %dma_start3A_349 = arith.constant 0 : i32
      %dma_start3A_350 = tpu.memref_slice %arg2[%mul3A_2, %dma_start3A_349] : memref<10112x16xf32, #tpu.memory_space<hbm>> -> memref<632x16xf32, #tpu.memory_space<hbm>>
      tpu.enqueue_dma source(%dma_start3A_350 : memref<632x16xf32, #tpu.memory_space<hbm>>) target(%dma_start3A_348 : memref<632x16xf32, #tpu.memory_space<vmem>>) target_semaphore(%run_scoped3A_340 : memref<!tpu.dma_semaphore, #tpu.memory_space<semaphore_mem>>)
      %dma_wait3A_351 = arith.constant 0 : i32
      %dma_wait3A_352 = arith.constant 0 : i32
      %dma_wait3A_353 = tpu.memref_slice %arg14[%dma_wait3A_351, %dma_wait3A_352] : memref<1024x16xf32, #tpu.memory_space<vmem>> -> memref<632x16xf32, #tpu.memory_space<vmem>>
      %dma_wait3A_354 = arith.constant 0 : i32
      %dma_wait3A_355 = tpu.memref_slice %arg2[%mul3A_2, %dma_wait3A_354] : memref<10112x16xf32, #tpu.memory_space<hbm>> -> memref<632x16xf32, #tpu.memory_space<hbm>>
      %dma_wait3A_356 = arith.constant 0 : i32
      %dma_wait3A_357 = arith.constant 0 : i32
      %dma_wait3A_358 = tpu.memref_slice %arg14[%dma_wait3A_356, %dma_wait3A_357] : memref<1024x16xf32, #tpu.memory_space<vmem>> -> memref<632x16xf32, #tpu.memory_space<vmem>>
      %dma_wait3A_359 = arith.constant 0 : i32
      %dma_wait3A_360 = tpu.memref_slice %arg2[%mul3A_2, %dma_wait3A_359] : memref<10112x16xf32, #tpu.memory_space<hbm>> -> memref<632x16xf32, #tpu.memory_space<hbm>>
      tpu.wait_dma2 semaphore(%run_scoped3A_340 : memref<!tpu.dma_semaphore, #tpu.memory_space<semaphore_mem>>) src(%dma_wait3A_360 : memref<632x16xf32, #tpu.memory_space<hbm>>) dst(%dma_wait3A_358 : memref<632x16xf32, #tpu.memory_space<vmem>>)
      tpu.yield
    }) : () -> ()
    "tpu.region"() ({
      %run_scoped3A_340 = tpu.sem_alloc : memref<!tpu.dma_semaphore, #tpu.memory_space<semaphore_mem>>
      %dma_start3A_341 = arith.constant 0 : i32
      %dma_start3A_342 = arith.constant 0 : i32
      %dma_start3A_343 = tpu.memref_slice %arg15[%dma_start3A_341, %dma_start3A_342] : memref<1024x16xf32, #tpu.memory_space<vmem>> -> memref<632x16xf32, #tpu.memory_space<vmem>>
      %dma_start3A_344 = arith.constant 0 : i32
      %dma_start3A_345 = tpu.memref_slice %arg3[%mul3A_2, %dma_start3A_344] : memref<10112x16xf32, #tpu.memory_space<hbm>> -> memref<632x16xf32, #tpu.memory_space<hbm>>
      %dma_start3A_346 = arith.constant 0 : i32
      %dma_start3A_347 = arith.constant 0 : i32
      %dma_start3A_348 = tpu.memref_slice %arg15[%dma_start3A_346, %dma_start3A_347] : memref<1024x16xf32, #tpu.memory_space<vmem>> -> memref<632x16xf32, #tpu.memory_space<vmem>>
      %dma_start3A_349 = arith.constant 0 : i32
      %dma_start3A_350 = tpu.memref_slice %arg3[%mul3A_2, %dma_start3A_349] : memref<10112x16xf32, #tpu.memory_space<hbm>> -> memref<632x16xf32, #tpu.memory_space<hbm>>
      tpu.enqueue_dma source(%dma_start3A_350 : memref<632x16xf32, #tpu.memory_space<hbm>>) target(%dma_start3A_348 : memref<632x16xf32, #tpu.memory_space<vmem>>) target_semaphore(%run_scoped3A_340 : memref<!tpu.dma_semaphore, #tpu.memory_space<semaphore_mem>>)
      %dma_wait3A_351 = arith.constant 0 : i32
      %dma_wait3A_352 = arith.constant 0 : i32
      %dma_wait3A_353 = tpu.memref_slice %arg15[%dma_wait3A_351, %dma_wait3A_352] : memref<1024x16xf32, #tpu.memory_space<vmem>> -> memref<632x16xf32, #tpu.memory_space<vmem>>
      %dma_wait3A_354 = arith.constant 0 : i32
      %dma_wait3A_355 = tpu.memref_slice %arg3[%mul3A_2, %dma_wait3A_354] : memref<10112x16xf32, #tpu.memory_space<hbm>> -> memref<632x16xf32, #tpu.memory_space<hbm>>
      %dma_wait3A_356 = arith.constant 0 : i32
      %dma_wait3A_357 = arith.constant 0 : i32
      %dma_wait3A_358 = tpu.memref_slice %arg15[%dma_wait3A_356, %dma_wait3A_357] : memref<1024x16xf32, #tpu.memory_space<vmem>> -> memref<632x16xf32, #tpu.memory_space<vmem>>
      %dma_wait3A_359 = arith.constant 0 : i32
      %dma_wait3A_360 = tpu.memref_slice %arg3[%mul3A_2, %dma_wait3A_359] : memref<10112x16xf32, #tpu.memory_space<hbm>> -> memref<632x16xf32, #tpu.memory_space<hbm>>
      tpu.wait_dma2 semaphore(%run_scoped3A_340 : memref<!tpu.dma_semaphore, #tpu.memory_space<semaphore_mem>>) src(%dma_wait3A_360 : memref<632x16xf32, #tpu.memory_space<hbm>>) dst(%dma_wait3A_358 : memref<632x16xf32, #tpu.memory_space<vmem>>)
      tpu.yield
    }) : () -> ()
    "tpu.region"() ({
      %run_scoped3A_340 = tpu.sem_alloc : memref<!tpu.dma_semaphore, #tpu.memory_space<semaphore_mem>>
      tpu.enqueue_dma source(%arg6 : memref<16xf32, #tpu.memory_space<hbm>>) target(%arg16 : memref<16xf32, #tpu.memory_space<vmem>>) target_semaphore(%run_scoped3A_340 : memref<!tpu.dma_semaphore, #tpu.memory_space<semaphore_mem>>)
      tpu.wait_dma2 semaphore(%run_scoped3A_340 : memref<!tpu.dma_semaphore, #tpu.memory_space<semaphore_mem>>) src(%arg6 : memref<16xf32, #tpu.memory_space<hbm>>) dst(%arg16 : memref<16xf32, #tpu.memory_space<vmem>>)
      tpu.yield
    }) : () -> ()
    %get3A = arith.constant 0 : index
    %get3A_12 = tpu.vector_load %arg16[%get3A] {strides = array<i32>} : memref<16xf32, #tpu.memory_space<vmem>>, vector<16xf32>,
    %get3A_13 = vector.shape_cast %get3A_12 : vector<16xf32> to vector<16xf32>
    %parallel_loop3A = arith.constant 0 : i32
    %parallel_loop3A_14 = arith.constant 632 : i32
    %parallel_loop3A_15 = arith.constant 1 : i32
    scf.for %parallel_loop3A_340 = %parallel_loop3A to %parallel_loop3A_14 step %parallel_loop3A_15  : i32 {
      %parallel_loop3A_341 = arith.index_cast %parallel_loop3A_340 : i32 to index
      %parallel_loop3A_342 = arith.constant 0 : index
      %parallel_loop3A_343 = tpu.vector_load %arg15[%parallel_loop3A_341, %parallel_loop3A_342] {strides = array<i32>} : memref<1024x16xf32, #tpu.memory_space<vmem>>, vector<1x16xf32>,
      %parallel_loop3A_344 = vector.shape_cast %parallel_loop3A_343 : vector<1x16xf32> to vector<16xf32>
      %parallel_loop3A_345 = arith.index_cast %parallel_loop3A_340 : i32 to index
      %parallel_loop3A_346 = arith.constant 0 : index
      %parallel_loop3A_347 = tpu.vector_load %arg14[%parallel_loop3A_345, %parallel_loop3A_346] {strides = array<i32>} : memref<1024x16xf32, #tpu.memory_space<vmem>>, vector<1x16xf32>,
      %parallel_loop3A_348 = vector.shape_cast %parallel_loop3A_347 : vector<1x16xf32> to vector<16xf32>
      %parallel_loop3A_349 = arith.mulf %parallel_loop3A_344, %parallel_loop3A_348 : vector<16xf32>
      %parallel_loop3A_350 = arith.index_cast %parallel_loop3A_340 : i32 to index
      %parallel_loop3A_351 = arith.constant 0 : index
      %parallel_loop3A_352 = tpu.vector_load %arg12[%parallel_loop3A_350, %parallel_loop3A_351] {strides = array<i32>} : memref<1024x16xf32, #tpu.memory_space<vmem>>, vector<1x16xf32>,
      %parallel_loop3A_353 = vector.shape_cast %parallel_loop3A_352 : vector<1x16xf32> to vector<16xf32>
      %parallel_loop3A_354 = arith.index_cast %parallel_loop3A_340 : i32 to index
      %parallel_loop3A_355 = arith.constant 0 : index
      %parallel_loop3A_356 = tpu.vector_load %arg13[%parallel_loop3A_354, %parallel_loop3A_355] {strides = array<i32>} : memref<1024x16xf32, #tpu.memory_space<vmem>>, vector<1x16xf32>,
      %parallel_loop3A_357 = vector.shape_cast %parallel_loop3A_356 : vector<1x16xf32> to vector<16xf32>
      %parallel_loop3A_358 = arith.addf %parallel_loop3A_353, %parallel_loop3A_357 : vector<16xf32>
      %parallel_loop3A_359 = arith.addf %parallel_loop3A_358, %parallel_loop3A_349 : vector<16xf32>
      %parallel_loop3A_360 = arith.mulf %parallel_loop3A_344, %parallel_loop3A_359 : vector<16xf32>
      %parallel_loop3A_361 = arith.addf %parallel_loop3A_360, %get3A_13 : vector<16xf32>
      %parallel_loop3A_362 = arith.constant 0.000000e+00 : f32
      %parallel_loop3A_363 = vector.broadcast %parallel_loop3A_362 : f32 to vector<16xf32>
      %parallel_loop3A_364 = arith.maximumf %parallel_loop3A_361, %parallel_loop3A_363 : vector<16xf32>
      %parallel_loop3A_365 = arith.mulf %parallel_loop3A_344, %parallel_loop3A_364 : vector<16xf32>
      %parallel_loop3A_366 = arith.index_cast %parallel_loop3A_340 : i32 to index
      %parallel_loop3A_367 = arith.constant 0 : index
      %parallel_loop3A_368 = tpu.vector_load %arg14[%parallel_loop3A_366, %parallel_loop3A_367] {strides = array<i32>} : memref<1024x16xf32, #tpu.memory_space<vmem>>, vector<1x16xf32>,
      %parallel_loop3A_369 = vector.shape_cast %parallel_loop3A_368 : vector<1x16xf32> to vector<16xf32>
      %parallel_loop3A_370 = vector.shape_cast %parallel_loop3A_365 : vector<16xf32> to vector<1x16xf32>
      tpu.vector_store %arg14[%parallel_loop3A_366, %parallel_loop3A_367], %parallel_loop3A_370 {strides = array<i32>} : memref<1024x16xf32, #tpu.memory_space<vmem>>, vector<1x16xf32>,
    } {sc.loop_unroll_factor = 8 : i64, sc.parallel_access}
    "tpu.region"() ({
      %run_scoped3A_340 = tpu.sem_alloc : memref<!tpu.dma_semaphore, #tpu.memory_space<semaphore_mem>>
      %dma_start3A_341 = arith.constant 0 : i32
      %dma_start3A_342 = arith.constant 0 : i32
      %dma_start3A_343 = tpu.memref_slice %arg14[%dma_start3A_341, %dma_start3A_342] : memref<1024x16xf32, #tpu.memory_space<vmem>> -> memref<632x16xf32, #tpu.memory_space<vmem>>
      %dma_start3A_344 = arith.constant 0 : i32
      %dma_start3A_345 = tpu.memref_slice %arg18[%mul3A_2, %dma_start3A_344] : memref<10112x16xf32, #tpu.memory_space<vmem_shared>> -> memref<632x16xf32, #tpu.memory_space<vmem_shared>>
      %dma_start3A_346 = arith.constant 0 : i32
      %dma_start3A_347 = tpu.memref_slice %arg18[%mul3A_2, %dma_start3A_346] : memref<10112x16xf32, #tpu.memory_space<vmem_shared>> -> memref<632x16xf32, #tpu.memory_space<vmem_shared>>
      %dma_start3A_348 = arith.constant 0 : i32
      %dma_start3A_349 = arith.constant 0 : i32
      %dma_start3A_350 = tpu.memref_slice %arg14[%dma_start3A_348, %dma_start3A_349] : memref<1024x16xf32, #tpu.memory_space<vmem>> -> memref<632x16xf32, #tpu.memory_space<vmem>>
      tpu.enqueue_dma source(%dma_start3A_350 : memref<632x16xf32, #tpu.memory_space<vmem>>) target(%dma_start3A_347 : memref<632x16xf32, #tpu.memory_space<vmem_shared>>) target_semaphore(%run_scoped3A_340 : memref<!tpu.dma_semaphore, #tpu.memory_space<semaphore_mem>>)
      %dma_wait3A_351 = arith.constant 0 : i32
      %dma_wait3A_352 = arith.constant 0 : i32
      %dma_wait3A_353 = tpu.memref_slice %arg14[%dma_wait3A_351, %dma_wait3A_352] : memref<1024x16xf32, #tpu.memory_space<vmem>> -> memref<632x16xf32, #tpu.memory_space<vmem>>
      %dma_wait3A_354 = arith.constant 0 : i32
      %dma_wait3A_355 = tpu.memref_slice %arg18[%mul3A_2, %dma_wait3A_354] : memref<10112x16xf32, #tpu.memory_space<vmem_shared>> -> memref<632x16xf32, #tpu.memory_space<vmem_shared>>
      %dma_wait3A_356 = arith.constant 0 : i32
      %dma_wait3A_357 = tpu.memref_slice %arg18[%mul3A_2, %dma_wait3A_356] : memref<10112x16xf32, #tpu.memory_space<vmem_shared>> -> memref<632x16xf32, #tpu.memory_space<vmem_shared>>
      %dma_wait3A_358 = arith.constant 0 : i32
      %dma_wait3A_359 = arith.constant 0 : i32
      %dma_wait3A_360 = tpu.memref_slice %arg14[%dma_wait3A_358, %dma_wait3A_359] : memref<1024x16xf32, #tpu.memory_space<vmem>> -> memref<632x16xf32, #tpu.memory_space<vmem>>
      tpu.wait_dma2 semaphore(%run_scoped3A_340 : memref<!tpu.dma_semaphore, #tpu.memory_space<semaphore_mem>>) src(%dma_wait3A_360 : memref<632x16xf32, #tpu.memory_space<vmem>>) dst(%dma_wait3A_357 : memref<632x16xf32, #tpu.memory_space<vmem_shared>>)
      tpu.yield
    }) : () -> ()
    %eq3A_16 = arith.constant 0 : i32
    %eq3A_17 = arith.cmpi eq, %arg0, %eq3A_16 : i32
    %convert_element_type3A_18 = arith.extui %eq3A_17 : i1 to i32
    %cond3A_19 = arith.constant 0 : i32
    %cond3A_20 = arith.cmpi ne, %convert_element_type3A_18, %cond3A_19 : i32
    scf.if %cond3A_20 {
      "tpu.region"() ({
        %run_scoped3A_340 = tpu.sem_alloc : memref<!tpu.dma_semaphore, #tpu.memory_space<semaphore_mem>>
        %dma_start3A_341 = arith.constant 0 : i32
        %dma_start3A_342 = arith.constant 0 : i32
        %dma_start3A_343 = tpu.memref_slice %arg14[%dma_start3A_341, %dma_start3A_342] : memref<1024x16xf32, #tpu.memory_space<vmem>> -> memref<632x16xf32, #tpu.memory_space<vmem>>
        %dma_start3A_344 = arith.constant 0 : i32
        %dma_start3A_345 = tpu.memref_slice %arg9[%mul3A_2, %dma_start3A_344] : memref<10112x16xf32, #tpu.memory_space<hbm>> -> memref<632x16xf32, #tpu.memory_space<hbm>>
        %dma_start3A_346 = arith.constant 0 : i32
        %dma_start3A_347 = tpu.memref_slice %arg9[%mul3A_2, %dma_start3A_346] : memref<10112x16xf32, #tpu.memory_space<hbm>> -> memref<632x16xf32, #tpu.memory_space<hbm>>
        %dma_start3A_348 = arith.constant 0 : i32
        %dma_start3A_349 = arith.constant 0 : i32
        %dma_start3A_350 = tpu.memref_slice %arg14[%dma_start3A_348, %dma_start3A_349] : memref<1024x16xf32, #tpu.memory_space<vmem>> -> memref<632x16xf32, #tpu.memory_space<vmem>>
        tpu.enqueue_dma source(%dma_start3A_350 : memref<632x16xf32, #tpu.memory_space<vmem>>) target(%dma_start3A_347 : memref<632x16xf32, #tpu.memory_space<hbm>>) target_semaphore(%run_scoped3A_340 : memref<!tpu.dma_semaphore, #tpu.memory_space<semaphore_mem>>)
        %dma_wait3A_351 = arith.constant 0 : i32
        %dma_wait3A_352 = arith.constant 0 : i32
        %dma_wait3A_353 = tpu.memref_slice %arg14[%dma_wait3A_351, %dma_wait3A_352] : memref<1024x16xf32, #tpu.memory_space<vmem>> -> memref<632x16xf32, #tpu.memory_space<vmem>>
        %dma_wait3A_354 = arith.constant 0 : i32
        %dma_wait3A_355 = tpu.memref_slice %arg9[%mul3A_2, %dma_wait3A_354] : memref<10112x16xf32, #tpu.memory_space<hbm>> -> memref<632x16xf32, #tpu.memory_space<hbm>>
        %dma_wait3A_356 = arith.constant 0 : i32
        %dma_wait3A_357 = tpu.memref_slice %arg9[%mul3A_2, %dma_wait3A_356] : memref<10112x16xf32, #tpu.memory_space<hbm>> -> memref<632x16xf32, #tpu.memory_space<hbm>>
        %dma_wait3A_358 = arith.constant 0 : i32
        %dma_wait3A_359 = arith.constant 0 : i32
        %dma_wait3A_360 = tpu.memref_slice %arg14[%dma_wait3A_358, %dma_wait3A_359] : memref<1024x16xf32, #tpu.memory_space<vmem>> -> memref<632x16xf32, #tpu.memory_space<vmem>>
        tpu.wait_dma2 semaphore(%run_scoped3A_340 : memref<!tpu.dma_semaphore, #tpu.memory_space<semaphore_mem>>) src(%dma_wait3A_360 : memref<632x16xf32, #tpu.memory_space<vmem>>) dst(%dma_wait3A_357 : memref<632x16xf32, #tpu.memory_space<hbm>>)
        tpu.yield
      }) : () -> ()
    } else {
    }
    %barrier3A = arith.constant 0 : index
    tpu.barrier barrier_id(%barrier3A)
    %dma_start3A = arith.constant 0 : i32
    %dma_start3A_21 = arith.constant 0 : i32
    %dma_start3A_22 = tpu.memref_slice %arg12[%dma_start3A, %dma_start3A_21] : memref<1024x16xf32, #tpu.memory_space<vmem>> -> memref<1024x16xf32, #tpu.memory_space<vmem>>
    %dma_start3A_23 = arith.constant 0 : i32
    %dma_start3A_24 = tpu.memref_slice %arg10[%dma_start3A_23] : memref<11024xi32, #tpu.memory_space<vmem>> -> memref<1024xi32, #tpu.memory_space<vmem>>
    %dma_start3A_25 = arith.constant 0 : i32
    %dma_start3A_26 = arith.constant 0 : i32
    %dma_start3A_27 = tpu.memref_slice %arg18[%dma_start3A_25, %dma_start3A_26] : memref<10112x16xf32, #tpu.memory_space<vmem_shared>> -> memref<10112x16xf32, #tpu.memory_space<vmem_shared>>
    tpu.enqueue_indirect_dma source(%dma_start3A_27 : memref<10112x16xf32, #tpu.memory_space<vmem_shared>>) target(%dma_start3A_22 : memref<1024x16xf32, #tpu.memory_space<vmem>>) offsets(%dma_start3A_24 : memref<1024xi32, #tpu.memory_space<vmem>>) semaphore(%arg19 : memref<!tpu.dma_semaphore, #tpu.memory_space<semaphore_mem>>)
    %dma_start3A_28 = arith.constant 0 : i32
    %dma_start3A_29 = arith.constant 0 : i32
    %dma_start3A_30 = tpu.memref_slice %arg13[%dma_start3A_28, %dma_start3A_29] : memref<1024x16xf32, #tpu.memory_space<vmem>> -> memref<1024x16xf32, #tpu.memory_space<vmem>>
    %dma_start3A_31 = arith.constant 1024 : i32
    %dma_start3A_32 = tpu.memref_slice %arg10[%dma_start3A_31] : memref<11024xi32, #tpu.memory_space<vmem>> -> memref<1024xi32, #tpu.memory_space<vmem>>
    %dma_start3A_33 = arith.constant 0 : i32
    %dma_start3A_34 = arith.constant 0 : i32
    %dma_start3A_35 = tpu.memref_slice %arg18[%dma_start3A_33, %dma_start3A_34] : memref<10112x16xf32, #tpu.memory_space<vmem_shared>> -> memref<10112x16xf32, #tpu.memory_space<vmem_shared>>
    tpu.enqueue_indirect_dma source(%dma_start3A_35 : memref<10112x16xf32, #tpu.memory_space<vmem_shared>>) target(%dma_start3A_30 : memref<1024x16xf32, #tpu.memory_space<vmem>>) offsets(%dma_start3A_32 : memref<1024xi32, #tpu.memory_space<vmem>>) semaphore(%arg20 : memref<!tpu.dma_semaphore, #tpu.memory_space<semaphore_mem>>)
    %dma_start3A_36 = arith.constant 0 : i32
    %dma_start3A_37 = arith.constant 0 : i32
    %dma_start3A_38 = tpu.memref_slice %arg14[%dma_start3A_36, %dma_start3A_37] : memref<1024x16xf32, #tpu.memory_space<vmem>> -> memref<1024x16xf32, #tpu.memory_space<vmem>>
    %dma_start3A_39 = arith.constant 2048 : i32
    %dma_start3A_40 = tpu.memref_slice %arg10[%dma_start3A_39] : memref<11024xi32, #tpu.memory_space<vmem>> -> memref<1024xi32, #tpu.memory_space<vmem>>
    %dma_start3A_41 = arith.constant 0 : i32
    %dma_start3A_42 = arith.constant 0 : i32
    %dma_start3A_43 = tpu.memref_slice %arg18[%dma_start3A_41, %dma_start3A_42] : memref<10112x16xf32, #tpu.memory_space<vmem_shared>> -> memref<10112x16xf32, #tpu.memory_space<vmem_shared>>
    tpu.enqueue_indirect_dma source(%dma_start3A_43 : memref<10112x16xf32, #tpu.memory_space<vmem_shared>>) target(%dma_start3A_38 : memref<1024x16xf32, #tpu.memory_space<vmem>>) offsets(%dma_start3A_40 : memref<1024xi32, #tpu.memory_space<vmem>>) semaphore(%arg21 : memref<!tpu.dma_semaphore, #tpu.memory_space<semaphore_mem>>)
    %dma_wait3A = arith.constant 0 : i32
    %dma_wait3A_44 = arith.constant 0 : i32
    %dma_wait3A_45 = tpu.memref_slice %arg12[%dma_wait3A, %dma_wait3A_44] : memref<1024x16xf32, #tpu.memory_space<vmem>> -> memref<1024x16xf32, #tpu.memory_space<vmem>>
    %dma_wait3A_46 = arith.constant 0 : i32
    %dma_wait3A_47 = tpu.memref_slice %arg10[%dma_wait3A_46] : memref<11024xi32, #tpu.memory_space<vmem>> -> memref<1024xi32, #tpu.memory_space<vmem>>
    %dma_wait3A_48 = arith.constant 0 : i32
    %dma_wait3A_49 = arith.constant 0 : i32
    %dma_wait3A_50 = tpu.memref_slice %arg18[%dma_wait3A_48, %dma_wait3A_49] : memref<10112x16xf32, #tpu.memory_space<vmem_shared>> -> memref<10112x16xf32, #tpu.memory_space<vmem_shared>>
    tpu.wait_indirect_dma semaphore(%arg19 : memref<!tpu.dma_semaphore, #tpu.memory_space<semaphore_mem>>) src(%dma_wait3A_50 : memref<10112x16xf32, #tpu.memory_space<vmem_shared>>) dst(%dma_wait3A_45 : memref<1024x16xf32, #tpu.memory_space<vmem>>)
    %dma_start3A_51 = arith.constant 0 : i32
    %dma_start3A_52 = arith.constant 0 : i32
    %dma_start3A_53 = tpu.memref_slice %arg12[%dma_start3A_51, %dma_start3A_52] : memref<1024x16xf32, #tpu.memory_space<vmem>> -> memref<1024x16xf32, #tpu.memory_space<vmem>>
    %dma_start3A_54 = arith.constant 0 : i32
    %dma_start3A_55 = tpu.memref_slice %arg11[%dma_start3A_54] : memref<11024xi32, #tpu.memory_space<vmem>> -> memref<1024xi32, #tpu.memory_space<vmem>>
    %dma_start3A_56 = arith.constant 0 : i32
    %dma_start3A_57 = arith.constant 0 : i32
    %dma_start3A_58 = tpu.memref_slice %arg17[%dma_start3A_56, %dma_start3A_57] : memref<10112x16xf32, #tpu.memory_space<vmem_shared>> -> memref<10112x16xf32, #tpu.memory_space<vmem_shared>>
    tpu.enqueue_indirect_dma source(%dma_start3A_53 : memref<1024x16xf32, #tpu.memory_space<vmem>>) target(%dma_start3A_58 : memref<10112x16xf32, #tpu.memory_space<vmem_shared>>) offsets(%dma_start3A_55 : memref<1024xi32, #tpu.memory_space<vmem>>) semaphore(%arg23 : memref<!tpu.dma_semaphore, #tpu.memory_space<semaphore_mem>>) {add = true}
    %dma_start3A_59 = arith.constant 0 : i32
    %dma_start3A_60 = arith.constant 0 : i32
    %dma_start3A_61 = tpu.memref_slice %arg15[%dma_start3A_59, %dma_start3A_60] : memref<1024x16xf32, #tpu.memory_space<vmem>> -> memref<1024x16xf32, #tpu.memory_space<vmem>>
    %dma_start3A_62 = arith.constant 3072 : i32
    %dma_start3A_63 = tpu.memref_slice %arg10[%dma_start3A_62] : memref<11024xi32, #tpu.memory_space<vmem>> -> memref<1024xi32, #tpu.memory_space<vmem>>
    %dma_start3A_64 = arith.constant 0 : i32
    %dma_start3A_65 = arith.constant 0 : i32
    %dma_start3A_66 = tpu.memref_slice %arg18[%dma_start3A_64, %dma_start3A_65] : memref<10112x16xf32, #tpu.memory_space<vmem_shared>> -> memref<10112x16xf32, #tpu.memory_space<vmem_shared>>
    tpu.enqueue_indirect_dma source(%dma_start3A_66 : memref<10112x16xf32, #tpu.memory_space<vmem_shared>>) target(%dma_start3A_61 : memref<1024x16xf32, #tpu.memory_space<vmem>>) offsets(%dma_start3A_63 : memref<1024xi32, #tpu.memory_space<vmem>>) semaphore(%arg22 : memref<!tpu.dma_semaphore, #tpu.memory_space<semaphore_mem>>)
    %dma_wait3A_67 = arith.constant 0 : i32
    %dma_wait3A_68 = arith.constant 0 : i32
    %dma_wait3A_69 = tpu.memref_slice %arg13[%dma_wait3A_67, %dma_wait3A_68] : memref<1024x16xf32, #tpu.memory_space<vmem>> -> memref<1024x16xf32, #tpu.memory_space<vmem>>
    %dma_wait3A_70 = arith.constant 1024 : i32
    %dma_wait3A_71 = tpu.memref_slice %arg10[%dma_wait3A_70] : memref<11024xi32, #tpu.memory_space<vmem>> -> memref<1024xi32, #tpu.memory_space<vmem>>
    %dma_wait3A_72 = arith.constant 0 : i32
    %dma_wait3A_73 = arith.constant 0 : i32
    %dma_wait3A_74 = tpu.memref_slice %arg18[%dma_wait3A_72, %dma_wait3A_73] : memref<10112x16xf32, #tpu.memory_space<vmem_shared>> -> memref<10112x16xf32, #tpu.memory_space<vmem_shared>>
    tpu.wait_indirect_dma semaphore(%arg20 : memref<!tpu.dma_semaphore, #tpu.memory_space<semaphore_mem>>) src(%dma_wait3A_74 : memref<10112x16xf32, #tpu.memory_space<vmem_shared>>) dst(%dma_wait3A_69 : memref<1024x16xf32, #tpu.memory_space<vmem>>)
    %dma_start3A_75 = arith.constant 0 : i32
    %dma_start3A_76 = arith.constant 0 : i32
    %dma_start3A_77 = tpu.memref_slice %arg13[%dma_start3A_75, %dma_start3A_76] : memref<1024x16xf32, #tpu.memory_space<vmem>> -> memref<1024x16xf32, #tpu.memory_space<vmem>>
    %dma_start3A_78 = arith.constant 1024 : i32
    %dma_start3A_79 = tpu.memref_slice %arg11[%dma_start3A_78] : memref<11024xi32, #tpu.memory_space<vmem>> -> memref<1024xi32, #tpu.memory_space<vmem>>
    %dma_start3A_80 = arith.constant 0 : i32
    %dma_start3A_81 = arith.constant 0 : i32
    %dma_start3A_82 = tpu.memref_slice %arg17[%dma_start3A_80, %dma_start3A_81] : memref<10112x16xf32, #tpu.memory_space<vmem_shared>> -> memref<10112x16xf32, #tpu.memory_space<vmem_shared>>
    tpu.enqueue_indirect_dma source(%dma_start3A_77 : memref<1024x16xf32, #tpu.memory_space<vmem>>) target(%dma_start3A_82 : memref<10112x16xf32, #tpu.memory_space<vmem_shared>>) offsets(%dma_start3A_79 : memref<1024xi32, #tpu.memory_space<vmem>>) semaphore(%arg24 : memref<!tpu.dma_semaphore, #tpu.memory_space<semaphore_mem>>) {add = true}
    %dma_wait3A_83 = arith.constant 0 : i32
    %dma_wait3A_84 = arith.constant 0 : i32
    %dma_wait3A_85 = tpu.memref_slice %arg12[%dma_wait3A_83, %dma_wait3A_84] : memref<1024x16xf32, #tpu.memory_space<vmem>> -> memref<1024x16xf32, #tpu.memory_space<vmem>>
    %dma_wait3A_86 = arith.constant 0 : i32
    %dma_wait3A_87 = tpu.memref_slice %arg11[%dma_wait3A_86] : memref<11024xi32, #tpu.memory_space<vmem>> -> memref<1024xi32, #tpu.memory_space<vmem>>
    %dma_wait3A_88 = arith.constant 0 : i32
    %dma_wait3A_89 = arith.constant 0 : i32
    %dma_wait3A_90 = tpu.memref_slice %arg17[%dma_wait3A_88, %dma_wait3A_89] : memref<10112x16xf32, #tpu.memory_space<vmem_shared>> -> memref<10112x16xf32, #tpu.memory_space<vmem_shared>>
    tpu.wait_indirect_dma semaphore(%arg23 : memref<!tpu.dma_semaphore, #tpu.memory_space<semaphore_mem>>) src(%dma_wait3A_85 : memref<1024x16xf32, #tpu.memory_space<vmem>>) dst(%dma_wait3A_90 : memref<10112x16xf32, #tpu.memory_space<vmem_shared>>)
    %dma_start3A_91 = arith.constant 0 : i32
    %dma_start3A_92 = arith.constant 0 : i32
    %dma_start3A_93 = tpu.memref_slice %arg12[%dma_start3A_91, %dma_start3A_92] : memref<1024x16xf32, #tpu.memory_space<vmem>> -> memref<1024x16xf32, #tpu.memory_space<vmem>>
    %dma_start3A_94 = arith.constant 4096 : i32
    %dma_start3A_95 = tpu.memref_slice %arg10[%dma_start3A_94] : memref<11024xi32, #tpu.memory_space<vmem>> -> memref<1024xi32, #tpu.memory_space<vmem>>
    %dma_start3A_96 = arith.constant 0 : i32
    %dma_start3A_97 = arith.constant 0 : i32
    %dma_start3A_98 = tpu.memref_slice %arg18[%dma_start3A_96, %dma_start3A_97] : memref<10112x16xf32, #tpu.memory_space<vmem_shared>> -> memref<10112x16xf32, #tpu.memory_space<vmem_shared>>
    tpu.enqueue_indirect_dma source(%dma_start3A_98 : memref<10112x16xf32, #tpu.memory_space<vmem_shared>>) target(%dma_start3A_93 : memref<1024x16xf32, #tpu.memory_space<vmem>>) offsets(%dma_start3A_95 : memref<1024xi32, #tpu.memory_space<vmem>>) semaphore(%arg19 : memref<!tpu.dma_semaphore, #tpu.memory_space<semaphore_mem>>)
    %dma_wait3A_99 = arith.constant 0 : i32
    %dma_wait3A_100 = arith.constant 0 : i32
    %dma_wait3A_101 = tpu.memref_slice %arg14[%dma_wait3A_99, %dma_wait3A_100] : memref<1024x16xf32, #tpu.memory_space<vmem>> -> memref<1024x16xf32, #tpu.memory_space<vmem>>
    %dma_wait3A_102 = arith.constant 2048 : i32
    %dma_wait3A_103 = tpu.memref_slice %arg10[%dma_wait3A_102] : memref<11024xi32, #tpu.memory_space<vmem>> -> memref<1024xi32, #tpu.memory_space<vmem>>
    %dma_wait3A_104 = arith.constant 0 : i32
    %dma_wait3A_105 = arith.constant 0 : i32
    %dma_wait3A_106 = tpu.memref_slice %arg18[%dma_wait3A_104, %dma_wait3A_105] : memref<10112x16xf32, #tpu.memory_space<vmem_shared>> -> memref<10112x16xf32, #tpu.memory_space<vmem_shared>>
    tpu.wait_indirect_dma semaphore(%arg21 : memref<!tpu.dma_semaphore, #tpu.memory_space<semaphore_mem>>) src(%dma_wait3A_106 : memref<10112x16xf32, #tpu.memory_space<vmem_shared>>) dst(%dma_wait3A_101 : memref<1024x16xf32, #tpu.memory_space<vmem>>)
    %dma_start3A_107 = arith.constant 0 : i32
    %dma_start3A_108 = arith.constant 0 : i32
    %dma_start3A_109 = tpu.memref_slice %arg14[%dma_start3A_107, %dma_start3A_108] : memref<1024x16xf32, #tpu.memory_space<vmem>> -> memref<1024x16xf32, #tpu.memory_space<vmem>>
    %dma_start3A_110 = arith.constant 2048 : i32
    %dma_start3A_111 = tpu.memref_slice %arg11[%dma_start3A_110] : memref<11024xi32, #tpu.memory_space<vmem>> -> memref<1024xi32, #tpu.memory_space<vmem>>
    %dma_start3A_112 = arith.constant 0 : i32
    %dma_start3A_113 = arith.constant 0 : i32
    %dma_start3A_114 = tpu.memref_slice %arg17[%dma_start3A_112, %dma_start3A_113] : memref<10112x16xf32, #tpu.memory_space<vmem_shared>> -> memref<10112x16xf32, #tpu.memory_space<vmem_shared>>
    tpu.enqueue_indirect_dma source(%dma_start3A_109 : memref<1024x16xf32, #tpu.memory_space<vmem>>) target(%dma_start3A_114 : memref<10112x16xf32, #tpu.memory_space<vmem_shared>>) offsets(%dma_start3A_111 : memref<1024xi32, #tpu.memory_space<vmem>>) semaphore(%arg25 : memref<!tpu.dma_semaphore, #tpu.memory_space<semaphore_mem>>) {add = true}
    %dma_wait3A_115 = arith.constant 0 : i32
    %dma_wait3A_116 = arith.constant 0 : i32
    %dma_wait3A_117 = tpu.memref_slice %arg13[%dma_wait3A_115, %dma_wait3A_116] : memref<1024x16xf32, #tpu.memory_space<vmem>> -> memref<1024x16xf32, #tpu.memory_space<vmem>>
    %dma_wait3A_118 = arith.constant 1024 : i32
    %dma_wait3A_119 = tpu.memref_slice %arg11[%dma_wait3A_118] : memref<11024xi32, #tpu.memory_space<vmem>> -> memref<1024xi32, #tpu.memory_space<vmem>>
    %dma_wait3A_120 = arith.constant 0 : i32
    %dma_wait3A_121 = arith.constant 0 : i32
    %dma_wait3A_122 = tpu.memref_slice %arg17[%dma_wait3A_120, %dma_wait3A_121] : memref<10112x16xf32, #tpu.memory_space<vmem_shared>> -> memref<10112x16xf32, #tpu.memory_space<vmem_shared>>
    tpu.wait_indirect_dma semaphore(%arg24 : memref<!tpu.dma_semaphore, #tpu.memory_space<semaphore_mem>>) src(%dma_wait3A_117 : memref<1024x16xf32, #tpu.memory_space<vmem>>) dst(%dma_wait3A_122 : memref<10112x16xf32, #tpu.memory_space<vmem_shared>>)
    %dma_start3A_123 = arith.constant 0 : i32
    %dma_start3A_124 = arith.constant 0 : i32
    %dma_start3A_125 = tpu.memref_slice %arg13[%dma_start3A_123, %dma_start3A_124] : memref<1024x16xf32, #tpu.memory_space<vmem>> -> memref<1024x16xf32, #tpu.memory_space<vmem>>
    %dma_start3A_126 = arith.constant 5120 : i32
    %dma_start3A_127 = tpu.memref_slice %arg10[%dma_start3A_126] : memref<11024xi32, #tpu.memory_space<vmem>> -> memref<1024xi32, #tpu.memory_space<vmem>>
    %dma_start3A_128 = arith.constant 0 : i32
    %dma_start3A_129 = arith.constant 0 : i32
    %dma_start3A_130 = tpu.memref_slice %arg18[%dma_start3A_128, %dma_start3A_129] : memref<10112x16xf32, #tpu.memory_space<vmem_shared>> -> memref<10112x16xf32, #tpu.memory_space<vmem_shared>>
    tpu.enqueue_indirect_dma source(%dma_start3A_130 : memref<10112x16xf32, #tpu.memory_space<vmem_shared>>) target(%dma_start3A_125 : memref<1024x16xf32, #tpu.memory_space<vmem>>) offsets(%dma_start3A_127 : memref<1024xi32, #tpu.memory_space<vmem>>) semaphore(%arg20 : memref<!tpu.dma_semaphore, #tpu.memory_space<semaphore_mem>>)
    %dma_wait3A_131 = arith.constant 0 : i32
    %dma_wait3A_132 = arith.constant 0 : i32
    %dma_wait3A_133 = tpu.memref_slice %arg15[%dma_wait3A_131, %dma_wait3A_132] : memref<1024x16xf32, #tpu.memory_space<vmem>> -> memref<1024x16xf32, #tpu.memory_space<vmem>>
    %dma_wait3A_134 = arith.constant 3072 : i32
    %dma_wait3A_135 = tpu.memref_slice %arg10[%dma_wait3A_134] : memref<11024xi32, #tpu.memory_space<vmem>> -> memref<1024xi32, #tpu.memory_space<vmem>>
    %dma_wait3A_136 = arith.constant 0 : i32
    %dma_wait3A_137 = arith.constant 0 : i32
    %dma_wait3A_138 = tpu.memref_slice %arg18[%dma_wait3A_136, %dma_wait3A_137] : memref<10112x16xf32, #tpu.memory_space<vmem_shared>> -> memref<10112x16xf32, #tpu.memory_space<vmem_shared>>
    tpu.wait_indirect_dma semaphore(%arg22 : memref<!tpu.dma_semaphore, #tpu.memory_space<semaphore_mem>>) src(%dma_wait3A_138 : memref<10112x16xf32, #tpu.memory_space<vmem_shared>>) dst(%dma_wait3A_133 : memref<1024x16xf32, #tpu.memory_space<vmem>>)
    %dma_start3A_139 = arith.constant 0 : i32
    %dma_start3A_140 = arith.constant 0 : i32
    %dma_start3A_141 = tpu.memref_slice %arg15[%dma_start3A_139, %dma_start3A_140] : memref<1024x16xf32, #tpu.memory_space<vmem>> -> memref<1024x16xf32, #tpu.memory_space<vmem>>
    %dma_start3A_142 = arith.constant 3072 : i32
    %dma_start3A_143 = tpu.memref_slice %arg11[%dma_start3A_142] : memref<11024xi32, #tpu.memory_space<vmem>> -> memref<1024xi32, #tpu.memory_space<vmem>>
    %dma_start3A_144 = arith.constant 0 : i32
    %dma_start3A_145 = arith.constant 0 : i32
    %dma_start3A_146 = tpu.memref_slice %arg17[%dma_start3A_144, %dma_start3A_145] : memref<10112x16xf32, #tpu.memory_space<vmem_shared>> -> memref<10112x16xf32, #tpu.memory_space<vmem_shared>>
    tpu.enqueue_indirect_dma source(%dma_start3A_141 : memref<1024x16xf32, #tpu.memory_space<vmem>>) target(%dma_start3A_146 : memref<10112x16xf32, #tpu.memory_space<vmem_shared>>) offsets(%dma_start3A_143 : memref<1024xi32, #tpu.memory_space<vmem>>) semaphore(%arg26 : memref<!tpu.dma_semaphore, #tpu.memory_space<semaphore_mem>>) {add = true}
    %dma_wait3A_147 = arith.constant 0 : i32
    %dma_wait3A_148 = arith.constant 0 : i32
    %dma_wait3A_149 = tpu.memref_slice %arg14[%dma_wait3A_147, %dma_wait3A_148] : memref<1024x16xf32, #tpu.memory_space<vmem>> -> memref<1024x16xf32, #tpu.memory_space<vmem>>
    %dma_wait3A_150 = arith.constant 2048 : i32
    %dma_wait3A_151 = tpu.memref_slice %arg11[%dma_wait3A_150] : memref<11024xi32, #tpu.memory_space<vmem>> -> memref<1024xi32, #tpu.memory_space<vmem>>
    %dma_wait3A_152 = arith.constant 0 : i32
    %dma_wait3A_153 = arith.constant 0 : i32
    %dma_wait3A_154 = tpu.memref_slice %arg17[%dma_wait3A_152, %dma_wait3A_153] : memref<10112x16xf32, #tpu.memory_space<vmem_shared>> -> memref<10112x16xf32, #tpu.memory_space<vmem_shared>>
    tpu.wait_indirect_dma semaphore(%arg25 : memref<!tpu.dma_semaphore, #tpu.memory_space<semaphore_mem>>) src(%dma_wait3A_149 : memref<1024x16xf32, #tpu.memory_space<vmem>>) dst(%dma_wait3A_154 : memref<10112x16xf32, #tpu.memory_space<vmem_shared>>)
    %dma_start3A_155 = arith.constant 0 : i32
    %dma_start3A_156 = arith.constant 0 : i32
    %dma_start3A_157 = tpu.memref_slice %arg14[%dma_start3A_155, %dma_start3A_156] : memref<1024x16xf32, #tpu.memory_space<vmem>> -> memref<1024x16xf32, #tpu.memory_space<vmem>>
    %dma_start3A_158 = arith.constant 6144 : i32
    %dma_start3A_159 = tpu.memref_slice %arg10[%dma_start3A_158] : memref<11024xi32, #tpu.memory_space<vmem>> -> memref<1024xi32, #tpu.memory_space<vmem>>
    %dma_start3A_160 = arith.constant 0 : i32
    %dma_start3A_161 = arith.constant 0 : i32
    %dma_start3A_162 = tpu.memref_slice %arg18[%dma_start3A_160, %dma_start3A_161] : memref<10112x16xf32, #tpu.memory_space<vmem_shared>> -> memref<10112x16xf32, #tpu.memory_space<vmem_shared>>
    tpu.enqueue_indirect_dma source(%dma_start3A_162 : memref<10112x16xf32, #tpu.memory_space<vmem_shared>>) target(%dma_start3A_157 : memref<1024x16xf32, #tpu.memory_space<vmem>>) offsets(%dma_start3A_159 : memref<1024xi32, #tpu.memory_space<vmem>>) semaphore(%arg21 : memref<!tpu.dma_semaphore, #tpu.memory_space<semaphore_mem>>)
    %dma_wait3A_163 = arith.constant 0 : i32
    %dma_wait3A_164 = arith.constant 0 : i32
    %dma_wait3A_165 = tpu.memref_slice %arg12[%dma_wait3A_163, %dma_wait3A_164] : memref<1024x16xf32, #tpu.memory_space<vmem>> -> memref<1024x16xf32, #tpu.memory_space<vmem>>
    %dma_wait3A_166 = arith.constant 4096 : i32
    %dma_wait3A_167 = tpu.memref_slice %arg10[%dma_wait3A_166] : memref<11024xi32, #tpu.memory_space<vmem>> -> memref<1024xi32, #tpu.memory_space<vmem>>
    %dma_wait3A_168 = arith.constant 0 : i32
    %dma_wait3A_169 = arith.constant 0 : i32
    %dma_wait3A_170 = tpu.memref_slice %arg18[%dma_wait3A_168, %dma_wait3A_169] : memref<10112x16xf32, #tpu.memory_space<vmem_shared>> -> memref<10112x16xf32, #tpu.memory_space<vmem_shared>>
    tpu.wait_indirect_dma semaphore(%arg19 : memref<!tpu.dma_semaphore, #tpu.memory_space<semaphore_mem>>) src(%dma_wait3A_170 : memref<10112x16xf32, #tpu.memory_space<vmem_shared>>) dst(%dma_wait3A_165 : memref<1024x16xf32, #tpu.memory_space<vmem>>)
    %dma_start3A_171 = arith.constant 0 : i32
    %dma_start3A_172 = arith.constant 0 : i32
    %dma_start3A_173 = tpu.memref_slice %arg12[%dma_start3A_171, %dma_start3A_172] : memref<1024x16xf32, #tpu.memory_space<vmem>> -> memref<1024x16xf32, #tpu.memory_space<vmem>>
    %dma_start3A_174 = arith.constant 4096 : i32
    %dma_start3A_175 = tpu.memref_slice %arg11[%dma_start3A_174] : memref<11024xi32, #tpu.memory_space<vmem>> -> memref<1024xi32, #tpu.memory_space<vmem>>
    %dma_start3A_176 = arith.constant 0 : i32
    %dma_start3A_177 = arith.constant 0 : i32
    %dma_start3A_178 = tpu.memref_slice %arg17[%dma_start3A_176, %dma_start3A_177] : memref<10112x16xf32, #tpu.memory_space<vmem_shared>> -> memref<10112x16xf32, #tpu.memory_space<vmem_shared>>
    tpu.enqueue_indirect_dma source(%dma_start3A_173 : memref<1024x16xf32, #tpu.memory_space<vmem>>) target(%dma_start3A_178 : memref<10112x16xf32, #tpu.memory_space<vmem_shared>>) offsets(%dma_start3A_175 : memref<1024xi32, #tpu.memory_space<vmem>>) semaphore(%arg23 : memref<!tpu.dma_semaphore, #tpu.memory_space<semaphore_mem>>) {add = true}
    %dma_wait3A_179 = arith.constant 0 : i32
    %dma_wait3A_180 = arith.constant 0 : i32
    %dma_wait3A_181 = tpu.memref_slice %arg15[%dma_wait3A_179, %dma_wait3A_180] : memref<1024x16xf32, #tpu.memory_space<vmem>> -> memref<1024x16xf32, #tpu.memory_space<vmem>>
    %dma_wait3A_182 = arith.constant 3072 : i32
    %dma_wait3A_183 = tpu.memref_slice %arg11[%dma_wait3A_182] : memref<11024xi32, #tpu.memory_space<vmem>> -> memref<1024xi32, #tpu.memory_space<vmem>>
    %dma_wait3A_184 = arith.constant 0 : i32
    %dma_wait3A_185 = arith.constant 0 : i32
    %dma_wait3A_186 = tpu.memref_slice %arg17[%dma_wait3A_184, %dma_wait3A_185] : memref<10112x16xf32, #tpu.memory_space<vmem_shared>> -> memref<10112x16xf32, #tpu.memory_space<vmem_shared>>
    tpu.wait_indirect_dma semaphore(%arg26 : memref<!tpu.dma_semaphore, #tpu.memory_space<semaphore_mem>>) src(%dma_wait3A_181 : memref<1024x16xf32, #tpu.memory_space<vmem>>) dst(%dma_wait3A_186 : memref<10112x16xf32, #tpu.memory_space<vmem_shared>>)
    %dma_start3A_187 = arith.constant 0 : i32
    %dma_start3A_188 = arith.constant 0 : i32
    %dma_start3A_189 = tpu.memref_slice %arg15[%dma_start3A_187, %dma_start3A_188] : memref<1024x16xf32, #tpu.memory_space<vmem>> -> memref<1024x16xf32, #tpu.memory_space<vmem>>
    %dma_start3A_190 = arith.constant 7168 : i32
    %dma_start3A_191 = tpu.memref_slice %arg10[%dma_start3A_190] : memref<11024xi32, #tpu.memory_space<vmem>> -> memref<1024xi32, #tpu.memory_space<vmem>>
    %dma_start3A_192 = arith.constant 0 : i32
    %dma_start3A_193 = arith.constant 0 : i32
    %dma_start3A_194 = tpu.memref_slice %arg18[%dma_start3A_192, %dma_start3A_193] : memref<10112x16xf32, #tpu.memory_space<vmem_shared>> -> memref<10112x16xf32, #tpu.memory_space<vmem_shared>>
    tpu.enqueue_indirect_dma source(%dma_start3A_194 : memref<10112x16xf32, #tpu.memory_space<vmem_shared>>) target(%dma_start3A_189 : memref<1024x16xf32, #tpu.memory_space<vmem>>) offsets(%dma_start3A_191 : memref<1024xi32, #tpu.memory_space<vmem>>) semaphore(%arg22 : memref<!tpu.dma_semaphore, #tpu.memory_space<semaphore_mem>>)
    %dma_wait3A_195 = arith.constant 0 : i32
    %dma_wait3A_196 = arith.constant 0 : i32
    %dma_wait3A_197 = tpu.memref_slice %arg13[%dma_wait3A_195, %dma_wait3A_196] : memref<1024x16xf32, #tpu.memory_space<vmem>> -> memref<1024x16xf32, #tpu.memory_space<vmem>>
    %dma_wait3A_198 = arith.constant 5120 : i32
    %dma_wait3A_199 = tpu.memref_slice %arg10[%dma_wait3A_198] : memref<11024xi32, #tpu.memory_space<vmem>> -> memref<1024xi32, #tpu.memory_space<vmem>>
    %dma_wait3A_200 = arith.constant 0 : i32
    %dma_wait3A_201 = arith.constant 0 : i32
    %dma_wait3A_202 = tpu.memref_slice %arg18[%dma_wait3A_200, %dma_wait3A_201] : memref<10112x16xf32, #tpu.memory_space<vmem_shared>> -> memref<10112x16xf32, #tpu.memory_space<vmem_shared>>
    tpu.wait_indirect_dma semaphore(%arg20 : memref<!tpu.dma_semaphore, #tpu.memory_space<semaphore_mem>>) src(%dma_wait3A_202 : memref<10112x16xf32, #tpu.memory_space<vmem_shared>>) dst(%dma_wait3A_197 : memref<1024x16xf32, #tpu.memory_space<vmem>>)
    %dma_start3A_203 = arith.constant 0 : i32
    %dma_start3A_204 = arith.constant 0 : i32
    %dma_start3A_205 = tpu.memref_slice %arg13[%dma_start3A_203, %dma_start3A_204] : memref<1024x16xf32, #tpu.memory_space<vmem>> -> memref<1024x16xf32, #tpu.memory_space<vmem>>
    %dma_start3A_206 = arith.constant 5120 : i32
    %dma_start3A_207 = tpu.memref_slice %arg11[%dma_start3A_206] : memref<11024xi32, #tpu.memory_space<vmem>> -> memref<1024xi32, #tpu.memory_space<vmem>>
    %dma_start3A_208 = arith.constant 0 : i32
    %dma_start3A_209 = arith.constant 0 : i32
    %dma_start3A_210 = tpu.memref_slice %arg17[%dma_start3A_208, %dma_start3A_209] : memref<10112x16xf32, #tpu.memory_space<vmem_shared>> -> memref<10112x16xf32, #tpu.memory_space<vmem_shared>>
    tpu.enqueue_indirect_dma source(%dma_start3A_205 : memref<1024x16xf32, #tpu.memory_space<vmem>>) target(%dma_start3A_210 : memref<10112x16xf32, #tpu.memory_space<vmem_shared>>) offsets(%dma_start3A_207 : memref<1024xi32, #tpu.memory_space<vmem>>) semaphore(%arg24 : memref<!tpu.dma_semaphore, #tpu.memory_space<semaphore_mem>>) {add = true}
    %dma_wait3A_211 = arith.constant 0 : i32
    %dma_wait3A_212 = arith.constant 0 : i32
    %dma_wait3A_213 = tpu.memref_slice %arg12[%dma_wait3A_211, %dma_wait3A_212] : memref<1024x16xf32, #tpu.memory_space<vmem>> -> memref<1024x16xf32, #tpu.memory_space<vmem>>
    %dma_wait3A_214 = arith.constant 4096 : i32
    %dma_wait3A_215 = tpu.memref_slice %arg11[%dma_wait3A_214] : memref<11024xi32, #tpu.memory_space<vmem>> -> memref<1024xi32, #tpu.memory_space<vmem>>
    %dma_wait3A_216 = arith.constant 0 : i32
    %dma_wait3A_217 = arith.constant 0 : i32
    %dma_wait3A_218 = tpu.memref_slice %arg17[%dma_wait3A_216, %dma_wait3A_217] : memref<10112x16xf32, #tpu.memory_space<vmem_shared>> -> memref<10112x16xf32, #tpu.memory_space<vmem_shared>>
    tpu.wait_indirect_dma semaphore(%arg23 : memref<!tpu.dma_semaphore, #tpu.memory_space<semaphore_mem>>) src(%dma_wait3A_213 : memref<1024x16xf32, #tpu.memory_space<vmem>>) dst(%dma_wait3A_218 : memref<10112x16xf32, #tpu.memory_space<vmem_shared>>)
    %dma_start3A_219 = arith.constant 0 : i32
    %dma_start3A_220 = arith.constant 0 : i32
    %dma_start3A_221 = tpu.memref_slice %arg12[%dma_start3A_219, %dma_start3A_220] : memref<1024x16xf32, #tpu.memory_space<vmem>> -> memref<1024x16xf32, #tpu.memory_space<vmem>>
    %dma_start3A_222 = arith.constant 8192 : i32
    %dma_start3A_223 = tpu.memref_slice %arg10[%dma_start3A_222] : memref<11024xi32, #tpu.memory_space<vmem>> -> memref<1024xi32, #tpu.memory_space<vmem>>
    %dma_start3A_224 = arith.constant 0 : i32
    %dma_start3A_225 = arith.constant 0 : i32
    %dma_start3A_226 = tpu.memref_slice %arg18[%dma_start3A_224, %dma_start3A_225] : memref<10112x16xf32, #tpu.memory_space<vmem_shared>> -> memref<10112x16xf32, #tpu.memory_space<vmem_shared>>
    tpu.enqueue_indirect_dma source(%dma_start3A_226 : memref<10112x16xf32, #tpu.memory_space<vmem_shared>>) target(%dma_start3A_221 : memref<1024x16xf32, #tpu.memory_space<vmem>>) offsets(%dma_start3A_223 : memref<1024xi32, #tpu.memory_space<vmem>>) semaphore(%arg19 : memref<!tpu.dma_semaphore, #tpu.memory_space<semaphore_mem>>)
    %dma_wait3A_227 = arith.constant 0 : i32
    %dma_wait3A_228 = arith.constant 0 : i32
    %dma_wait3A_229 = tpu.memref_slice %arg14[%dma_wait3A_227, %dma_wait3A_228] : memref<1024x16xf32, #tpu.memory_space<vmem>> -> memref<1024x16xf32, #tpu.memory_space<vmem>>
    %dma_wait3A_230 = arith.constant 6144 : i32
    %dma_wait3A_231 = tpu.memref_slice %arg10[%dma_wait3A_230] : memref<11024xi32, #tpu.memory_space<vmem>> -> memref<1024xi32, #tpu.memory_space<vmem>>
    %dma_wait3A_232 = arith.constant 0 : i32
    %dma_wait3A_233 = arith.constant 0 : i32
    %dma_wait3A_234 = tpu.memref_slice %arg18[%dma_wait3A_232, %dma_wait3A_233] : memref<10112x16xf32, #tpu.memory_space<vmem_shared>> -> memref<10112x16xf32, #tpu.memory_space<vmem_shared>>
    tpu.wait_indirect_dma semaphore(%arg21 : memref<!tpu.dma_semaphore, #tpu.memory_space<semaphore_mem>>) src(%dma_wait3A_234 : memref<10112x16xf32, #tpu.memory_space<vmem_shared>>) dst(%dma_wait3A_229 : memref<1024x16xf32, #tpu.memory_space<vmem>>)
    %dma_start3A_235 = arith.constant 0 : i32
    %dma_start3A_236 = arith.constant 0 : i32
    %dma_start3A_237 = tpu.memref_slice %arg14[%dma_start3A_235, %dma_start3A_236] : memref<1024x16xf32, #tpu.memory_space<vmem>> -> memref<1024x16xf32, #tpu.memory_space<vmem>>
    %dma_start3A_238 = arith.constant 6144 : i32
    %dma_start3A_239 = tpu.memref_slice %arg11[%dma_start3A_238] : memref<11024xi32, #tpu.memory_space<vmem>> -> memref<1024xi32, #tpu.memory_space<vmem>>
    %dma_start3A_240 = arith.constant 0 : i32
    %dma_start3A_241 = arith.constant 0 : i32
    %dma_start3A_242 = tpu.memref_slice %arg17[%dma_start3A_240, %dma_start3A_241] : memref<10112x16xf32, #tpu.memory_space<vmem_shared>> -> memref<10112x16xf32, #tpu.memory_space<vmem_shared>>
    tpu.enqueue_indirect_dma source(%dma_start3A_237 : memref<1024x16xf32, #tpu.memory_space<vmem>>) target(%dma_start3A_242 : memref<10112x16xf32, #tpu.memory_space<vmem_shared>>) offsets(%dma_start3A_239 : memref<1024xi32, #tpu.memory_space<vmem>>) semaphore(%arg25 : memref<!tpu.dma_semaphore, #tpu.memory_space<semaphore_mem>>) {add = true}
    %dma_wait3A_243 = arith.constant 0 : i32
    %dma_wait3A_244 = arith.constant 0 : i32
    %dma_wait3A_245 = tpu.memref_slice %arg13[%dma_wait3A_243, %dma_wait3A_244] : memref<1024x16xf32, #tpu.memory_space<vmem>> -> memref<1024x16xf32, #tpu.memory_space<vmem>>
    %dma_wait3A_246 = arith.constant 5120 : i32
    %dma_wait3A_247 = tpu.memref_slice %arg11[%dma_wait3A_246] : memref<11024xi32, #tpu.memory_space<vmem>> -> memref<1024xi32, #tpu.memory_space<vmem>>
    %dma_wait3A_248 = arith.constant 0 : i32
    %dma_wait3A_249 = arith.constant 0 : i32
    %dma_wait3A_250 = tpu.memref_slice %arg17[%dma_wait3A_248, %dma_wait3A_249] : memref<10112x16xf32, #tpu.memory_space<vmem_shared>> -> memref<10112x16xf32, #tpu.memory_space<vmem_shared>>
    tpu.wait_indirect_dma semaphore(%arg24 : memref<!tpu.dma_semaphore, #tpu.memory_space<semaphore_mem>>) src(%dma_wait3A_245 : memref<1024x16xf32, #tpu.memory_space<vmem>>) dst(%dma_wait3A_250 : memref<10112x16xf32, #tpu.memory_space<vmem_shared>>)
    %dma_start3A_251 = arith.constant 0 : i32
    %dma_start3A_252 = arith.constant 0 : i32
    %dma_start3A_253 = tpu.memref_slice %arg13[%dma_start3A_251, %dma_start3A_252] : memref<1024x16xf32, #tpu.memory_space<vmem>> -> memref<784x16xf32, #tpu.memory_space<vmem>>
    %dma_start3A_254 = arith.constant 9216 : i32
    %dma_start3A_255 = tpu.memref_slice %arg10[%dma_start3A_254] : memref<11024xi32, #tpu.memory_space<vmem>> -> memref<784xi32, #tpu.memory_space<vmem>>
    %dma_start3A_256 = arith.constant 0 : i32
    %dma_start3A_257 = arith.constant 0 : i32
    %dma_start3A_258 = tpu.memref_slice %arg18[%dma_start3A_256, %dma_start3A_257] : memref<10112x16xf32, #tpu.memory_space<vmem_shared>> -> memref<10112x16xf32, #tpu.memory_space<vmem_shared>>
    tpu.enqueue_indirect_dma source(%dma_start3A_258 : memref<10112x16xf32, #tpu.memory_space<vmem_shared>>) target(%dma_start3A_253 : memref<784x16xf32, #tpu.memory_space<vmem>>) offsets(%dma_start3A_255 : memref<784xi32, #tpu.memory_space<vmem>>) semaphore(%arg20 : memref<!tpu.dma_semaphore, #tpu.memory_space<semaphore_mem>>)
    %dma_wait3A_259 = arith.constant 0 : i32
    %dma_wait3A_260 = arith.constant 0 : i32
    %dma_wait3A_261 = tpu.memref_slice %arg15[%dma_wait3A_259, %dma_wait3A_260] : memref<1024x16xf32, #tpu.memory_space<vmem>> -> memref<1024x16xf32, #tpu.memory_space<vmem>>
    %dma_wait3A_262 = arith.constant 7168 : i32
    %dma_wait3A_263 = tpu.memref_slice %arg10[%dma_wait3A_262] : memref<11024xi32, #tpu.memory_space<vmem>> -> memref<1024xi32, #tpu.memory_space<vmem>>
    %dma_wait3A_264 = arith.constant 0 : i32
    %dma_wait3A_265 = arith.constant 0 : i32
    %dma_wait3A_266 = tpu.memref_slice %arg18[%dma_wait3A_264, %dma_wait3A_265] : memref<10112x16xf32, #tpu.memory_space<vmem_shared>> -> memref<10112x16xf32, #tpu.memory_space<vmem_shared>>
    tpu.wait_indirect_dma semaphore(%arg22 : memref<!tpu.dma_semaphore, #tpu.memory_space<semaphore_mem>>) src(%dma_wait3A_266 : memref<10112x16xf32, #tpu.memory_space<vmem_shared>>) dst(%dma_wait3A_261 : memref<1024x16xf32, #tpu.memory_space<vmem>>)
    %dma_start3A_267 = arith.constant 0 : i32
    %dma_start3A_268 = arith.constant 0 : i32
    %dma_start3A_269 = tpu.memref_slice %arg15[%dma_start3A_267, %dma_start3A_268] : memref<1024x16xf32, #tpu.memory_space<vmem>> -> memref<1024x16xf32, #tpu.memory_space<vmem>>
    %dma_start3A_270 = arith.constant 7168 : i32
    %dma_start3A_271 = tpu.memref_slice %arg11[%dma_start3A_270] : memref<11024xi32, #tpu.memory_space<vmem>> -> memref<1024xi32, #tpu.memory_space<vmem>>
    %dma_start3A_272 = arith.constant 0 : i32
    %dma_start3A_273 = arith.constant 0 : i32
    %dma_start3A_274 = tpu.memref_slice %arg17[%dma_start3A_272, %dma_start3A_273] : memref<10112x16xf32, #tpu.memory_space<vmem_shared>> -> memref<10112x16xf32, #tpu.memory_space<vmem_shared>>
    tpu.enqueue_indirect_dma source(%dma_start3A_269 : memref<1024x16xf32, #tpu.memory_space<vmem>>) target(%dma_start3A_274 : memref<10112x16xf32, #tpu.memory_space<vmem_shared>>) offsets(%dma_start3A_271 : memref<1024xi32, #tpu.memory_space<vmem>>) semaphore(%arg26 : memref<!tpu.dma_semaphore, #tpu.memory_space<semaphore_mem>>) {add = true}
    %dma_wait3A_275 = arith.constant 0 : i32
    %dma_wait3A_276 = arith.constant 0 : i32
    %dma_wait3A_277 = tpu.memref_slice %arg12[%dma_wait3A_275, %dma_wait3A_276] : memref<1024x16xf32, #tpu.memory_space<vmem>> -> memref<1024x16xf32, #tpu.memory_space<vmem>>
    %dma_wait3A_278 = arith.constant 8192 : i32
    %dma_wait3A_279 = tpu.memref_slice %arg10[%dma_wait3A_278] : memref<11024xi32, #tpu.memory_space<vmem>> -> memref<1024xi32, #tpu.memory_space<vmem>>
    %dma_wait3A_280 = arith.constant 0 : i32
    %dma_wait3A_281 = arith.constant 0 : i32
    %dma_wait3A_282 = tpu.memref_slice %arg18[%dma_wait3A_280, %dma_wait3A_281] : memref<10112x16xf32, #tpu.memory_space<vmem_shared>> -> memref<10112x16xf32, #tpu.memory_space<vmem_shared>>
    tpu.wait_indirect_dma semaphore(%arg19 : memref<!tpu.dma_semaphore, #tpu.memory_space<semaphore_mem>>) src(%dma_wait3A_282 : memref<10112x16xf32, #tpu.memory_space<vmem_shared>>) dst(%dma_wait3A_277 : memref<1024x16xf32, #tpu.memory_space<vmem>>)
    %dma_start3A_283 = arith.constant 0 : i32
    %dma_start3A_284 = arith.constant 0 : i32
    %dma_start3A_285 = tpu.memref_slice %arg12[%dma_start3A_283, %dma_start3A_284] : memref<1024x16xf32, #tpu.memory_space<vmem>> -> memref<1024x16xf32, #tpu.memory_space<vmem>>
    %dma_start3A_286 = arith.constant 8192 : i32
    %dma_start3A_287 = tpu.memref_slice %arg11[%dma_start3A_286] : memref<11024xi32, #tpu.memory_space<vmem>> -> memref<1024xi32, #tpu.memory_space<vmem>>
    %dma_start3A_288 = arith.constant 0 : i32
    %dma_start3A_289 = arith.constant 0 : i32
    %dma_start3A_290 = tpu.memref_slice %arg17[%dma_start3A_288, %dma_start3A_289] : memref<10112x16xf32, #tpu.memory_space<vmem_shared>> -> memref<10112x16xf32, #tpu.memory_space<vmem_shared>>
    tpu.enqueue_indirect_dma source(%dma_start3A_285 : memref<1024x16xf32, #tpu.memory_space<vmem>>) target(%dma_start3A_290 : memref<10112x16xf32, #tpu.memory_space<vmem_shared>>) offsets(%dma_start3A_287 : memref<1024xi32, #tpu.memory_space<vmem>>) semaphore(%arg23 : memref<!tpu.dma_semaphore, #tpu.memory_space<semaphore_mem>>) {add = true}
    %dma_wait3A_291 = arith.constant 0 : i32
    %dma_wait3A_292 = arith.constant 0 : i32
    %dma_wait3A_293 = tpu.memref_slice %arg13[%dma_wait3A_291, %dma_wait3A_292] : memref<1024x16xf32, #tpu.memory_space<vmem>> -> memref<784x16xf32, #tpu.memory_space<vmem>>
    %dma_wait3A_294 = arith.constant 9216 : i32
    %dma_wait3A_295 = tpu.memref_slice %arg10[%dma_wait3A_294] : memref<11024xi32, #tpu.memory_space<vmem>> -> memref<784xi32, #tpu.memory_space<vmem>>
    %dma_wait3A_296 = arith.constant 0 : i32
    %dma_wait3A_297 = arith.constant 0 : i32
    %dma_wait3A_298 = tpu.memref_slice %arg18[%dma_wait3A_296, %dma_wait3A_297] : memref<10112x16xf32, #tpu.memory_space<vmem_shared>> -> memref<10112x16xf32, #tpu.memory_space<vmem_shared>>
    tpu.wait_indirect_dma semaphore(%arg20 : memref<!tpu.dma_semaphore, #tpu.memory_space<semaphore_mem>>) src(%dma_wait3A_298 : memref<10112x16xf32, #tpu.memory_space<vmem_shared>>) dst(%dma_wait3A_293 : memref<784x16xf32, #tpu.memory_space<vmem>>)
    %dma_start3A_299 = arith.constant 0 : i32
    %dma_start3A_300 = arith.constant 0 : i32
    %dma_start3A_301 = tpu.memref_slice %arg13[%dma_start3A_299, %dma_start3A_300] : memref<1024x16xf32, #tpu.memory_space<vmem>> -> memref<784x16xf32, #tpu.memory_space<vmem>>
    %dma_start3A_302 = arith.constant 9216 : i32
    %dma_start3A_303 = tpu.memref_slice %arg11[%dma_start3A_302] : memref<11024xi32, #tpu.memory_space<vmem>> -> memref<784xi32, #tpu.memory_space<vmem>>
    %dma_start3A_304 = arith.constant 0 : i32
    %dma_start3A_305 = arith.constant 0 : i32
    %dma_start3A_306 = tpu.memref_slice %arg17[%dma_start3A_304, %dma_start3A_305] : memref<10112x16xf32, #tpu.memory_space<vmem_shared>> -> memref<10112x16xf32, #tpu.memory_space<vmem_shared>>
    tpu.enqueue_indirect_dma source(%dma_start3A_301 : memref<784x16xf32, #tpu.memory_space<vmem>>) target(%dma_start3A_306 : memref<10112x16xf32, #tpu.memory_space<vmem_shared>>) offsets(%dma_start3A_303 : memref<784xi32, #tpu.memory_space<vmem>>) semaphore(%arg24 : memref<!tpu.dma_semaphore, #tpu.memory_space<semaphore_mem>>) {add = true}
    %dma_wait3A_307 = arith.constant 0 : i32
    %dma_wait3A_308 = arith.constant 0 : i32
    %dma_wait3A_309 = tpu.memref_slice %arg14[%dma_wait3A_307, %dma_wait3A_308] : memref<1024x16xf32, #tpu.memory_space<vmem>> -> memref<1024x16xf32, #tpu.memory_space<vmem>>
    %dma_wait3A_310 = arith.constant 6144 : i32
    %dma_wait3A_311 = tpu.memref_slice %arg11[%dma_wait3A_310] : memref<11024xi32, #tpu.memory_space<vmem>> -> memref<1024xi32, #tpu.memory_space<vmem>>
    %dma_wait3A_312 = arith.constant 0 : i32
    %dma_wait3A_313 = arith.constant 0 : i32
    %dma_wait3A_314 = tpu.memref_slice %arg17[%dma_wait3A_312, %dma_wait3A_313] : memref<10112x16xf32, #tpu.memory_space<vmem_shared>> -> memref<10112x16xf32, #tpu.memory_space<vmem_shared>>
    tpu.wait_indirect_dma semaphore(%arg25 : memref<!tpu.dma_semaphore, #tpu.memory_space<semaphore_mem>>) src(%dma_wait3A_309 : memref<1024x16xf32, #tpu.memory_space<vmem>>) dst(%dma_wait3A_314 : memref<10112x16xf32, #tpu.memory_space<vmem_shared>>)
    %dma_wait3A_315 = arith.constant 0 : i32
    %dma_wait3A_316 = arith.constant 0 : i32
    %dma_wait3A_317 = tpu.memref_slice %arg15[%dma_wait3A_315, %dma_wait3A_316] : memref<1024x16xf32, #tpu.memory_space<vmem>> -> memref<1024x16xf32, #tpu.memory_space<vmem>>
    %dma_wait3A_318 = arith.constant 7168 : i32
    %dma_wait3A_319 = tpu.memref_slice %arg11[%dma_wait3A_318] : memref<11024xi32, #tpu.memory_space<vmem>> -> memref<1024xi32, #tpu.memory_space<vmem>>
    %dma_wait3A_320 = arith.constant 0 : i32
    %dma_wait3A_321 = arith.constant 0 : i32
    %dma_wait3A_322 = tpu.memref_slice %arg17[%dma_wait3A_320, %dma_wait3A_321] : memref<10112x16xf32, #tpu.memory_space<vmem_shared>> -> memref<10112x16xf32, #tpu.memory_space<vmem_shared>>
    tpu.wait_indirect_dma semaphore(%arg26 : memref<!tpu.dma_semaphore, #tpu.memory_space<semaphore_mem>>) src(%dma_wait3A_317 : memref<1024x16xf32, #tpu.memory_space<vmem>>) dst(%dma_wait3A_322 : memref<10112x16xf32, #tpu.memory_space<vmem_shared>>)
    %dma_wait3A_323 = arith.constant 0 : i32
    %dma_wait3A_324 = arith.constant 0 : i32
    %dma_wait3A_325 = tpu.memref_slice %arg12[%dma_wait3A_323, %dma_wait3A_324] : memref<1024x16xf32, #tpu.memory_space<vmem>> -> memref<1024x16xf32, #tpu.memory_space<vmem>>
    %dma_wait3A_326 = arith.constant 8192 : i32
    %dma_wait3A_327 = tpu.memref_slice %arg11[%dma_wait3A_326] : memref<11024xi32, #tpu.memory_space<vmem>> -> memref<1024xi32, #tpu.memory_space<vmem>>
    %dma_wait3A_328 = arith.constant 0 : i32
    %dma_wait3A_329 = arith.constant 0 : i32
    %dma_wait3A_330 = tpu.memref_slice %arg17[%dma_wait3A_328, %dma_wait3A_329] : memref<10112x16xf32, #tpu.memory_space<vmem_shared>> -> memref<10112x16xf32, #tpu.memory_space<vmem_shared>>
    tpu.wait_indirect_dma semaphore(%arg23 : memref<!tpu.dma_semaphore, #tpu.memory_space<semaphore_mem>>) src(%dma_wait3A_325 : memref<1024x16xf32, #tpu.memory_space<vmem>>) dst(%dma_wait3A_330 : memref<10112x16xf32, #tpu.memory_space<vmem_shared>>)
    %dma_wait3A_331 = arith.constant 0 : i32
    %dma_wait3A_332 = arith.constant 0 : i32
    %dma_wait3A_333 = tpu.memref_slice %arg13[%dma_wait3A_331, %dma_wait3A_332] : memref<1024x16xf32, #tpu.memory_space<vmem>> -> memref<784x16xf32, #tpu.memory_space<vmem>>
    %dma_wait3A_334 = arith.constant 9216 : i32
    %dma_wait3A_335 = tpu.memref_slice %arg11[%dma_wait3A_334] : memref<11024xi32, #tpu.memory_space<vmem>> -> memref<784xi32, #tpu.memory_space<vmem>>
    %dma_wait3A_336 = arith.constant 0 : i32
    %dma_wait3A_337 = arith.constant 0 : i32
    %dma_wait3A_338 = tpu.memref_slice %arg17[%dma_wait3A_336, %dma_wait3A_337] : memref<10112x16xf32, #tpu.memory_space<vmem_shared>> -> memref<10112x16xf32, #tpu.memory_space<vmem_shared>>
    tpu.wait_indirect_dma semaphore(%arg24 : memref<!tpu.dma_semaphore, #tpu.memory_space<semaphore_mem>>) src(%dma_wait3A_333 : memref<784x16xf32, #tpu.memory_space<vmem>>) dst(%dma_wait3A_338 : memref<10112x16xf32, #tpu.memory_space<vmem_shared>>)
    %barrier3A_339 = arith.constant 0 : index
    tpu.barrier barrier_id(%barrier3A_339)
    "tpu.region"() ({
      %run_scoped3A_340 = tpu.sem_alloc : memref<!tpu.dma_semaphore, #tpu.memory_space<semaphore_mem>>
      %dma_start3A_341 = arith.constant 0 : i32
      %dma_start3A_342 = tpu.memref_slice %arg8[%arg0, %mul3A_2, %dma_start3A_341] : memref<2x10112x16xf32, #tpu.memory_space<hbm>> -> memref<1x632x16xf32, #tpu.memory_space<hbm>>
      %dma_start3A_343 = tpu.memref_squeeze %dma_start3A_342 : memref<1x632x16xf32, #tpu.memory_space<hbm>> -> memref<632x16xf32, #tpu.memory_space<hbm>>
      %dma_start3A_344 = arith.constant 0 : i32
      %dma_start3A_345 = tpu.memref_slice %arg17[%mul3A_2, %dma_start3A_344] : memref<10112x16xf32, #tpu.memory_space<vmem_shared>> -> memref<632x16xf32, #tpu.memory_space<vmem_shared>>
      tpu.enqueue_dma source(%dma_start3A_345 : memref<632x16xf32, #tpu.memory_space<vmem_shared>>) target(%dma_start3A_343 : memref<632x16xf32, #tpu.memory_space<hbm>>) target_semaphore(%run_scoped3A_340 : memref<!tpu.dma_semaphore, #tpu.memory_space<semaphore_mem>>)
      %dma_wait3A_346 = arith.constant 0 : i32
      %dma_wait3A_347 = tpu.memref_slice %arg8[%arg0, %mul3A_2, %dma_wait3A_346] : memref<2x10112x16xf32, #tpu.memory_space<hbm>> -> memref<1x632x16xf32, #tpu.memory_space<hbm>>
      %dma_wait3A_348 = tpu.memref_squeeze %dma_wait3A_347 : memref<1x632x16xf32, #tpu.memory_space<hbm>> -> memref<632x16xf32, #tpu.memory_space<hbm>>
      %dma_wait3A_349 = arith.constant 0 : i32
      %dma_wait3A_350 = tpu.memref_slice %arg17[%mul3A_2, %dma_wait3A_349] : memref<10112x16xf32, #tpu.memory_space<vmem_shared>> -> memref<632x16xf32, #tpu.memory_space<vmem_shared>>
      tpu.wait_dma2 semaphore(%run_scoped3A_340 : memref<!tpu.dma_semaphore, #tpu.memory_space<semaphore_mem>>) src(%dma_wait3A_350 : memref<632x16xf32, #tpu.memory_space<vmem_shared>>) dst(%dma_wait3A_348 : memref<632x16xf32, #tpu.memory_space<hbm>>)
      tpu.yield
    }) : () -> ()
    return
  }
}

#map = affine_map<(d0, d1) -> (0, 0)>
#map1 = affine_map<(d0, d1) -> (0, 0, 0)>
module attributes {stable_mosaic.version = 14 : i64} {
  func.func @body(%arg0: i32, %arg1: i32, %arg2: memref<10112x16xf32, #tpu.memory_space<hbm>>, %arg3: memref<2x10112x16xf32, #tpu.memory_space<hbm>>, %arg4: memref<2x320000xi32, #tpu.memory_space<hbm>>, %arg5: memref<10112x16xf32, #tpu.memory_space<hbm>>, %arg6: memref<2x10112x16xf32, #tpu.memory_space<hbm>>, %arg7: memref<10112x16xf32, #tpu.memory_space<hbm>>, %arg8: memref<11024xi32, #tpu.memory_space<vmem>>, %arg9: memref<11024xi32, #tpu.memory_space<vmem>>, %arg10: memref<1024x16xf32, #tpu.memory_space<vmem>>, %arg11: memref<1024x16xf32, #tpu.memory_space<vmem>>, %arg12: memref<1024x16xf32, #tpu.memory_space<vmem>>, %arg13: memref<1024x16xf32, #tpu.memory_space<vmem>>, %arg14: memref<10112x16xf32, #tpu.memory_space<vmem_shared>>, %arg15: memref<10112x16xf32, #tpu.memory_space<vmem_shared>>, %arg16: memref<!tpu.dma_semaphore, #tpu.memory_space<semaphore_mem>>, %arg17: memref<!tpu.dma_semaphore, #tpu.memory_space<semaphore_mem>>, %arg18: memref<!tpu.dma_semaphore, #tpu.memory_space<semaphore_mem>>, %arg19: memref<!tpu.dma_semaphore, #tpu.memory_space<semaphore_mem>>, %arg20: memref<!tpu.dma_semaphore, #tpu.memory_space<semaphore_mem>>, %arg21: memref<!tpu.dma_semaphore, #tpu.memory_space<semaphore_mem>>, %arg22: memref<!tpu.dma_semaphore, #tpu.memory_space<semaphore_mem>>, %arg23: memref<!tpu.dma_semaphore, #tpu.memory_space<semaphore_mem>>) attributes {dimension_semantics = [#tpu.dimension_semantics<core_parallel>, #tpu.dimension_semantics<subcore_parallel>], iteration_bounds = array<i64: 2, 16>, scalar_prefetch = 0 : i64, scratch_operands = 16 : i64, tpu.core_type = #tpu.core_type<sc_vector_subcore>, window_params = [{transform_indices = #map}, {transform_indices = #map1}, {transform_indices = #map}, {transform_indices = #map}, {transform_indices = #map1}, {transform_indices = #map}]} {
    %mul3A = arith.constant 16 : i32
    %mul3A_0 = arith.muli %arg0, %mul3A : i32
    %add3A = arith.addi %mul3A_0, %arg1 : i32
    %mul3A_1 = arith.constant 632 : i32
    %mul3A_2 = arith.muli %arg1, %mul3A_1 : i32
    %eq3A = arith.constant 0 : i32
    %eq3A_3 = arith.cmpi eq, %arg1, %eq3A : i32
    %convert_element_type3A = arith.extui %eq3A_3 : i1 to i32
    %cond3A = arith.constant 0 : i32
    %cond3A_4 = arith.cmpi ne, %convert_element_type3A, %cond3A : i32
    scf.if %cond3A_4 {
      "tpu.region"() ({
        %run_scoped3A_338 = tpu.sem_alloc : memref<!tpu.dma_semaphore, #tpu.memory_space<semaphore_mem>>
        tpu.enqueue_dma source(%arg5 : memref<10112x16xf32, #tpu.memory_space<hbm>>) target(%arg14 : memref<10112x16xf32, #tpu.memory_space<vmem_shared>>) target_semaphore(%run_scoped3A_338 : memref<!tpu.dma_semaphore, #tpu.memory_space<semaphore_mem>>)
        tpu.wait_dma2 semaphore(%run_scoped3A_338 : memref<!tpu.dma_semaphore, #tpu.memory_space<semaphore_mem>>) src(%arg5 : memref<10112x16xf32, #tpu.memory_space<hbm>>) dst(%arg14 : memref<10112x16xf32, #tpu.memory_space<vmem_shared>>)
        tpu.yield
      }) : () -> ()
    } else {
    }
    %mul3A_5 = arith.constant 10000 : i32
    %mul3A_6 = arith.muli %add3A, %mul3A_5 : i32
    %run_scoped3A = arith.constant 0 : i32
    "tpu.region"() ({
      %run_scoped3A_338 = tpu.sem_alloc : memref<!tpu.dma_semaphore, #tpu.memory_space<semaphore_mem>>
      %dma_start3A_339 = arith.constant 0 : i32
      %dma_start3A_340 = tpu.memref_slice %arg8[%dma_start3A_339] : memref<11024xi32, #tpu.memory_space<vmem>> -> memref<10000xi32, #tpu.memory_space<vmem>>
      %dma_start3A_341 = tpu.memref_slice %arg4[%run_scoped3A, %mul3A_6] : memref<2x320000xi32, #tpu.memory_space<hbm>> -> memref<1x10000xi32, #tpu.memory_space<hbm>>
      %dma_start3A_342 = tpu.memref_squeeze %dma_start3A_341 : memref<1x10000xi32, #tpu.memory_space<hbm>> -> memref<10000xi32, #tpu.memory_space<hbm>>
      %dma_start3A_343 = arith.constant 0 : i32
      %dma_start3A_344 = tpu.memref_slice %arg8[%dma_start3A_343] : memref<11024xi32, #tpu.memory_space<vmem>> -> memref<10000xi32, #tpu.memory_space<vmem>>
      %dma_start3A_345 = tpu.memref_slice %arg4[%run_scoped3A, %mul3A_6] : memref<2x320000xi32, #tpu.memory_space<hbm>> -> memref<1x10000xi32, #tpu.memory_space<hbm>>
      %dma_start3A_346 = tpu.memref_squeeze %dma_start3A_345 : memref<1x10000xi32, #tpu.memory_space<hbm>> -> memref<10000xi32, #tpu.memory_space<hbm>>
      tpu.enqueue_dma source(%dma_start3A_346 : memref<10000xi32, #tpu.memory_space<hbm>>) target(%dma_start3A_344 : memref<10000xi32, #tpu.memory_space<vmem>>) target_semaphore(%run_scoped3A_338 : memref<!tpu.dma_semaphore, #tpu.memory_space<semaphore_mem>>)
      %dma_wait3A_347 = arith.constant 0 : i32
      %dma_wait3A_348 = tpu.memref_slice %arg8[%dma_wait3A_347] : memref<11024xi32, #tpu.memory_space<vmem>> -> memref<10000xi32, #tpu.memory_space<vmem>>
      %dma_wait3A_349 = tpu.memref_slice %arg4[%run_scoped3A, %mul3A_6] : memref<2x320000xi32, #tpu.memory_space<hbm>> -> memref<1x10000xi32, #tpu.memory_space<hbm>>
      %dma_wait3A_350 = tpu.memref_squeeze %dma_wait3A_349 : memref<1x10000xi32, #tpu.memory_space<hbm>> -> memref<10000xi32, #tpu.memory_space<hbm>>
      %dma_wait3A_351 = arith.constant 0 : i32
      %dma_wait3A_352 = tpu.memref_slice %arg8[%dma_wait3A_351] : memref<11024xi32, #tpu.memory_space<vmem>> -> memref<10000xi32, #tpu.memory_space<vmem>>
      %dma_wait3A_353 = tpu.memref_slice %arg4[%run_scoped3A, %mul3A_6] : memref<2x320000xi32, #tpu.memory_space<hbm>> -> memref<1x10000xi32, #tpu.memory_space<hbm>>
      %dma_wait3A_354 = tpu.memref_squeeze %dma_wait3A_353 : memref<1x10000xi32, #tpu.memory_space<hbm>> -> memref<10000xi32, #tpu.memory_space<hbm>>
      tpu.wait_dma2 semaphore(%run_scoped3A_338 : memref<!tpu.dma_semaphore, #tpu.memory_space<semaphore_mem>>) src(%dma_wait3A_354 : memref<10000xi32, #tpu.memory_space<hbm>>) dst(%dma_wait3A_352 : memref<10000xi32, #tpu.memory_space<vmem>>)
      tpu.yield
    }) : () -> ()
    %mul3A_7 = arith.constant 10000 : i32
    %mul3A_8 = arith.muli %add3A, %mul3A_7 : i32
    %run_scoped3A_9 = arith.constant 1 : i32
    "tpu.region"() ({
      %run_scoped3A_338 = tpu.sem_alloc : memref<!tpu.dma_semaphore, #tpu.memory_space<semaphore_mem>>
      %dma_start3A_339 = arith.constant 0 : i32
      %dma_start3A_340 = tpu.memref_slice %arg9[%dma_start3A_339] : memref<11024xi32, #tpu.memory_space<vmem>> -> memref<10000xi32, #tpu.memory_space<vmem>>
      %dma_start3A_341 = tpu.memref_slice %arg4[%run_scoped3A_9, %mul3A_8] : memref<2x320000xi32, #tpu.memory_space<hbm>> -> memref<1x10000xi32, #tpu.memory_space<hbm>>
      %dma_start3A_342 = tpu.memref_squeeze %dma_start3A_341 : memref<1x10000xi32, #tpu.memory_space<hbm>> -> memref<10000xi32, #tpu.memory_space<hbm>>
      %dma_start3A_343 = arith.constant 0 : i32
      %dma_start3A_344 = tpu.memref_slice %arg9[%dma_start3A_343] : memref<11024xi32, #tpu.memory_space<vmem>> -> memref<10000xi32, #tpu.memory_space<vmem>>
      %dma_start3A_345 = tpu.memref_slice %arg4[%run_scoped3A_9, %mul3A_8] : memref<2x320000xi32, #tpu.memory_space<hbm>> -> memref<1x10000xi32, #tpu.memory_space<hbm>>
      %dma_start3A_346 = tpu.memref_squeeze %dma_start3A_345 : memref<1x10000xi32, #tpu.memory_space<hbm>> -> memref<10000xi32, #tpu.memory_space<hbm>>
      tpu.enqueue_dma source(%dma_start3A_346 : memref<10000xi32, #tpu.memory_space<hbm>>) target(%dma_start3A_344 : memref<10000xi32, #tpu.memory_space<vmem>>) target_semaphore(%run_scoped3A_338 : memref<!tpu.dma_semaphore, #tpu.memory_space<semaphore_mem>>)
      %dma_wait3A_347 = arith.constant 0 : i32
      %dma_wait3A_348 = tpu.memref_slice %arg9[%dma_wait3A_347] : memref<11024xi32, #tpu.memory_space<vmem>> -> memref<10000xi32, #tpu.memory_space<vmem>>
      %dma_wait3A_349 = tpu.memref_slice %arg4[%run_scoped3A_9, %mul3A_8] : memref<2x320000xi32, #tpu.memory_space<hbm>> -> memref<1x10000xi32, #tpu.memory_space<hbm>>
      %dma_wait3A_350 = tpu.memref_squeeze %dma_wait3A_349 : memref<1x10000xi32, #tpu.memory_space<hbm>> -> memref<10000xi32, #tpu.memory_space<hbm>>
      %dma_wait3A_351 = arith.constant 0 : i32
      %dma_wait3A_352 = tpu.memref_slice %arg9[%dma_wait3A_351] : memref<11024xi32, #tpu.memory_space<vmem>> -> memref<10000xi32, #tpu.memory_space<vmem>>
      %dma_wait3A_353 = tpu.memref_slice %arg4[%run_scoped3A_9, %mul3A_8] : memref<2x320000xi32, #tpu.memory_space<hbm>> -> memref<1x10000xi32, #tpu.memory_space<hbm>>
      %dma_wait3A_354 = tpu.memref_squeeze %dma_wait3A_353 : memref<1x10000xi32, #tpu.memory_space<hbm>> -> memref<10000xi32, #tpu.memory_space<hbm>>
      tpu.wait_dma2 semaphore(%run_scoped3A_338 : memref<!tpu.dma_semaphore, #tpu.memory_space<semaphore_mem>>) src(%dma_wait3A_354 : memref<10000xi32, #tpu.memory_space<hbm>>) dst(%dma_wait3A_352 : memref<10000xi32, #tpu.memory_space<vmem>>)
      tpu.yield
    }) : () -> ()
    %run_scoped3A_10 = arith.constant 0 : i32
    "tpu.region"() ({
      %run_scoped3A_338 = tpu.sem_alloc : memref<!tpu.dma_semaphore, #tpu.memory_space<semaphore_mem>>
      %dma_start3A_339 = arith.constant 0 : i32
      %dma_start3A_340 = arith.constant 0 : i32
      %dma_start3A_341 = tpu.memref_slice %arg10[%dma_start3A_339, %dma_start3A_340] : memref<1024x16xf32, #tpu.memory_space<vmem>> -> memref<632x16xf32, #tpu.memory_space<vmem>>
      %dma_start3A_342 = arith.constant 0 : i32
      %dma_start3A_343 = tpu.memref_slice %arg3[%run_scoped3A_10, %mul3A_2, %dma_start3A_342] : memref<2x10112x16xf32, #tpu.memory_space<hbm>> -> memref<1x632x16xf32, #tpu.memory_space<hbm>>
      %dma_start3A_344 = tpu.memref_squeeze %dma_start3A_343 : memref<1x632x16xf32, #tpu.memory_space<hbm>> -> memref<632x16xf32, #tpu.memory_space<hbm>>
      %dma_start3A_345 = arith.constant 0 : i32
      %dma_start3A_346 = arith.constant 0 : i32
      %dma_start3A_347 = tpu.memref_slice %arg10[%dma_start3A_345, %dma_start3A_346] : memref<1024x16xf32, #tpu.memory_space<vmem>> -> memref<632x16xf32, #tpu.memory_space<vmem>>
      %dma_start3A_348 = arith.constant 0 : i32
      %dma_start3A_349 = tpu.memref_slice %arg3[%run_scoped3A_10, %mul3A_2, %dma_start3A_348] : memref<2x10112x16xf32, #tpu.memory_space<hbm>> -> memref<1x632x16xf32, #tpu.memory_space<hbm>>
      %dma_start3A_350 = tpu.memref_squeeze %dma_start3A_349 : memref<1x632x16xf32, #tpu.memory_space<hbm>> -> memref<632x16xf32, #tpu.memory_space<hbm>>
      tpu.enqueue_dma source(%dma_start3A_350 : memref<632x16xf32, #tpu.memory_space<hbm>>) target(%dma_start3A_347 : memref<632x16xf32, #tpu.memory_space<vmem>>) target_semaphore(%run_scoped3A_338 : memref<!tpu.dma_semaphore, #tpu.memory_space<semaphore_mem>>)
      %dma_wait3A_351 = arith.constant 0 : i32
      %dma_wait3A_352 = arith.constant 0 : i32
      %dma_wait3A_353 = tpu.memref_slice %arg10[%dma_wait3A_351, %dma_wait3A_352] : memref<1024x16xf32, #tpu.memory_space<vmem>> -> memref<632x16xf32, #tpu.memory_space<vmem>>
      %dma_wait3A_354 = arith.constant 0 : i32
      %dma_wait3A_355 = tpu.memref_slice %arg3[%run_scoped3A_10, %mul3A_2, %dma_wait3A_354] : memref<2x10112x16xf32, #tpu.memory_space<hbm>> -> memref<1x632x16xf32, #tpu.memory_space<hbm>>
      %dma_wait3A_356 = tpu.memref_squeeze %dma_wait3A_355 : memref<1x632x16xf32, #tpu.memory_space<hbm>> -> memref<632x16xf32, #tpu.memory_space<hbm>>
      %dma_wait3A_357 = arith.constant 0 : i32
      %dma_wait3A_358 = arith.constant 0 : i32
      %dma_wait3A_359 = tpu.memref_slice %arg10[%dma_wait3A_357, %dma_wait3A_358] : memref<1024x16xf32, #tpu.memory_space<vmem>> -> memref<632x16xf32, #tpu.memory_space<vmem>>
      %dma_wait3A_360 = arith.constant 0 : i32
      %dma_wait3A_361 = tpu.memref_slice %arg3[%run_scoped3A_10, %mul3A_2, %dma_wait3A_360] : memref<2x10112x16xf32, #tpu.memory_space<hbm>> -> memref<1x632x16xf32, #tpu.memory_space<hbm>>
      %dma_wait3A_362 = tpu.memref_squeeze %dma_wait3A_361 : memref<1x632x16xf32, #tpu.memory_space<hbm>> -> memref<632x16xf32, #tpu.memory_space<hbm>>
      tpu.wait_dma2 semaphore(%run_scoped3A_338 : memref<!tpu.dma_semaphore, #tpu.memory_space<semaphore_mem>>) src(%dma_wait3A_362 : memref<632x16xf32, #tpu.memory_space<hbm>>) dst(%dma_wait3A_359 : memref<632x16xf32, #tpu.memory_space<vmem>>)
      tpu.yield
    }) : () -> ()
    %run_scoped3A_11 = arith.constant 1 : i32
    "tpu.region"() ({
      %run_scoped3A_338 = tpu.sem_alloc : memref<!tpu.dma_semaphore, #tpu.memory_space<semaphore_mem>>
      %dma_start3A_339 = arith.constant 0 : i32
      %dma_start3A_340 = arith.constant 0 : i32
      %dma_start3A_341 = tpu.memref_slice %arg11[%dma_start3A_339, %dma_start3A_340] : memref<1024x16xf32, #tpu.memory_space<vmem>> -> memref<632x16xf32, #tpu.memory_space<vmem>>
      %dma_start3A_342 = arith.constant 0 : i32
      %dma_start3A_343 = tpu.memref_slice %arg3[%run_scoped3A_11, %mul3A_2, %dma_start3A_342] : memref<2x10112x16xf32, #tpu.memory_space<hbm>> -> memref<1x632x16xf32, #tpu.memory_space<hbm>>
      %dma_start3A_344 = tpu.memref_squeeze %dma_start3A_343 : memref<1x632x16xf32, #tpu.memory_space<hbm>> -> memref<632x16xf32, #tpu.memory_space<hbm>>
      %dma_start3A_345 = arith.constant 0 : i32
      %dma_start3A_346 = arith.constant 0 : i32
      %dma_start3A_347 = tpu.memref_slice %arg11[%dma_start3A_345, %dma_start3A_346] : memref<1024x16xf32, #tpu.memory_space<vmem>> -> memref<632x16xf32, #tpu.memory_space<vmem>>
      %dma_start3A_348 = arith.constant 0 : i32
      %dma_start3A_349 = tpu.memref_slice %arg3[%run_scoped3A_11, %mul3A_2, %dma_start3A_348] : memref<2x10112x16xf32, #tpu.memory_space<hbm>> -> memref<1x632x16xf32, #tpu.memory_space<hbm>>
      %dma_start3A_350 = tpu.memref_squeeze %dma_start3A_349 : memref<1x632x16xf32, #tpu.memory_space<hbm>> -> memref<632x16xf32, #tpu.memory_space<hbm>>
      tpu.enqueue_dma source(%dma_start3A_350 : memref<632x16xf32, #tpu.memory_space<hbm>>) target(%dma_start3A_347 : memref<632x16xf32, #tpu.memory_space<vmem>>) target_semaphore(%run_scoped3A_338 : memref<!tpu.dma_semaphore, #tpu.memory_space<semaphore_mem>>)
      %dma_wait3A_351 = arith.constant 0 : i32
      %dma_wait3A_352 = arith.constant 0 : i32
      %dma_wait3A_353 = tpu.memref_slice %arg11[%dma_wait3A_351, %dma_wait3A_352] : memref<1024x16xf32, #tpu.memory_space<vmem>> -> memref<632x16xf32, #tpu.memory_space<vmem>>
      %dma_wait3A_354 = arith.constant 0 : i32
      %dma_wait3A_355 = tpu.memref_slice %arg3[%run_scoped3A_11, %mul3A_2, %dma_wait3A_354] : memref<2x10112x16xf32, #tpu.memory_space<hbm>> -> memref<1x632x16xf32, #tpu.memory_space<hbm>>
      %dma_wait3A_356 = tpu.memref_squeeze %dma_wait3A_355 : memref<1x632x16xf32, #tpu.memory_space<hbm>> -> memref<632x16xf32, #tpu.memory_space<hbm>>
      %dma_wait3A_357 = arith.constant 0 : i32
      %dma_wait3A_358 = arith.constant 0 : i32
      %dma_wait3A_359 = tpu.memref_slice %arg11[%dma_wait3A_357, %dma_wait3A_358] : memref<1024x16xf32, #tpu.memory_space<vmem>> -> memref<632x16xf32, #tpu.memory_space<vmem>>
      %dma_wait3A_360 = arith.constant 0 : i32
      %dma_wait3A_361 = tpu.memref_slice %arg3[%run_scoped3A_11, %mul3A_2, %dma_wait3A_360] : memref<2x10112x16xf32, #tpu.memory_space<hbm>> -> memref<1x632x16xf32, #tpu.memory_space<hbm>>
      %dma_wait3A_362 = tpu.memref_squeeze %dma_wait3A_361 : memref<1x632x16xf32, #tpu.memory_space<hbm>> -> memref<632x16xf32, #tpu.memory_space<hbm>>
      tpu.wait_dma2 semaphore(%run_scoped3A_338 : memref<!tpu.dma_semaphore, #tpu.memory_space<semaphore_mem>>) src(%dma_wait3A_362 : memref<632x16xf32, #tpu.memory_space<hbm>>) dst(%dma_wait3A_359 : memref<632x16xf32, #tpu.memory_space<vmem>>)
      tpu.yield
    }) : () -> ()
    "tpu.region"() ({
      %run_scoped3A_338 = tpu.sem_alloc : memref<!tpu.dma_semaphore, #tpu.memory_space<semaphore_mem>>
      %dma_start3A_339 = arith.constant 0 : i32
      %dma_start3A_340 = arith.constant 0 : i32
      %dma_start3A_341 = tpu.memref_slice %arg12[%dma_start3A_339, %dma_start3A_340] : memref<1024x16xf32, #tpu.memory_space<vmem>> -> memref<632x16xf32, #tpu.memory_space<vmem>>
      %dma_start3A_342 = arith.constant 0 : i32
      %dma_start3A_343 = tpu.memref_slice %arg2[%mul3A_2, %dma_start3A_342] : memref<10112x16xf32, #tpu.memory_space<hbm>> -> memref<632x16xf32, #tpu.memory_space<hbm>>
      %dma_start3A_344 = arith.constant 0 : i32
      %dma_start3A_345 = arith.constant 0 : i32
      %dma_start3A_346 = tpu.memref_slice %arg12[%dma_start3A_344, %dma_start3A_345] : memref<1024x16xf32, #tpu.memory_space<vmem>> -> memref<632x16xf32, #tpu.memory_space<vmem>>
      %dma_start3A_347 = arith.constant 0 : i32
      %dma_start3A_348 = tpu.memref_slice %arg2[%mul3A_2, %dma_start3A_347] : memref<10112x16xf32, #tpu.memory_space<hbm>> -> memref<632x16xf32, #tpu.memory_space<hbm>>
      tpu.enqueue_dma source(%dma_start3A_348 : memref<632x16xf32, #tpu.memory_space<hbm>>) target(%dma_start3A_346 : memref<632x16xf32, #tpu.memory_space<vmem>>) target_semaphore(%run_scoped3A_338 : memref<!tpu.dma_semaphore, #tpu.memory_space<semaphore_mem>>)
      %dma_wait3A_349 = arith.constant 0 : i32
      %dma_wait3A_350 = arith.constant 0 : i32
      %dma_wait3A_351 = tpu.memref_slice %arg12[%dma_wait3A_349, %dma_wait3A_350] : memref<1024x16xf32, #tpu.memory_space<vmem>> -> memref<632x16xf32, #tpu.memory_space<vmem>>
      %dma_wait3A_352 = arith.constant 0 : i32
      %dma_wait3A_353 = tpu.memref_slice %arg2[%mul3A_2, %dma_wait3A_352] : memref<10112x16xf32, #tpu.memory_space<hbm>> -> memref<632x16xf32, #tpu.memory_space<hbm>>
      %dma_wait3A_354 = arith.constant 0 : i32
      %dma_wait3A_355 = arith.constant 0 : i32
      %dma_wait3A_356 = tpu.memref_slice %arg12[%dma_wait3A_354, %dma_wait3A_355] : memref<1024x16xf32, #tpu.memory_space<vmem>> -> memref<632x16xf32, #tpu.memory_space<vmem>>
      %dma_wait3A_357 = arith.constant 0 : i32
      %dma_wait3A_358 = tpu.memref_slice %arg2[%mul3A_2, %dma_wait3A_357] : memref<10112x16xf32, #tpu.memory_space<hbm>> -> memref<632x16xf32, #tpu.memory_space<hbm>>
      tpu.wait_dma2 semaphore(%run_scoped3A_338 : memref<!tpu.dma_semaphore, #tpu.memory_space<semaphore_mem>>) src(%dma_wait3A_358 : memref<632x16xf32, #tpu.memory_space<hbm>>) dst(%dma_wait3A_356 : memref<632x16xf32, #tpu.memory_space<vmem>>)
      tpu.yield
    }) : () -> ()
    %parallel_loop3A = arith.constant 0 : i32
    %parallel_loop3A_12 = arith.constant 632 : i32
    %parallel_loop3A_13 = arith.constant 1 : i32
    scf.for %parallel_loop3A_338 = %parallel_loop3A to %parallel_loop3A_12 step %parallel_loop3A_13  : i32 {
      %parallel_loop3A_339 = arith.index_cast %parallel_loop3A_338 : i32 to index
      %parallel_loop3A_340 = arith.constant 0 : index
      %parallel_loop3A_341 = tpu.vector_load %arg10[%parallel_loop3A_339, %parallel_loop3A_340] {strides = array<i32>} : memref<1024x16xf32, #tpu.memory_space<vmem>>, vector<1x16xf32>,
      %parallel_loop3A_342 = vector.shape_cast %parallel_loop3A_341 : vector<1x16xf32> to vector<16xf32>
      %parallel_loop3A_343 = arith.index_cast %parallel_loop3A_338 : i32 to index
      %parallel_loop3A_344 = arith.constant 0 : index
      %parallel_loop3A_345 = tpu.vector_load %arg11[%parallel_loop3A_343, %parallel_loop3A_344] {strides = array<i32>} : memref<1024x16xf32, #tpu.memory_space<vmem>>, vector<1x16xf32>,
      %parallel_loop3A_346 = vector.shape_cast %parallel_loop3A_345 : vector<1x16xf32> to vector<16xf32>
      %parallel_loop3A_347 = arith.addf %parallel_loop3A_342, %parallel_loop3A_346 : vector<16xf32>
      %parallel_loop3A_348 = arith.constant 1.000000e+00 : f32
      %parallel_loop3A_349 = vector.broadcast %parallel_loop3A_348 : f32 to vector<16xf32>
      %parallel_loop3A_350 = arith.addf %parallel_loop3A_347, %parallel_loop3A_349 : vector<16xf32>
      %parallel_loop3A_351 = tpu.bitcast %parallel_loop3A_350 : vector<16xf32> -> vector<16xi32>
      %parallel_loop3A_352 = arith.constant 1 : i32
      %parallel_loop3A_353 = vector.broadcast %parallel_loop3A_352 : i32 to vector<16xi32>
      %parallel_loop3A_354 = arith.shrui %parallel_loop3A_351, %parallel_loop3A_353 : vector<16xi32>
      %parallel_loop3A_355 = arith.constant 1597463007 : i32
      %parallel_loop3A_356 = vector.broadcast %parallel_loop3A_355 : i32 to vector<16xi32>
      %parallel_loop3A_357 = arith.subi %parallel_loop3A_356, %parallel_loop3A_354 : vector<16xi32>
      %parallel_loop3A_358 = tpu.bitcast %parallel_loop3A_357 : vector<16xi32> -> vector<16xf32>
      %parallel_loop3A_359 = arith.constant 5.000000e-01 : f32
      %parallel_loop3A_360 = vector.broadcast %parallel_loop3A_359 : f32 to vector<16xf32>
      %parallel_loop3A_361 = arith.mulf %parallel_loop3A_360, %parallel_loop3A_350 : vector<16xf32>
      %parallel_loop3A_362 = arith.mulf %parallel_loop3A_361, %parallel_loop3A_358 : vector<16xf32>
      %parallel_loop3A_363 = arith.mulf %parallel_loop3A_362, %parallel_loop3A_358 : vector<16xf32>
      %parallel_loop3A_364 = arith.constant 1.500000e+00 : f32
      %parallel_loop3A_365 = vector.broadcast %parallel_loop3A_364 : f32 to vector<16xf32>
      %parallel_loop3A_366 = arith.subf %parallel_loop3A_365, %parallel_loop3A_363 : vector<16xf32>
      %parallel_loop3A_367 = arith.mulf %parallel_loop3A_358, %parallel_loop3A_366 : vector<16xf32>
      %parallel_loop3A_368 = arith.constant 5.000000e-01 : f32
      %parallel_loop3A_369 = vector.broadcast %parallel_loop3A_368 : f32 to vector<16xf32>
      %parallel_loop3A_370 = arith.mulf %parallel_loop3A_369, %parallel_loop3A_350 : vector<16xf32>
      %parallel_loop3A_371 = arith.mulf %parallel_loop3A_370, %parallel_loop3A_367 : vector<16xf32>
      %parallel_loop3A_372 = arith.mulf %parallel_loop3A_371, %parallel_loop3A_367 : vector<16xf32>
      %parallel_loop3A_373 = arith.constant 1.500000e+00 : f32
      %parallel_loop3A_374 = vector.broadcast %parallel_loop3A_373 : f32 to vector<16xf32>
      %parallel_loop3A_375 = arith.subf %parallel_loop3A_374, %parallel_loop3A_372 : vector<16xf32>
      %parallel_loop3A_376 = arith.mulf %parallel_loop3A_367, %parallel_loop3A_375 : vector<16xf32>
      %parallel_loop3A_377 = arith.constant 5.000000e-01 : f32
      %parallel_loop3A_378 = vector.broadcast %parallel_loop3A_377 : f32 to vector<16xf32>
      %parallel_loop3A_379 = arith.mulf %parallel_loop3A_378, %parallel_loop3A_350 : vector<16xf32>
      %parallel_loop3A_380 = arith.mulf %parallel_loop3A_379, %parallel_loop3A_376 : vector<16xf32>
      %parallel_loop3A_381 = arith.mulf %parallel_loop3A_380, %parallel_loop3A_376 : vector<16xf32>
      %parallel_loop3A_382 = arith.constant 1.500000e+00 : f32
      %parallel_loop3A_383 = vector.broadcast %parallel_loop3A_382 : f32 to vector<16xf32>
      %parallel_loop3A_384 = arith.subf %parallel_loop3A_383, %parallel_loop3A_381 : vector<16xf32>
      %parallel_loop3A_385 = arith.mulf %parallel_loop3A_376, %parallel_loop3A_384 : vector<16xf32>
      %parallel_loop3A_386 = arith.index_cast %parallel_loop3A_338 : i32 to index
      %parallel_loop3A_387 = arith.constant 0 : index
      %parallel_loop3A_388 = tpu.vector_load %arg10[%parallel_loop3A_386, %parallel_loop3A_387] {strides = array<i32>} : memref<1024x16xf32, #tpu.memory_space<vmem>>, vector<1x16xf32>,
      %parallel_loop3A_389 = vector.shape_cast %parallel_loop3A_388 : vector<1x16xf32> to vector<16xf32>
      %parallel_loop3A_390 = vector.shape_cast %parallel_loop3A_385 : vector<16xf32> to vector<1x16xf32>
      tpu.vector_store %arg10[%parallel_loop3A_386, %parallel_loop3A_387], %parallel_loop3A_390 {strides = array<i32>} : memref<1024x16xf32, #tpu.memory_space<vmem>>, vector<1x16xf32>,
      %parallel_loop3A_391 = arith.index_cast %parallel_loop3A_338 : i32 to index
      %parallel_loop3A_392 = arith.constant 0 : index
      %parallel_loop3A_393 = tpu.vector_load %arg12[%parallel_loop3A_391, %parallel_loop3A_392] {strides = array<i32>} : memref<1024x16xf32, #tpu.memory_space<vmem>>, vector<1x16xf32>,
      %parallel_loop3A_394 = vector.shape_cast %parallel_loop3A_393 : vector<1x16xf32> to vector<16xf32>
      %parallel_loop3A_395 = arith.mulf %parallel_loop3A_385, %parallel_loop3A_394 : vector<16xf32>
      %parallel_loop3A_396 = arith.index_cast %parallel_loop3A_338 : i32 to index
      %parallel_loop3A_397 = arith.constant 0 : index
      %parallel_loop3A_398 = tpu.vector_load %arg12[%parallel_loop3A_396, %parallel_loop3A_397] {strides = array<i32>} : memref<1024x16xf32, #tpu.memory_space<vmem>>, vector<1x16xf32>,
      %parallel_loop3A_399 = vector.shape_cast %parallel_loop3A_398 : vector<1x16xf32> to vector<16xf32>
      %parallel_loop3A_400 = vector.shape_cast %parallel_loop3A_395 : vector<16xf32> to vector<1x16xf32>
      tpu.vector_store %arg12[%parallel_loop3A_396, %parallel_loop3A_397], %parallel_loop3A_400 {strides = array<i32>} : memref<1024x16xf32, #tpu.memory_space<vmem>>, vector<1x16xf32>,
    } {sc.loop_unroll_factor = 8 : i64, sc.parallel_access}
    "tpu.region"() ({
      %run_scoped3A_338 = tpu.sem_alloc : memref<!tpu.dma_semaphore, #tpu.memory_space<semaphore_mem>>
      %dma_start3A_339 = arith.constant 0 : i32
      %dma_start3A_340 = arith.constant 0 : i32
      %dma_start3A_341 = tpu.memref_slice %arg12[%dma_start3A_339, %dma_start3A_340] : memref<1024x16xf32, #tpu.memory_space<vmem>> -> memref<632x16xf32, #tpu.memory_space<vmem>>
      %dma_start3A_342 = arith.constant 0 : i32
      %dma_start3A_343 = tpu.memref_slice %arg15[%mul3A_2, %dma_start3A_342] : memref<10112x16xf32, #tpu.memory_space<vmem_shared>> -> memref<632x16xf32, #tpu.memory_space<vmem_shared>>
      %dma_start3A_344 = arith.constant 0 : i32
      %dma_start3A_345 = tpu.memref_slice %arg15[%mul3A_2, %dma_start3A_344] : memref<10112x16xf32, #tpu.memory_space<vmem_shared>> -> memref<632x16xf32, #tpu.memory_space<vmem_shared>>
      %dma_start3A_346 = arith.constant 0 : i32
      %dma_start3A_347 = arith.constant 0 : i32
      %dma_start3A_348 = tpu.memref_slice %arg12[%dma_start3A_346, %dma_start3A_347] : memref<1024x16xf32, #tpu.memory_space<vmem>> -> memref<632x16xf32, #tpu.memory_space<vmem>>
      tpu.enqueue_dma source(%dma_start3A_348 : memref<632x16xf32, #tpu.memory_space<vmem>>) target(%dma_start3A_345 : memref<632x16xf32, #tpu.memory_space<vmem_shared>>) target_semaphore(%run_scoped3A_338 : memref<!tpu.dma_semaphore, #tpu.memory_space<semaphore_mem>>)
      %dma_wait3A_349 = arith.constant 0 : i32
      %dma_wait3A_350 = arith.constant 0 : i32
      %dma_wait3A_351 = tpu.memref_slice %arg12[%dma_wait3A_349, %dma_wait3A_350] : memref<1024x16xf32, #tpu.memory_space<vmem>> -> memref<632x16xf32, #tpu.memory_space<vmem>>
      %dma_wait3A_352 = arith.constant 0 : i32
      %dma_wait3A_353 = tpu.memref_slice %arg15[%mul3A_2, %dma_wait3A_352] : memref<10112x16xf32, #tpu.memory_space<vmem_shared>> -> memref<632x16xf32, #tpu.memory_space<vmem_shared>>
      %dma_wait3A_354 = arith.constant 0 : i32
      %dma_wait3A_355 = tpu.memref_slice %arg15[%mul3A_2, %dma_wait3A_354] : memref<10112x16xf32, #tpu.memory_space<vmem_shared>> -> memref<632x16xf32, #tpu.memory_space<vmem_shared>>
      %dma_wait3A_356 = arith.constant 0 : i32
      %dma_wait3A_357 = arith.constant 0 : i32
      %dma_wait3A_358 = tpu.memref_slice %arg12[%dma_wait3A_356, %dma_wait3A_357] : memref<1024x16xf32, #tpu.memory_space<vmem>> -> memref<632x16xf32, #tpu.memory_space<vmem>>
      tpu.wait_dma2 semaphore(%run_scoped3A_338 : memref<!tpu.dma_semaphore, #tpu.memory_space<semaphore_mem>>) src(%dma_wait3A_358 : memref<632x16xf32, #tpu.memory_space<vmem>>) dst(%dma_wait3A_355 : memref<632x16xf32, #tpu.memory_space<vmem_shared>>)
      tpu.yield
    }) : () -> ()
    %eq3A_14 = arith.constant 0 : i32
    %eq3A_15 = arith.cmpi eq, %arg0, %eq3A_14 : i32
    %convert_element_type3A_16 = arith.extui %eq3A_15 : i1 to i32
    %cond3A_17 = arith.constant 0 : i32
    %cond3A_18 = arith.cmpi ne, %convert_element_type3A_16, %cond3A_17 : i32
    scf.if %cond3A_18 {
      "tpu.region"() ({
        %run_scoped3A_338 = tpu.sem_alloc : memref<!tpu.dma_semaphore, #tpu.memory_space<semaphore_mem>>
        %dma_start3A_339 = arith.constant 0 : i32
        %dma_start3A_340 = arith.constant 0 : i32
        %dma_start3A_341 = tpu.memref_slice %arg10[%dma_start3A_339, %dma_start3A_340] : memref<1024x16xf32, #tpu.memory_space<vmem>> -> memref<632x16xf32, #tpu.memory_space<vmem>>
        %dma_start3A_342 = arith.constant 0 : i32
        %dma_start3A_343 = tpu.memref_slice %arg7[%mul3A_2, %dma_start3A_342] : memref<10112x16xf32, #tpu.memory_space<hbm>> -> memref<632x16xf32, #tpu.memory_space<hbm>>
        %dma_start3A_344 = arith.constant 0 : i32
        %dma_start3A_345 = tpu.memref_slice %arg7[%mul3A_2, %dma_start3A_344] : memref<10112x16xf32, #tpu.memory_space<hbm>> -> memref<632x16xf32, #tpu.memory_space<hbm>>
        %dma_start3A_346 = arith.constant 0 : i32
        %dma_start3A_347 = arith.constant 0 : i32
        %dma_start3A_348 = tpu.memref_slice %arg10[%dma_start3A_346, %dma_start3A_347] : memref<1024x16xf32, #tpu.memory_space<vmem>> -> memref<632x16xf32, #tpu.memory_space<vmem>>
        tpu.enqueue_dma source(%dma_start3A_348 : memref<632x16xf32, #tpu.memory_space<vmem>>) target(%dma_start3A_345 : memref<632x16xf32, #tpu.memory_space<hbm>>) target_semaphore(%run_scoped3A_338 : memref<!tpu.dma_semaphore, #tpu.memory_space<semaphore_mem>>)
        %dma_wait3A_349 = arith.constant 0 : i32
        %dma_wait3A_350 = arith.constant 0 : i32
        %dma_wait3A_351 = tpu.memref_slice %arg10[%dma_wait3A_349, %dma_wait3A_350] : memref<1024x16xf32, #tpu.memory_space<vmem>> -> memref<632x16xf32, #tpu.memory_space<vmem>>
        %dma_wait3A_352 = arith.constant 0 : i32
        %dma_wait3A_353 = tpu.memref_slice %arg7[%mul3A_2, %dma_wait3A_352] : memref<10112x16xf32, #tpu.memory_space<hbm>> -> memref<632x16xf32, #tpu.memory_space<hbm>>
        %dma_wait3A_354 = arith.constant 0 : i32
        %dma_wait3A_355 = tpu.memref_slice %arg7[%mul3A_2, %dma_wait3A_354] : memref<10112x16xf32, #tpu.memory_space<hbm>> -> memref<632x16xf32, #tpu.memory_space<hbm>>
        %dma_wait3A_356 = arith.constant 0 : i32
        %dma_wait3A_357 = arith.constant 0 : i32
        %dma_wait3A_358 = tpu.memref_slice %arg10[%dma_wait3A_356, %dma_wait3A_357] : memref<1024x16xf32, #tpu.memory_space<vmem>> -> memref<632x16xf32, #tpu.memory_space<vmem>>
        tpu.wait_dma2 semaphore(%run_scoped3A_338 : memref<!tpu.dma_semaphore, #tpu.memory_space<semaphore_mem>>) src(%dma_wait3A_358 : memref<632x16xf32, #tpu.memory_space<vmem>>) dst(%dma_wait3A_355 : memref<632x16xf32, #tpu.memory_space<hbm>>)
        tpu.yield
      }) : () -> ()
    } else {
    }
    %barrier3A = arith.constant 0 : index
    tpu.barrier barrier_id(%barrier3A)
    %dma_start3A = arith.constant 0 : i32
    %dma_start3A_19 = arith.constant 0 : i32
    %dma_start3A_20 = tpu.memref_slice %arg10[%dma_start3A, %dma_start3A_19] : memref<1024x16xf32, #tpu.memory_space<vmem>> -> memref<1024x16xf32, #tpu.memory_space<vmem>>
    %dma_start3A_21 = arith.constant 0 : i32
    %dma_start3A_22 = tpu.memref_slice %arg8[%dma_start3A_21] : memref<11024xi32, #tpu.memory_space<vmem>> -> memref<1024xi32, #tpu.memory_space<vmem>>
    %dma_start3A_23 = arith.constant 0 : i32
    %dma_start3A_24 = arith.constant 0 : i32
    %dma_start3A_25 = tpu.memref_slice %arg15[%dma_start3A_23, %dma_start3A_24] : memref<10112x16xf32, #tpu.memory_space<vmem_shared>> -> memref<10112x16xf32, #tpu.memory_space<vmem_shared>>
    tpu.enqueue_indirect_dma source(%dma_start3A_25 : memref<10112x16xf32, #tpu.memory_space<vmem_shared>>) target(%dma_start3A_20 : memref<1024x16xf32, #tpu.memory_space<vmem>>) offsets(%dma_start3A_22 : memref<1024xi32, #tpu.memory_space<vmem>>) semaphore(%arg16 : memref<!tpu.dma_semaphore, #tpu.memory_space<semaphore_mem>>)
    %dma_start3A_26 = arith.constant 0 : i32
    %dma_start3A_27 = arith.constant 0 : i32
    %dma_start3A_28 = tpu.memref_slice %arg11[%dma_start3A_26, %dma_start3A_27] : memref<1024x16xf32, #tpu.memory_space<vmem>> -> memref<1024x16xf32, #tpu.memory_space<vmem>>
    %dma_start3A_29 = arith.constant 1024 : i32
    %dma_start3A_30 = tpu.memref_slice %arg8[%dma_start3A_29] : memref<11024xi32, #tpu.memory_space<vmem>> -> memref<1024xi32, #tpu.memory_space<vmem>>
    %dma_start3A_31 = arith.constant 0 : i32
    %dma_start3A_32 = arith.constant 0 : i32
    %dma_start3A_33 = tpu.memref_slice %arg15[%dma_start3A_31, %dma_start3A_32] : memref<10112x16xf32, #tpu.memory_space<vmem_shared>> -> memref<10112x16xf32, #tpu.memory_space<vmem_shared>>
    tpu.enqueue_indirect_dma source(%dma_start3A_33 : memref<10112x16xf32, #tpu.memory_space<vmem_shared>>) target(%dma_start3A_28 : memref<1024x16xf32, #tpu.memory_space<vmem>>) offsets(%dma_start3A_30 : memref<1024xi32, #tpu.memory_space<vmem>>) semaphore(%arg17 : memref<!tpu.dma_semaphore, #tpu.memory_space<semaphore_mem>>)
    %dma_start3A_34 = arith.constant 0 : i32
    %dma_start3A_35 = arith.constant 0 : i32
    %dma_start3A_36 = tpu.memref_slice %arg12[%dma_start3A_34, %dma_start3A_35] : memref<1024x16xf32, #tpu.memory_space<vmem>> -> memref<1024x16xf32, #tpu.memory_space<vmem>>
    %dma_start3A_37 = arith.constant 2048 : i32
    %dma_start3A_38 = tpu.memref_slice %arg8[%dma_start3A_37] : memref<11024xi32, #tpu.memory_space<vmem>> -> memref<1024xi32, #tpu.memory_space<vmem>>
    %dma_start3A_39 = arith.constant 0 : i32
    %dma_start3A_40 = arith.constant 0 : i32
    %dma_start3A_41 = tpu.memref_slice %arg15[%dma_start3A_39, %dma_start3A_40] : memref<10112x16xf32, #tpu.memory_space<vmem_shared>> -> memref<10112x16xf32, #tpu.memory_space<vmem_shared>>
    tpu.enqueue_indirect_dma source(%dma_start3A_41 : memref<10112x16xf32, #tpu.memory_space<vmem_shared>>) target(%dma_start3A_36 : memref<1024x16xf32, #tpu.memory_space<vmem>>) offsets(%dma_start3A_38 : memref<1024xi32, #tpu.memory_space<vmem>>) semaphore(%arg18 : memref<!tpu.dma_semaphore, #tpu.memory_space<semaphore_mem>>)
    %dma_wait3A = arith.constant 0 : i32
    %dma_wait3A_42 = arith.constant 0 : i32
    %dma_wait3A_43 = tpu.memref_slice %arg10[%dma_wait3A, %dma_wait3A_42] : memref<1024x16xf32, #tpu.memory_space<vmem>> -> memref<1024x16xf32, #tpu.memory_space<vmem>>
    %dma_wait3A_44 = arith.constant 0 : i32
    %dma_wait3A_45 = tpu.memref_slice %arg8[%dma_wait3A_44] : memref<11024xi32, #tpu.memory_space<vmem>> -> memref<1024xi32, #tpu.memory_space<vmem>>
    %dma_wait3A_46 = arith.constant 0 : i32
    %dma_wait3A_47 = arith.constant 0 : i32
    %dma_wait3A_48 = tpu.memref_slice %arg15[%dma_wait3A_46, %dma_wait3A_47] : memref<10112x16xf32, #tpu.memory_space<vmem_shared>> -> memref<10112x16xf32, #tpu.memory_space<vmem_shared>>
    tpu.wait_indirect_dma semaphore(%arg16 : memref<!tpu.dma_semaphore, #tpu.memory_space<semaphore_mem>>) src(%dma_wait3A_48 : memref<10112x16xf32, #tpu.memory_space<vmem_shared>>) dst(%dma_wait3A_43 : memref<1024x16xf32, #tpu.memory_space<vmem>>)
    %dma_start3A_49 = arith.constant 0 : i32
    %dma_start3A_50 = arith.constant 0 : i32
    %dma_start3A_51 = tpu.memref_slice %arg10[%dma_start3A_49, %dma_start3A_50] : memref<1024x16xf32, #tpu.memory_space<vmem>> -> memref<1024x16xf32, #tpu.memory_space<vmem>>
    %dma_start3A_52 = arith.constant 0 : i32
    %dma_start3A_53 = tpu.memref_slice %arg9[%dma_start3A_52] : memref<11024xi32, #tpu.memory_space<vmem>> -> memref<1024xi32, #tpu.memory_space<vmem>>
    %dma_start3A_54 = arith.constant 0 : i32
    %dma_start3A_55 = arith.constant 0 : i32
    %dma_start3A_56 = tpu.memref_slice %arg14[%dma_start3A_54, %dma_start3A_55] : memref<10112x16xf32, #tpu.memory_space<vmem_shared>> -> memref<10112x16xf32, #tpu.memory_space<vmem_shared>>
    tpu.enqueue_indirect_dma source(%dma_start3A_51 : memref<1024x16xf32, #tpu.memory_space<vmem>>) target(%dma_start3A_56 : memref<10112x16xf32, #tpu.memory_space<vmem_shared>>) offsets(%dma_start3A_53 : memref<1024xi32, #tpu.memory_space<vmem>>) semaphore(%arg20 : memref<!tpu.dma_semaphore, #tpu.memory_space<semaphore_mem>>) {add = true}
    %dma_start3A_57 = arith.constant 0 : i32
    %dma_start3A_58 = arith.constant 0 : i32
    %dma_start3A_59 = tpu.memref_slice %arg13[%dma_start3A_57, %dma_start3A_58] : memref<1024x16xf32, #tpu.memory_space<vmem>> -> memref<1024x16xf32, #tpu.memory_space<vmem>>
    %dma_start3A_60 = arith.constant 3072 : i32
    %dma_start3A_61 = tpu.memref_slice %arg8[%dma_start3A_60] : memref<11024xi32, #tpu.memory_space<vmem>> -> memref<1024xi32, #tpu.memory_space<vmem>>
    %dma_start3A_62 = arith.constant 0 : i32
    %dma_start3A_63 = arith.constant 0 : i32
    %dma_start3A_64 = tpu.memref_slice %arg15[%dma_start3A_62, %dma_start3A_63] : memref<10112x16xf32, #tpu.memory_space<vmem_shared>> -> memref<10112x16xf32, #tpu.memory_space<vmem_shared>>
    tpu.enqueue_indirect_dma source(%dma_start3A_64 : memref<10112x16xf32, #tpu.memory_space<vmem_shared>>) target(%dma_start3A_59 : memref<1024x16xf32, #tpu.memory_space<vmem>>) offsets(%dma_start3A_61 : memref<1024xi32, #tpu.memory_space<vmem>>) semaphore(%arg19 : memref<!tpu.dma_semaphore, #tpu.memory_space<semaphore_mem>>)
    %dma_wait3A_65 = arith.constant 0 : i32
    %dma_wait3A_66 = arith.constant 0 : i32
    %dma_wait3A_67 = tpu.memref_slice %arg11[%dma_wait3A_65, %dma_wait3A_66] : memref<1024x16xf32, #tpu.memory_space<vmem>> -> memref<1024x16xf32, #tpu.memory_space<vmem>>
    %dma_wait3A_68 = arith.constant 1024 : i32
    %dma_wait3A_69 = tpu.memref_slice %arg8[%dma_wait3A_68] : memref<11024xi32, #tpu.memory_space<vmem>> -> memref<1024xi32, #tpu.memory_space<vmem>>
    %dma_wait3A_70 = arith.constant 0 : i32
    %dma_wait3A_71 = arith.constant 0 : i32
    %dma_wait3A_72 = tpu.memref_slice %arg15[%dma_wait3A_70, %dma_wait3A_71] : memref<10112x16xf32, #tpu.memory_space<vmem_shared>> -> memref<10112x16xf32, #tpu.memory_space<vmem_shared>>
    tpu.wait_indirect_dma semaphore(%arg17 : memref<!tpu.dma_semaphore, #tpu.memory_space<semaphore_mem>>) src(%dma_wait3A_72 : memref<10112x16xf32, #tpu.memory_space<vmem_shared>>) dst(%dma_wait3A_67 : memref<1024x16xf32, #tpu.memory_space<vmem>>)
    %dma_start3A_73 = arith.constant 0 : i32
    %dma_start3A_74 = arith.constant 0 : i32
    %dma_start3A_75 = tpu.memref_slice %arg11[%dma_start3A_73, %dma_start3A_74] : memref<1024x16xf32, #tpu.memory_space<vmem>> -> memref<1024x16xf32, #tpu.memory_space<vmem>>
    %dma_start3A_76 = arith.constant 1024 : i32
    %dma_start3A_77 = tpu.memref_slice %arg9[%dma_start3A_76] : memref<11024xi32, #tpu.memory_space<vmem>> -> memref<1024xi32, #tpu.memory_space<vmem>>
    %dma_start3A_78 = arith.constant 0 : i32
    %dma_start3A_79 = arith.constant 0 : i32
    %dma_start3A_80 = tpu.memref_slice %arg14[%dma_start3A_78, %dma_start3A_79] : memref<10112x16xf32, #tpu.memory_space<vmem_shared>> -> memref<10112x16xf32, #tpu.memory_space<vmem_shared>>
    tpu.enqueue_indirect_dma source(%dma_start3A_75 : memref<1024x16xf32, #tpu.memory_space<vmem>>) target(%dma_start3A_80 : memref<10112x16xf32, #tpu.memory_space<vmem_shared>>) offsets(%dma_start3A_77 : memref<1024xi32, #tpu.memory_space<vmem>>) semaphore(%arg21 : memref<!tpu.dma_semaphore, #tpu.memory_space<semaphore_mem>>) {add = true}
    %dma_wait3A_81 = arith.constant 0 : i32
    %dma_wait3A_82 = arith.constant 0 : i32
    %dma_wait3A_83 = tpu.memref_slice %arg10[%dma_wait3A_81, %dma_wait3A_82] : memref<1024x16xf32, #tpu.memory_space<vmem>> -> memref<1024x16xf32, #tpu.memory_space<vmem>>
    %dma_wait3A_84 = arith.constant 0 : i32
    %dma_wait3A_85 = tpu.memref_slice %arg9[%dma_wait3A_84] : memref<11024xi32, #tpu.memory_space<vmem>> -> memref<1024xi32, #tpu.memory_space<vmem>>
    %dma_wait3A_86 = arith.constant 0 : i32
    %dma_wait3A_87 = arith.constant 0 : i32
    %dma_wait3A_88 = tpu.memref_slice %arg14[%dma_wait3A_86, %dma_wait3A_87] : memref<10112x16xf32, #tpu.memory_space<vmem_shared>> -> memref<10112x16xf32, #tpu.memory_space<vmem_shared>>
    tpu.wait_indirect_dma semaphore(%arg20 : memref<!tpu.dma_semaphore, #tpu.memory_space<semaphore_mem>>) src(%dma_wait3A_83 : memref<1024x16xf32, #tpu.memory_space<vmem>>) dst(%dma_wait3A_88 : memref<10112x16xf32, #tpu.memory_space<vmem_shared>>)
    %dma_start3A_89 = arith.constant 0 : i32
    %dma_start3A_90 = arith.constant 0 : i32
    %dma_start3A_91 = tpu.memref_slice %arg10[%dma_start3A_89, %dma_start3A_90] : memref<1024x16xf32, #tpu.memory_space<vmem>> -> memref<1024x16xf32, #tpu.memory_space<vmem>>
    %dma_start3A_92 = arith.constant 4096 : i32
    %dma_start3A_93 = tpu.memref_slice %arg8[%dma_start3A_92] : memref<11024xi32, #tpu.memory_space<vmem>> -> memref<1024xi32, #tpu.memory_space<vmem>>
    %dma_start3A_94 = arith.constant 0 : i32
    %dma_start3A_95 = arith.constant 0 : i32
    %dma_start3A_96 = tpu.memref_slice %arg15[%dma_start3A_94, %dma_start3A_95] : memref<10112x16xf32, #tpu.memory_space<vmem_shared>> -> memref<10112x16xf32, #tpu.memory_space<vmem_shared>>
    tpu.enqueue_indirect_dma source(%dma_start3A_96 : memref<10112x16xf32, #tpu.memory_space<vmem_shared>>) target(%dma_start3A_91 : memref<1024x16xf32, #tpu.memory_space<vmem>>) offsets(%dma_start3A_93 : memref<1024xi32, #tpu.memory_space<vmem>>) semaphore(%arg16 : memref<!tpu.dma_semaphore, #tpu.memory_space<semaphore_mem>>)
    %dma_wait3A_97 = arith.constant 0 : i32
    %dma_wait3A_98 = arith.constant 0 : i32
    %dma_wait3A_99 = tpu.memref_slice %arg12[%dma_wait3A_97, %dma_wait3A_98] : memref<1024x16xf32, #tpu.memory_space<vmem>> -> memref<1024x16xf32, #tpu.memory_space<vmem>>
    %dma_wait3A_100 = arith.constant 2048 : i32
    %dma_wait3A_101 = tpu.memref_slice %arg8[%dma_wait3A_100] : memref<11024xi32, #tpu.memory_space<vmem>> -> memref<1024xi32, #tpu.memory_space<vmem>>
    %dma_wait3A_102 = arith.constant 0 : i32
    %dma_wait3A_103 = arith.constant 0 : i32
    %dma_wait3A_104 = tpu.memref_slice %arg15[%dma_wait3A_102, %dma_wait3A_103] : memref<10112x16xf32, #tpu.memory_space<vmem_shared>> -> memref<10112x16xf32, #tpu.memory_space<vmem_shared>>
    tpu.wait_indirect_dma semaphore(%arg18 : memref<!tpu.dma_semaphore, #tpu.memory_space<semaphore_mem>>) src(%dma_wait3A_104 : memref<10112x16xf32, #tpu.memory_space<vmem_shared>>) dst(%dma_wait3A_99 : memref<1024x16xf32, #tpu.memory_space<vmem>>)
    %dma_start3A_105 = arith.constant 0 : i32
    %dma_start3A_106 = arith.constant 0 : i32
    %dma_start3A_107 = tpu.memref_slice %arg12[%dma_start3A_105, %dma_start3A_106] : memref<1024x16xf32, #tpu.memory_space<vmem>> -> memref<1024x16xf32, #tpu.memory_space<vmem>>
    %dma_start3A_108 = arith.constant 2048 : i32
    %dma_start3A_109 = tpu.memref_slice %arg9[%dma_start3A_108] : memref<11024xi32, #tpu.memory_space<vmem>> -> memref<1024xi32, #tpu.memory_space<vmem>>
    %dma_start3A_110 = arith.constant 0 : i32
    %dma_start3A_111 = arith.constant 0 : i32
    %dma_start3A_112 = tpu.memref_slice %arg14[%dma_start3A_110, %dma_start3A_111] : memref<10112x16xf32, #tpu.memory_space<vmem_shared>> -> memref<10112x16xf32, #tpu.memory_space<vmem_shared>>
    tpu.enqueue_indirect_dma source(%dma_start3A_107 : memref<1024x16xf32, #tpu.memory_space<vmem>>) target(%dma_start3A_112 : memref<10112x16xf32, #tpu.memory_space<vmem_shared>>) offsets(%dma_start3A_109 : memref<1024xi32, #tpu.memory_space<vmem>>) semaphore(%arg22 : memref<!tpu.dma_semaphore, #tpu.memory_space<semaphore_mem>>) {add = true}
    %dma_wait3A_113 = arith.constant 0 : i32
    %dma_wait3A_114 = arith.constant 0 : i32
    %dma_wait3A_115 = tpu.memref_slice %arg11[%dma_wait3A_113, %dma_wait3A_114] : memref<1024x16xf32, #tpu.memory_space<vmem>> -> memref<1024x16xf32, #tpu.memory_space<vmem>>
    %dma_wait3A_116 = arith.constant 1024 : i32
    %dma_wait3A_117 = tpu.memref_slice %arg9[%dma_wait3A_116] : memref<11024xi32, #tpu.memory_space<vmem>> -> memref<1024xi32, #tpu.memory_space<vmem>>
    %dma_wait3A_118 = arith.constant 0 : i32
    %dma_wait3A_119 = arith.constant 0 : i32
    %dma_wait3A_120 = tpu.memref_slice %arg14[%dma_wait3A_118, %dma_wait3A_119] : memref<10112x16xf32, #tpu.memory_space<vmem_shared>> -> memref<10112x16xf32, #tpu.memory_space<vmem_shared>>
    tpu.wait_indirect_dma semaphore(%arg21 : memref<!tpu.dma_semaphore, #tpu.memory_space<semaphore_mem>>) src(%dma_wait3A_115 : memref<1024x16xf32, #tpu.memory_space<vmem>>) dst(%dma_wait3A_120 : memref<10112x16xf32, #tpu.memory_space<vmem_shared>>)
    %dma_start3A_121 = arith.constant 0 : i32
    %dma_start3A_122 = arith.constant 0 : i32
    %dma_start3A_123 = tpu.memref_slice %arg11[%dma_start3A_121, %dma_start3A_122] : memref<1024x16xf32, #tpu.memory_space<vmem>> -> memref<1024x16xf32, #tpu.memory_space<vmem>>
    %dma_start3A_124 = arith.constant 5120 : i32
    %dma_start3A_125 = tpu.memref_slice %arg8[%dma_start3A_124] : memref<11024xi32, #tpu.memory_space<vmem>> -> memref<1024xi32, #tpu.memory_space<vmem>>
    %dma_start3A_126 = arith.constant 0 : i32
    %dma_start3A_127 = arith.constant 0 : i32
    %dma_start3A_128 = tpu.memref_slice %arg15[%dma_start3A_126, %dma_start3A_127] : memref<10112x16xf32, #tpu.memory_space<vmem_shared>> -> memref<10112x16xf32, #tpu.memory_space<vmem_shared>>
    tpu.enqueue_indirect_dma source(%dma_start3A_128 : memref<10112x16xf32, #tpu.memory_space<vmem_shared>>) target(%dma_start3A_123 : memref<1024x16xf32, #tpu.memory_space<vmem>>) offsets(%dma_start3A_125 : memref<1024xi32, #tpu.memory_space<vmem>>) semaphore(%arg17 : memref<!tpu.dma_semaphore, #tpu.memory_space<semaphore_mem>>)
    %dma_wait3A_129 = arith.constant 0 : i32
    %dma_wait3A_130 = arith.constant 0 : i32
    %dma_wait3A_131 = tpu.memref_slice %arg13[%dma_wait3A_129, %dma_wait3A_130] : memref<1024x16xf32, #tpu.memory_space<vmem>> -> memref<1024x16xf32, #tpu.memory_space<vmem>>
    %dma_wait3A_132 = arith.constant 3072 : i32
    %dma_wait3A_133 = tpu.memref_slice %arg8[%dma_wait3A_132] : memref<11024xi32, #tpu.memory_space<vmem>> -> memref<1024xi32, #tpu.memory_space<vmem>>
    %dma_wait3A_134 = arith.constant 0 : i32
    %dma_wait3A_135 = arith.constant 0 : i32
    %dma_wait3A_136 = tpu.memref_slice %arg15[%dma_wait3A_134, %dma_wait3A_135] : memref<10112x16xf32, #tpu.memory_space<vmem_shared>> -> memref<10112x16xf32, #tpu.memory_space<vmem_shared>>
    tpu.wait_indirect_dma semaphore(%arg19 : memref<!tpu.dma_semaphore, #tpu.memory_space<semaphore_mem>>) src(%dma_wait3A_136 : memref<10112x16xf32, #tpu.memory_space<vmem_shared>>) dst(%dma_wait3A_131 : memref<1024x16xf32, #tpu.memory_space<vmem>>)
    %dma_start3A_137 = arith.constant 0 : i32
    %dma_start3A_138 = arith.constant 0 : i32
    %dma_start3A_139 = tpu.memref_slice %arg13[%dma_start3A_137, %dma_start3A_138] : memref<1024x16xf32, #tpu.memory_space<vmem>> -> memref<1024x16xf32, #tpu.memory_space<vmem>>
    %dma_start3A_140 = arith.constant 3072 : i32
    %dma_start3A_141 = tpu.memref_slice %arg9[%dma_start3A_140] : memref<11024xi32, #tpu.memory_space<vmem>> -> memref<1024xi32, #tpu.memory_space<vmem>>
    %dma_start3A_142 = arith.constant 0 : i32
    %dma_start3A_143 = arith.constant 0 : i32
    %dma_start3A_144 = tpu.memref_slice %arg14[%dma_start3A_142, %dma_start3A_143] : memref<10112x16xf32, #tpu.memory_space<vmem_shared>> -> memref<10112x16xf32, #tpu.memory_space<vmem_shared>>
    tpu.enqueue_indirect_dma source(%dma_start3A_139 : memref<1024x16xf32, #tpu.memory_space<vmem>>) target(%dma_start3A_144 : memref<10112x16xf32, #tpu.memory_space<vmem_shared>>) offsets(%dma_start3A_141 : memref<1024xi32, #tpu.memory_space<vmem>>) semaphore(%arg23 : memref<!tpu.dma_semaphore, #tpu.memory_space<semaphore_mem>>) {add = true}
    %dma_wait3A_145 = arith.constant 0 : i32
    %dma_wait3A_146 = arith.constant 0 : i32
    %dma_wait3A_147 = tpu.memref_slice %arg12[%dma_wait3A_145, %dma_wait3A_146] : memref<1024x16xf32, #tpu.memory_space<vmem>> -> memref<1024x16xf32, #tpu.memory_space<vmem>>
    %dma_wait3A_148 = arith.constant 2048 : i32
    %dma_wait3A_149 = tpu.memref_slice %arg9[%dma_wait3A_148] : memref<11024xi32, #tpu.memory_space<vmem>> -> memref<1024xi32, #tpu.memory_space<vmem>>
    %dma_wait3A_150 = arith.constant 0 : i32
    %dma_wait3A_151 = arith.constant 0 : i32
    %dma_wait3A_152 = tpu.memref_slice %arg14[%dma_wait3A_150, %dma_wait3A_151] : memref<10112x16xf32, #tpu.memory_space<vmem_shared>> -> memref<10112x16xf32, #tpu.memory_space<vmem_shared>>
    tpu.wait_indirect_dma semaphore(%arg22 : memref<!tpu.dma_semaphore, #tpu.memory_space<semaphore_mem>>) src(%dma_wait3A_147 : memref<1024x16xf32, #tpu.memory_space<vmem>>) dst(%dma_wait3A_152 : memref<10112x16xf32, #tpu.memory_space<vmem_shared>>)
    %dma_start3A_153 = arith.constant 0 : i32
    %dma_start3A_154 = arith.constant 0 : i32
    %dma_start3A_155 = tpu.memref_slice %arg12[%dma_start3A_153, %dma_start3A_154] : memref<1024x16xf32, #tpu.memory_space<vmem>> -> memref<1024x16xf32, #tpu.memory_space<vmem>>
    %dma_start3A_156 = arith.constant 6144 : i32
    %dma_start3A_157 = tpu.memref_slice %arg8[%dma_start3A_156] : memref<11024xi32, #tpu.memory_space<vmem>> -> memref<1024xi32, #tpu.memory_space<vmem>>
    %dma_start3A_158 = arith.constant 0 : i32
    %dma_start3A_159 = arith.constant 0 : i32
    %dma_start3A_160 = tpu.memref_slice %arg15[%dma_start3A_158, %dma_start3A_159] : memref<10112x16xf32, #tpu.memory_space<vmem_shared>> -> memref<10112x16xf32, #tpu.memory_space<vmem_shared>>
    tpu.enqueue_indirect_dma source(%dma_start3A_160 : memref<10112x16xf32, #tpu.memory_space<vmem_shared>>) target(%dma_start3A_155 : memref<1024x16xf32, #tpu.memory_space<vmem>>) offsets(%dma_start3A_157 : memref<1024xi32, #tpu.memory_space<vmem>>) semaphore(%arg18 : memref<!tpu.dma_semaphore, #tpu.memory_space<semaphore_mem>>)
    %dma_wait3A_161 = arith.constant 0 : i32
    %dma_wait3A_162 = arith.constant 0 : i32
    %dma_wait3A_163 = tpu.memref_slice %arg10[%dma_wait3A_161, %dma_wait3A_162] : memref<1024x16xf32, #tpu.memory_space<vmem>> -> memref<1024x16xf32, #tpu.memory_space<vmem>>
    %dma_wait3A_164 = arith.constant 4096 : i32
    %dma_wait3A_165 = tpu.memref_slice %arg8[%dma_wait3A_164] : memref<11024xi32, #tpu.memory_space<vmem>> -> memref<1024xi32, #tpu.memory_space<vmem>>
    %dma_wait3A_166 = arith.constant 0 : i32
    %dma_wait3A_167 = arith.constant 0 : i32
    %dma_wait3A_168 = tpu.memref_slice %arg15[%dma_wait3A_166, %dma_wait3A_167] : memref<10112x16xf32, #tpu.memory_space<vmem_shared>> -> memref<10112x16xf32, #tpu.memory_space<vmem_shared>>
    tpu.wait_indirect_dma semaphore(%arg16 : memref<!tpu.dma_semaphore, #tpu.memory_space<semaphore_mem>>) src(%dma_wait3A_168 : memref<10112x16xf32, #tpu.memory_space<vmem_shared>>) dst(%dma_wait3A_163 : memref<1024x16xf32, #tpu.memory_space<vmem>>)
    %dma_start3A_169 = arith.constant 0 : i32
    %dma_start3A_170 = arith.constant 0 : i32
    %dma_start3A_171 = tpu.memref_slice %arg10[%dma_start3A_169, %dma_start3A_170] : memref<1024x16xf32, #tpu.memory_space<vmem>> -> memref<1024x16xf32, #tpu.memory_space<vmem>>
    %dma_start3A_172 = arith.constant 4096 : i32
    %dma_start3A_173 = tpu.memref_slice %arg9[%dma_start3A_172] : memref<11024xi32, #tpu.memory_space<vmem>> -> memref<1024xi32, #tpu.memory_space<vmem>>
    %dma_start3A_174 = arith.constant 0 : i32
    %dma_start3A_175 = arith.constant 0 : i32
    %dma_start3A_176 = tpu.memref_slice %arg14[%dma_start3A_174, %dma_start3A_175] : memref<10112x16xf32, #tpu.memory_space<vmem_shared>> -> memref<10112x16xf32, #tpu.memory_space<vmem_shared>>
    tpu.enqueue_indirect_dma source(%dma_start3A_171 : memref<1024x16xf32, #tpu.memory_space<vmem>>) target(%dma_start3A_176 : memref<10112x16xf32, #tpu.memory_space<vmem_shared>>) offsets(%dma_start3A_173 : memref<1024xi32, #tpu.memory_space<vmem>>) semaphore(%arg20 : memref<!tpu.dma_semaphore, #tpu.memory_space<semaphore_mem>>) {add = true}
    %dma_wait3A_177 = arith.constant 0 : i32
    %dma_wait3A_178 = arith.constant 0 : i32
    %dma_wait3A_179 = tpu.memref_slice %arg13[%dma_wait3A_177, %dma_wait3A_178] : memref<1024x16xf32, #tpu.memory_space<vmem>> -> memref<1024x16xf32, #tpu.memory_space<vmem>>
    %dma_wait3A_180 = arith.constant 3072 : i32
    %dma_wait3A_181 = tpu.memref_slice %arg9[%dma_wait3A_180] : memref<11024xi32, #tpu.memory_space<vmem>> -> memref<1024xi32, #tpu.memory_space<vmem>>
    %dma_wait3A_182 = arith.constant 0 : i32
    %dma_wait3A_183 = arith.constant 0 : i32
    %dma_wait3A_184 = tpu.memref_slice %arg14[%dma_wait3A_182, %dma_wait3A_183] : memref<10112x16xf32, #tpu.memory_space<vmem_shared>> -> memref<10112x16xf32, #tpu.memory_space<vmem_shared>>
    tpu.wait_indirect_dma semaphore(%arg23 : memref<!tpu.dma_semaphore, #tpu.memory_space<semaphore_mem>>) src(%dma_wait3A_179 : memref<1024x16xf32, #tpu.memory_space<vmem>>) dst(%dma_wait3A_184 : memref<10112x16xf32, #tpu.memory_space<vmem_shared>>)
    %dma_start3A_185 = arith.constant 0 : i32
    %dma_start3A_186 = arith.constant 0 : i32
    %dma_start3A_187 = tpu.memref_slice %arg13[%dma_start3A_185, %dma_start3A_186] : memref<1024x16xf32, #tpu.memory_space<vmem>> -> memref<1024x16xf32, #tpu.memory_space<vmem>>
    %dma_start3A_188 = arith.constant 7168 : i32
    %dma_start3A_189 = tpu.memref_slice %arg8[%dma_start3A_188] : memref<11024xi32, #tpu.memory_space<vmem>> -> memref<1024xi32, #tpu.memory_space<vmem>>
    %dma_start3A_190 = arith.constant 0 : i32
    %dma_start3A_191 = arith.constant 0 : i32
    %dma_start3A_192 = tpu.memref_slice %arg15[%dma_start3A_190, %dma_start3A_191] : memref<10112x16xf32, #tpu.memory_space<vmem_shared>> -> memref<10112x16xf32, #tpu.memory_space<vmem_shared>>
    tpu.enqueue_indirect_dma source(%dma_start3A_192 : memref<10112x16xf32, #tpu.memory_space<vmem_shared>>) target(%dma_start3A_187 : memref<1024x16xf32, #tpu.memory_space<vmem>>) offsets(%dma_start3A_189 : memref<1024xi32, #tpu.memory_space<vmem>>) semaphore(%arg19 : memref<!tpu.dma_semaphore, #tpu.memory_space<semaphore_mem>>)
    %dma_wait3A_193 = arith.constant 0 : i32
    %dma_wait3A_194 = arith.constant 0 : i32
    %dma_wait3A_195 = tpu.memref_slice %arg11[%dma_wait3A_193, %dma_wait3A_194] : memref<1024x16xf32, #tpu.memory_space<vmem>> -> memref<1024x16xf32, #tpu.memory_space<vmem>>
    %dma_wait3A_196 = arith.constant 5120 : i32
    %dma_wait3A_197 = tpu.memref_slice %arg8[%dma_wait3A_196] : memref<11024xi32, #tpu.memory_space<vmem>> -> memref<1024xi32, #tpu.memory_space<vmem>>
    %dma_wait3A_198 = arith.constant 0 : i32
    %dma_wait3A_199 = arith.constant 0 : i32
    %dma_wait3A_200 = tpu.memref_slice %arg15[%dma_wait3A_198, %dma_wait3A_199] : memref<10112x16xf32, #tpu.memory_space<vmem_shared>> -> memref<10112x16xf32, #tpu.memory_space<vmem_shared>>
    tpu.wait_indirect_dma semaphore(%arg17 : memref<!tpu.dma_semaphore, #tpu.memory_space<semaphore_mem>>) src(%dma_wait3A_200 : memref<10112x16xf32, #tpu.memory_space<vmem_shared>>) dst(%dma_wait3A_195 : memref<1024x16xf32, #tpu.memory_space<vmem>>)
    %dma_start3A_201 = arith.constant 0 : i32
    %dma_start3A_202 = arith.constant 0 : i32
    %dma_start3A_203 = tpu.memref_slice %arg11[%dma_start3A_201, %dma_start3A_202] : memref<1024x16xf32, #tpu.memory_space<vmem>> -> memref<1024x16xf32, #tpu.memory_space<vmem>>
    %dma_start3A_204 = arith.constant 5120 : i32
    %dma_start3A_205 = tpu.memref_slice %arg9[%dma_start3A_204] : memref<11024xi32, #tpu.memory_space<vmem>> -> memref<1024xi32, #tpu.memory_space<vmem>>
    %dma_start3A_206 = arith.constant 0 : i32
    %dma_start3A_207 = arith.constant 0 : i32
    %dma_start3A_208 = tpu.memref_slice %arg14[%dma_start3A_206, %dma_start3A_207] : memref<10112x16xf32, #tpu.memory_space<vmem_shared>> -> memref<10112x16xf32, #tpu.memory_space<vmem_shared>>
    tpu.enqueue_indirect_dma source(%dma_start3A_203 : memref<1024x16xf32, #tpu.memory_space<vmem>>) target(%dma_start3A_208 : memref<10112x16xf32, #tpu.memory_space<vmem_shared>>) offsets(%dma_start3A_205 : memref<1024xi32, #tpu.memory_space<vmem>>) semaphore(%arg21 : memref<!tpu.dma_semaphore, #tpu.memory_space<semaphore_mem>>) {add = true}
    %dma_wait3A_209 = arith.constant 0 : i32
    %dma_wait3A_210 = arith.constant 0 : i32
    %dma_wait3A_211 = tpu.memref_slice %arg10[%dma_wait3A_209, %dma_wait3A_210] : memref<1024x16xf32, #tpu.memory_space<vmem>> -> memref<1024x16xf32, #tpu.memory_space<vmem>>
    %dma_wait3A_212 = arith.constant 4096 : i32
    %dma_wait3A_213 = tpu.memref_slice %arg9[%dma_wait3A_212] : memref<11024xi32, #tpu.memory_space<vmem>> -> memref<1024xi32, #tpu.memory_space<vmem>>
    %dma_wait3A_214 = arith.constant 0 : i32
    %dma_wait3A_215 = arith.constant 0 : i32
    %dma_wait3A_216 = tpu.memref_slice %arg14[%dma_wait3A_214, %dma_wait3A_215] : memref<10112x16xf32, #tpu.memory_space<vmem_shared>> -> memref<10112x16xf32, #tpu.memory_space<vmem_shared>>
    tpu.wait_indirect_dma semaphore(%arg20 : memref<!tpu.dma_semaphore, #tpu.memory_space<semaphore_mem>>) src(%dma_wait3A_211 : memref<1024x16xf32, #tpu.memory_space<vmem>>) dst(%dma_wait3A_216 : memref<10112x16xf32, #tpu.memory_space<vmem_shared>>)
    %dma_start3A_217 = arith.constant 0 : i32
    %dma_start3A_218 = arith.constant 0 : i32
    %dma_start3A_219 = tpu.memref_slice %arg10[%dma_start3A_217, %dma_start3A_218] : memref<1024x16xf32, #tpu.memory_space<vmem>> -> memref<1024x16xf32, #tpu.memory_space<vmem>>
    %dma_start3A_220 = arith.constant 8192 : i32
    %dma_start3A_221 = tpu.memref_slice %arg8[%dma_start3A_220] : memref<11024xi32, #tpu.memory_space<vmem>> -> memref<1024xi32, #tpu.memory_space<vmem>>
    %dma_start3A_222 = arith.constant 0 : i32
    %dma_start3A_223 = arith.constant 0 : i32
    %dma_start3A_224 = tpu.memref_slice %arg15[%dma_start3A_222, %dma_start3A_223] : memref<10112x16xf32, #tpu.memory_space<vmem_shared>> -> memref<10112x16xf32, #tpu.memory_space<vmem_shared>>
    tpu.enqueue_indirect_dma source(%dma_start3A_224 : memref<10112x16xf32, #tpu.memory_space<vmem_shared>>) target(%dma_start3A_219 : memref<1024x16xf32, #tpu.memory_space<vmem>>) offsets(%dma_start3A_221 : memref<1024xi32, #tpu.memory_space<vmem>>) semaphore(%arg16 : memref<!tpu.dma_semaphore, #tpu.memory_space<semaphore_mem>>)
    %dma_wait3A_225 = arith.constant 0 : i32
    %dma_wait3A_226 = arith.constant 0 : i32
    %dma_wait3A_227 = tpu.memref_slice %arg12[%dma_wait3A_225, %dma_wait3A_226] : memref<1024x16xf32, #tpu.memory_space<vmem>> -> memref<1024x16xf32, #tpu.memory_space<vmem>>
    %dma_wait3A_228 = arith.constant 6144 : i32
    %dma_wait3A_229 = tpu.memref_slice %arg8[%dma_wait3A_228] : memref<11024xi32, #tpu.memory_space<vmem>> -> memref<1024xi32, #tpu.memory_space<vmem>>
    %dma_wait3A_230 = arith.constant 0 : i32
    %dma_wait3A_231 = arith.constant 0 : i32
    %dma_wait3A_232 = tpu.memref_slice %arg15[%dma_wait3A_230, %dma_wait3A_231] : memref<10112x16xf32, #tpu.memory_space<vmem_shared>> -> memref<10112x16xf32, #tpu.memory_space<vmem_shared>>
    tpu.wait_indirect_dma semaphore(%arg18 : memref<!tpu.dma_semaphore, #tpu.memory_space<semaphore_mem>>) src(%dma_wait3A_232 : memref<10112x16xf32, #tpu.memory_space<vmem_shared>>) dst(%dma_wait3A_227 : memref<1024x16xf32, #tpu.memory_space<vmem>>)
    %dma_start3A_233 = arith.constant 0 : i32
    %dma_start3A_234 = arith.constant 0 : i32
    %dma_start3A_235 = tpu.memref_slice %arg12[%dma_start3A_233, %dma_start3A_234] : memref<1024x16xf32, #tpu.memory_space<vmem>> -> memref<1024x16xf32, #tpu.memory_space<vmem>>
    %dma_start3A_236 = arith.constant 6144 : i32
    %dma_start3A_237 = tpu.memref_slice %arg9[%dma_start3A_236] : memref<11024xi32, #tpu.memory_space<vmem>> -> memref<1024xi32, #tpu.memory_space<vmem>>
    %dma_start3A_238 = arith.constant 0 : i32
    %dma_start3A_239 = arith.constant 0 : i32
    %dma_start3A_240 = tpu.memref_slice %arg14[%dma_start3A_238, %dma_start3A_239] : memref<10112x16xf32, #tpu.memory_space<vmem_shared>> -> memref<10112x16xf32, #tpu.memory_space<vmem_shared>>
    tpu.enqueue_indirect_dma source(%dma_start3A_235 : memref<1024x16xf32, #tpu.memory_space<vmem>>) target(%dma_start3A_240 : memref<10112x16xf32, #tpu.memory_space<vmem_shared>>) offsets(%dma_start3A_237 : memref<1024xi32, #tpu.memory_space<vmem>>) semaphore(%arg22 : memref<!tpu.dma_semaphore, #tpu.memory_space<semaphore_mem>>) {add = true}
    %dma_wait3A_241 = arith.constant 0 : i32
    %dma_wait3A_242 = arith.constant 0 : i32
    %dma_wait3A_243 = tpu.memref_slice %arg11[%dma_wait3A_241, %dma_wait3A_242] : memref<1024x16xf32, #tpu.memory_space<vmem>> -> memref<1024x16xf32, #tpu.memory_space<vmem>>
    %dma_wait3A_244 = arith.constant 5120 : i32
    %dma_wait3A_245 = tpu.memref_slice %arg9[%dma_wait3A_244] : memref<11024xi32, #tpu.memory_space<vmem>> -> memref<1024xi32, #tpu.memory_space<vmem>>
    %dma_wait3A_246 = arith.constant 0 : i32
    %dma_wait3A_247 = arith.constant 0 : i32
    %dma_wait3A_248 = tpu.memref_slice %arg14[%dma_wait3A_246, %dma_wait3A_247] : memref<10112x16xf32, #tpu.memory_space<vmem_shared>> -> memref<10112x16xf32, #tpu.memory_space<vmem_shared>>
    tpu.wait_indirect_dma semaphore(%arg21 : memref<!tpu.dma_semaphore, #tpu.memory_space<semaphore_mem>>) src(%dma_wait3A_243 : memref<1024x16xf32, #tpu.memory_space<vmem>>) dst(%dma_wait3A_248 : memref<10112x16xf32, #tpu.memory_space<vmem_shared>>)
    %dma_start3A_249 = arith.constant 0 : i32
    %dma_start3A_250 = arith.constant 0 : i32
    %dma_start3A_251 = tpu.memref_slice %arg11[%dma_start3A_249, %dma_start3A_250] : memref<1024x16xf32, #tpu.memory_space<vmem>> -> memref<784x16xf32, #tpu.memory_space<vmem>>
    %dma_start3A_252 = arith.constant 9216 : i32
    %dma_start3A_253 = tpu.memref_slice %arg8[%dma_start3A_252] : memref<11024xi32, #tpu.memory_space<vmem>> -> memref<784xi32, #tpu.memory_space<vmem>>
    %dma_start3A_254 = arith.constant 0 : i32
    %dma_start3A_255 = arith.constant 0 : i32
    %dma_start3A_256 = tpu.memref_slice %arg15[%dma_start3A_254, %dma_start3A_255] : memref<10112x16xf32, #tpu.memory_space<vmem_shared>> -> memref<10112x16xf32, #tpu.memory_space<vmem_shared>>
    tpu.enqueue_indirect_dma source(%dma_start3A_256 : memref<10112x16xf32, #tpu.memory_space<vmem_shared>>) target(%dma_start3A_251 : memref<784x16xf32, #tpu.memory_space<vmem>>) offsets(%dma_start3A_253 : memref<784xi32, #tpu.memory_space<vmem>>) semaphore(%arg17 : memref<!tpu.dma_semaphore, #tpu.memory_space<semaphore_mem>>)
    %dma_wait3A_257 = arith.constant 0 : i32
    %dma_wait3A_258 = arith.constant 0 : i32
    %dma_wait3A_259 = tpu.memref_slice %arg13[%dma_wait3A_257, %dma_wait3A_258] : memref<1024x16xf32, #tpu.memory_space<vmem>> -> memref<1024x16xf32, #tpu.memory_space<vmem>>
    %dma_wait3A_260 = arith.constant 7168 : i32
    %dma_wait3A_261 = tpu.memref_slice %arg8[%dma_wait3A_260] : memref<11024xi32, #tpu.memory_space<vmem>> -> memref<1024xi32, #tpu.memory_space<vmem>>
    %dma_wait3A_262 = arith.constant 0 : i32
    %dma_wait3A_263 = arith.constant 0 : i32
    %dma_wait3A_264 = tpu.memref_slice %arg15[%dma_wait3A_262, %dma_wait3A_263] : memref<10112x16xf32, #tpu.memory_space<vmem_shared>> -> memref<10112x16xf32, #tpu.memory_space<vmem_shared>>
    tpu.wait_indirect_dma semaphore(%arg19 : memref<!tpu.dma_semaphore, #tpu.memory_space<semaphore_mem>>) src(%dma_wait3A_264 : memref<10112x16xf32, #tpu.memory_space<vmem_shared>>) dst(%dma_wait3A_259 : memref<1024x16xf32, #tpu.memory_space<vmem>>)
    %dma_start3A_265 = arith.constant 0 : i32
    %dma_start3A_266 = arith.constant 0 : i32
    %dma_start3A_267 = tpu.memref_slice %arg13[%dma_start3A_265, %dma_start3A_266] : memref<1024x16xf32, #tpu.memory_space<vmem>> -> memref<1024x16xf32, #tpu.memory_space<vmem>>
    %dma_start3A_268 = arith.constant 7168 : i32
    %dma_start3A_269 = tpu.memref_slice %arg9[%dma_start3A_268] : memref<11024xi32, #tpu.memory_space<vmem>> -> memref<1024xi32, #tpu.memory_space<vmem>>
    %dma_start3A_270 = arith.constant 0 : i32
    %dma_start3A_271 = arith.constant 0 : i32
    %dma_start3A_272 = tpu.memref_slice %arg14[%dma_start3A_270, %dma_start3A_271] : memref<10112x16xf32, #tpu.memory_space<vmem_shared>> -> memref<10112x16xf32, #tpu.memory_space<vmem_shared>>
    tpu.enqueue_indirect_dma source(%dma_start3A_267 : memref<1024x16xf32, #tpu.memory_space<vmem>>) target(%dma_start3A_272 : memref<10112x16xf32, #tpu.memory_space<vmem_shared>>) offsets(%dma_start3A_269 : memref<1024xi32, #tpu.memory_space<vmem>>) semaphore(%arg23 : memref<!tpu.dma_semaphore, #tpu.memory_space<semaphore_mem>>) {add = true}
    %dma_wait3A_273 = arith.constant 0 : i32
    %dma_wait3A_274 = arith.constant 0 : i32
    %dma_wait3A_275 = tpu.memref_slice %arg10[%dma_wait3A_273, %dma_wait3A_274] : memref<1024x16xf32, #tpu.memory_space<vmem>> -> memref<1024x16xf32, #tpu.memory_space<vmem>>
    %dma_wait3A_276 = arith.constant 8192 : i32
    %dma_wait3A_277 = tpu.memref_slice %arg8[%dma_wait3A_276] : memref<11024xi32, #tpu.memory_space<vmem>> -> memref<1024xi32, #tpu.memory_space<vmem>>
    %dma_wait3A_278 = arith.constant 0 : i32
    %dma_wait3A_279 = arith.constant 0 : i32
    %dma_wait3A_280 = tpu.memref_slice %arg15[%dma_wait3A_278, %dma_wait3A_279] : memref<10112x16xf32, #tpu.memory_space<vmem_shared>> -> memref<10112x16xf32, #tpu.memory_space<vmem_shared>>
    tpu.wait_indirect_dma semaphore(%arg16 : memref<!tpu.dma_semaphore, #tpu.memory_space<semaphore_mem>>) src(%dma_wait3A_280 : memref<10112x16xf32, #tpu.memory_space<vmem_shared>>) dst(%dma_wait3A_275 : memref<1024x16xf32, #tpu.memory_space<vmem>>)
    %dma_start3A_281 = arith.constant 0 : i32
    %dma_start3A_282 = arith.constant 0 : i32
    %dma_start3A_283 = tpu.memref_slice %arg10[%dma_start3A_281, %dma_start3A_282] : memref<1024x16xf32, #tpu.memory_space<vmem>> -> memref<1024x16xf32, #tpu.memory_space<vmem>>
    %dma_start3A_284 = arith.constant 8192 : i32
    %dma_start3A_285 = tpu.memref_slice %arg9[%dma_start3A_284] : memref<11024xi32, #tpu.memory_space<vmem>> -> memref<1024xi32, #tpu.memory_space<vmem>>
    %dma_start3A_286 = arith.constant 0 : i32
    %dma_start3A_287 = arith.constant 0 : i32
    %dma_start3A_288 = tpu.memref_slice %arg14[%dma_start3A_286, %dma_start3A_287] : memref<10112x16xf32, #tpu.memory_space<vmem_shared>> -> memref<10112x16xf32, #tpu.memory_space<vmem_shared>>
    tpu.enqueue_indirect_dma source(%dma_start3A_283 : memref<1024x16xf32, #tpu.memory_space<vmem>>) target(%dma_start3A_288 : memref<10112x16xf32, #tpu.memory_space<vmem_shared>>) offsets(%dma_start3A_285 : memref<1024xi32, #tpu.memory_space<vmem>>) semaphore(%arg20 : memref<!tpu.dma_semaphore, #tpu.memory_space<semaphore_mem>>) {add = true}
    %dma_wait3A_289 = arith.constant 0 : i32
    %dma_wait3A_290 = arith.constant 0 : i32
    %dma_wait3A_291 = tpu.memref_slice %arg11[%dma_wait3A_289, %dma_wait3A_290] : memref<1024x16xf32, #tpu.memory_space<vmem>> -> memref<784x16xf32, #tpu.memory_space<vmem>>
    %dma_wait3A_292 = arith.constant 9216 : i32
    %dma_wait3A_293 = tpu.memref_slice %arg8[%dma_wait3A_292] : memref<11024xi32, #tpu.memory_space<vmem>> -> memref<784xi32, #tpu.memory_space<vmem>>
    %dma_wait3A_294 = arith.constant 0 : i32
    %dma_wait3A_295 = arith.constant 0 : i32
    %dma_wait3A_296 = tpu.memref_slice %arg15[%dma_wait3A_294, %dma_wait3A_295] : memref<10112x16xf32, #tpu.memory_space<vmem_shared>> -> memref<10112x16xf32, #tpu.memory_space<vmem_shared>>
    tpu.wait_indirect_dma semaphore(%arg17 : memref<!tpu.dma_semaphore, #tpu.memory_space<semaphore_mem>>) src(%dma_wait3A_296 : memref<10112x16xf32, #tpu.memory_space<vmem_shared>>) dst(%dma_wait3A_291 : memref<784x16xf32, #tpu.memory_space<vmem>>)
    %dma_start3A_297 = arith.constant 0 : i32
    %dma_start3A_298 = arith.constant 0 : i32
    %dma_start3A_299 = tpu.memref_slice %arg11[%dma_start3A_297, %dma_start3A_298] : memref<1024x16xf32, #tpu.memory_space<vmem>> -> memref<784x16xf32, #tpu.memory_space<vmem>>
    %dma_start3A_300 = arith.constant 9216 : i32
    %dma_start3A_301 = tpu.memref_slice %arg9[%dma_start3A_300] : memref<11024xi32, #tpu.memory_space<vmem>> -> memref<784xi32, #tpu.memory_space<vmem>>
    %dma_start3A_302 = arith.constant 0 : i32
    %dma_start3A_303 = arith.constant 0 : i32
    %dma_start3A_304 = tpu.memref_slice %arg14[%dma_start3A_302, %dma_start3A_303] : memref<10112x16xf32, #tpu.memory_space<vmem_shared>> -> memref<10112x16xf32, #tpu.memory_space<vmem_shared>>
    tpu.enqueue_indirect_dma source(%dma_start3A_299 : memref<784x16xf32, #tpu.memory_space<vmem>>) target(%dma_start3A_304 : memref<10112x16xf32, #tpu.memory_space<vmem_shared>>) offsets(%dma_start3A_301 : memref<784xi32, #tpu.memory_space<vmem>>) semaphore(%arg21 : memref<!tpu.dma_semaphore, #tpu.memory_space<semaphore_mem>>) {add = true}
    %dma_wait3A_305 = arith.constant 0 : i32
    %dma_wait3A_306 = arith.constant 0 : i32
    %dma_wait3A_307 = tpu.memref_slice %arg12[%dma_wait3A_305, %dma_wait3A_306] : memref<1024x16xf32, #tpu.memory_space<vmem>> -> memref<1024x16xf32, #tpu.memory_space<vmem>>
    %dma_wait3A_308 = arith.constant 6144 : i32
    %dma_wait3A_309 = tpu.memref_slice %arg9[%dma_wait3A_308] : memref<11024xi32, #tpu.memory_space<vmem>> -> memref<1024xi32, #tpu.memory_space<vmem>>
    %dma_wait3A_310 = arith.constant 0 : i32
    %dma_wait3A_311 = arith.constant 0 : i32
    %dma_wait3A_312 = tpu.memref_slice %arg14[%dma_wait3A_310, %dma_wait3A_311] : memref<10112x16xf32, #tpu.memory_space<vmem_shared>> -> memref<10112x16xf32, #tpu.memory_space<vmem_shared>>
    tpu.wait_indirect_dma semaphore(%arg22 : memref<!tpu.dma_semaphore, #tpu.memory_space<semaphore_mem>>) src(%dma_wait3A_307 : memref<1024x16xf32, #tpu.memory_space<vmem>>) dst(%dma_wait3A_312 : memref<10112x16xf32, #tpu.memory_space<vmem_shared>>)
    %dma_wait3A_313 = arith.constant 0 : i32
    %dma_wait3A_314 = arith.constant 0 : i32
    %dma_wait3A_315 = tpu.memref_slice %arg13[%dma_wait3A_313, %dma_wait3A_314] : memref<1024x16xf32, #tpu.memory_space<vmem>> -> memref<1024x16xf32, #tpu.memory_space<vmem>>
    %dma_wait3A_316 = arith.constant 7168 : i32
    %dma_wait3A_317 = tpu.memref_slice %arg9[%dma_wait3A_316] : memref<11024xi32, #tpu.memory_space<vmem>> -> memref<1024xi32, #tpu.memory_space<vmem>>
    %dma_wait3A_318 = arith.constant 0 : i32
    %dma_wait3A_319 = arith.constant 0 : i32
    %dma_wait3A_320 = tpu.memref_slice %arg14[%dma_wait3A_318, %dma_wait3A_319] : memref<10112x16xf32, #tpu.memory_space<vmem_shared>> -> memref<10112x16xf32, #tpu.memory_space<vmem_shared>>
    tpu.wait_indirect_dma semaphore(%arg23 : memref<!tpu.dma_semaphore, #tpu.memory_space<semaphore_mem>>) src(%dma_wait3A_315 : memref<1024x16xf32, #tpu.memory_space<vmem>>) dst(%dma_wait3A_320 : memref<10112x16xf32, #tpu.memory_space<vmem_shared>>)
    %dma_wait3A_321 = arith.constant 0 : i32
    %dma_wait3A_322 = arith.constant 0 : i32
    %dma_wait3A_323 = tpu.memref_slice %arg10[%dma_wait3A_321, %dma_wait3A_322] : memref<1024x16xf32, #tpu.memory_space<vmem>> -> memref<1024x16xf32, #tpu.memory_space<vmem>>
    %dma_wait3A_324 = arith.constant 8192 : i32
    %dma_wait3A_325 = tpu.memref_slice %arg9[%dma_wait3A_324] : memref<11024xi32, #tpu.memory_space<vmem>> -> memref<1024xi32, #tpu.memory_space<vmem>>
    %dma_wait3A_326 = arith.constant 0 : i32
    %dma_wait3A_327 = arith.constant 0 : i32
    %dma_wait3A_328 = tpu.memref_slice %arg14[%dma_wait3A_326, %dma_wait3A_327] : memref<10112x16xf32, #tpu.memory_space<vmem_shared>> -> memref<10112x16xf32, #tpu.memory_space<vmem_shared>>
    tpu.wait_indirect_dma semaphore(%arg20 : memref<!tpu.dma_semaphore, #tpu.memory_space<semaphore_mem>>) src(%dma_wait3A_323 : memref<1024x16xf32, #tpu.memory_space<vmem>>) dst(%dma_wait3A_328 : memref<10112x16xf32, #tpu.memory_space<vmem_shared>>)
    %dma_wait3A_329 = arith.constant 0 : i32
    %dma_wait3A_330 = arith.constant 0 : i32
    %dma_wait3A_331 = tpu.memref_slice %arg11[%dma_wait3A_329, %dma_wait3A_330] : memref<1024x16xf32, #tpu.memory_space<vmem>> -> memref<784x16xf32, #tpu.memory_space<vmem>>
    %dma_wait3A_332 = arith.constant 9216 : i32
    %dma_wait3A_333 = tpu.memref_slice %arg9[%dma_wait3A_332] : memref<11024xi32, #tpu.memory_space<vmem>> -> memref<784xi32, #tpu.memory_space<vmem>>
    %dma_wait3A_334 = arith.constant 0 : i32
    %dma_wait3A_335 = arith.constant 0 : i32
    %dma_wait3A_336 = tpu.memref_slice %arg14[%dma_wait3A_334, %dma_wait3A_335] : memref<10112x16xf32, #tpu.memory_space<vmem_shared>> -> memref<10112x16xf32, #tpu.memory_space<vmem_shared>>
    tpu.wait_indirect_dma semaphore(%arg21 : memref<!tpu.dma_semaphore, #tpu.memory_space<semaphore_mem>>) src(%dma_wait3A_331 : memref<784x16xf32, #tpu.memory_space<vmem>>) dst(%dma_wait3A_336 : memref<10112x16xf32, #tpu.memory_space<vmem_shared>>)
    %barrier3A_337 = arith.constant 0 : index
    tpu.barrier barrier_id(%barrier3A_337)
    "tpu.region"() ({
      %run_scoped3A_338 = tpu.sem_alloc : memref<!tpu.dma_semaphore, #tpu.memory_space<semaphore_mem>>
      %dma_start3A_339 = arith.constant 0 : i32
      %dma_start3A_340 = tpu.memref_slice %arg6[%arg0, %mul3A_2, %dma_start3A_339] : memref<2x10112x16xf32, #tpu.memory_space<hbm>> -> memref<1x632x16xf32, #tpu.memory_space<hbm>>
      %dma_start3A_341 = tpu.memref_squeeze %dma_start3A_340 : memref<1x632x16xf32, #tpu.memory_space<hbm>> -> memref<632x16xf32, #tpu.memory_space<hbm>>
      %dma_start3A_342 = arith.constant 0 : i32
      %dma_start3A_343 = tpu.memref_slice %arg14[%mul3A_2, %dma_start3A_342] : memref<10112x16xf32, #tpu.memory_space<vmem_shared>> -> memref<632x16xf32, #tpu.memory_space<vmem_shared>>
      tpu.enqueue_dma source(%dma_start3A_343 : memref<632x16xf32, #tpu.memory_space<vmem_shared>>) target(%dma_start3A_341 : memref<632x16xf32, #tpu.memory_space<hbm>>) target_semaphore(%run_scoped3A_338 : memref<!tpu.dma_semaphore, #tpu.memory_space<semaphore_mem>>)
      %dma_wait3A_344 = arith.constant 0 : i32
      %dma_wait3A_345 = tpu.memref_slice %arg6[%arg0, %mul3A_2, %dma_wait3A_344] : memref<2x10112x16xf32, #tpu.memory_space<hbm>> -> memref<1x632x16xf32, #tpu.memory_space<hbm>>
      %dma_wait3A_346 = tpu.memref_squeeze %dma_wait3A_345 : memref<1x632x16xf32, #tpu.memory_space<hbm>> -> memref<632x16xf32, #tpu.memory_space<hbm>>
      %dma_wait3A_347 = arith.constant 0 : i32
      %dma_wait3A_348 = tpu.memref_slice %arg14[%mul3A_2, %dma_wait3A_347] : memref<10112x16xf32, #tpu.memory_space<vmem_shared>> -> memref<632x16xf32, #tpu.memory_space<vmem_shared>>
      tpu.wait_dma2 semaphore(%run_scoped3A_338 : memref<!tpu.dma_semaphore, #tpu.memory_space<semaphore_mem>>) src(%dma_wait3A_348 : memref<632x16xf32, #tpu.memory_space<vmem_shared>>) dst(%dma_wait3A_346 : memref<632x16xf32, #tpu.memory_space<hbm>>)
      tpu.yield
    }) : () -> ()
    return
  }
}

module attributes {stable_mosaic.version = 14 : i64} {
  func.func @_tch_body(%arg0: memref<10000x128xf32, #tpu.memory_space<vmem>>, %arg1: memref<128x16xf32, #tpu.memory_space<vmem>>, %arg2: memref<10112x16xf32, #tpu.memory_space<vmem>>) attributes {dimension_semantics = [], scalar_prefetch = 0 : i64, scratch_operands = 0 : i64, tpu.core_type = #tpu.core_type<tc>} {
    %get3A = arith.constant 0 : index
    %get3A_0 = arith.constant 0 : index
    %get3A_1 = vector.load %arg0[%get3A, %get3A_0] : memref<10000x128xf32, #tpu.memory_space<vmem>>, vector<10000x128xf32>
    %get3A_2 = arith.constant 0 : index
    %get3A_3 = arith.constant 0 : index
    %get3A_4 = vector.load %arg1[%get3A_2, %get3A_3] : memref<128x16xf32, #tpu.memory_space<vmem>>, vector<128x16xf32>
    %dot_general3A = arith.constant dense<0.000000e+00> : vector<10000x16xf32>
    %dot_general3A_5 = tpu.matmul %get3A_1, %get3A_4, %dot_general3A {dimension_numbers = #tpu.dot_dimension_numbers<[1], [0], [0], [1], [0, 0, 1, 1], [], []>, transpose_lhs_hint = false} : vector<10000x128xf32>, vector<128x16xf32>, vector<10000x16xf32> -> vector<10000x16xf32>
    %swap3A = arith.constant 0 : index
    %swap3A_6 = arith.constant 0 : index
    %swap3A_7 = vector.load %arg2[%swap3A, %swap3A_6] : memref<10112x16xf32, #tpu.memory_space<vmem>>, vector<10000x16xf32>
    tpu.vector_store %arg2[%swap3A, %swap3A_6], %dot_general3A_5 {strides = array<i32>} : memref<10112x16xf32, #tpu.memory_space<vmem>>, vector<10000x16xf32>,
    %broadcast_in_dim3A = arith.constant 0.000000e+00 : f32
    %broadcast_in_dim3A_8 = vector.broadcast %broadcast_in_dim3A : f32 to vector<112x16xf32>
    %swap3A_9 = arith.constant 10000 : index
    %swap3A_10 = arith.constant 0 : index
    %swap3A_11 = vector.load %arg2[%swap3A_9, %swap3A_10] : memref<10112x16xf32, #tpu.memory_space<vmem>>, vector<112x16xf32>
    tpu.vector_store %arg2[%swap3A_9, %swap3A_10], %broadcast_in_dim3A_8 {strides = array<i32>} : memref<10112x16xf32, #tpu.memory_space<vmem>>, vector<112x16xf32>,
    return
  }
}

module attributes {stable_mosaic.version = 14 : i64} {
  func.func @_tc3_body(%arg0: memref<2x1264x128xf32, #tpu.memory_space<vmem>>, %arg1: memref<1264x128xf32, #tpu.memory_space<vmem>>, %arg2: memref<1264x128xf32, #tpu.memory_space<vmem>>, %arg3: memref<128x16xf32, #tpu.memory_space<vmem>>, %arg4: memref<1x16xf32, #tpu.memory_space<vmem>>, %arg5: memref<1264x16xf32, #tpu.memory_space<vmem>>) attributes {dimension_semantics = [], scalar_prefetch = 0 : i64, scratch_operands = 0 : i64, tpu.core_type = #tpu.core_type<tc>} {
    %get3A = arith.constant 0 : index
    %get3A_0 = arith.constant 0 : index
    %get3A_1 = vector.load %arg2[%get3A, %get3A_0] : memref<1264x128xf32, #tpu.memory_space<vmem>>, vector<1264x128xf32>
    %get3A_2 = arith.constant 0 : index
    %get3A_3 = arith.constant 0 : index
    %get3A_4 = arith.constant 0 : index
    %get3A_5 = vector.load %arg0[%get3A_2, %get3A_3, %get3A_4] : memref<2x1264x128xf32, #tpu.memory_space<vmem>>, vector<1x1264x128xf32>
    %get3A_6 = vector.shape_cast %get3A_5 : vector<1x1264x128xf32> to vector<1264x128xf32>
    %get3A_7 = arith.constant 1 : index
    %get3A_8 = arith.constant 0 : index
    %get3A_9 = arith.constant 0 : index
    %get3A_10 = vector.load %arg0[%get3A_7, %get3A_8, %get3A_9] : memref<2x1264x128xf32, #tpu.memory_space<vmem>>, vector<1x1264x128xf32>
    %get3A_11 = vector.shape_cast %get3A_10 : vector<1x1264x128xf32> to vector<1264x128xf32>
    %add3A = arith.addf %get3A_6, %get3A_11 : vector<1264x128xf32>
    %get3A_12 = arith.constant 0 : index
    %get3A_13 = arith.constant 0 : index
    %get3A_14 = vector.load %arg1[%get3A_12, %get3A_13] : memref<1264x128xf32, #tpu.memory_space<vmem>>, vector<1264x128xf32>
    %add3A_15 = arith.addf %add3A, %get3A_14 : vector<1264x128xf32>
    %mul3A = arith.mulf %get3A_1, %add3A_15 : vector<1264x128xf32>
    %get3A_16 = arith.constant 0 : index
    %get3A_17 = arith.constant 0 : index
    %get3A_18 = vector.load %arg3[%get3A_16, %get3A_17] : memref<128x16xf32, #tpu.memory_space<vmem>>, vector<128x16xf32>
    %dot_general3A = arith.constant dense<0.000000e+00> : vector<1264x16xf32>
    %dot_general3A_19 = tpu.matmul %mul3A, %get3A_18, %dot_general3A {dimension_numbers = #tpu.dot_dimension_numbers<[1], [0], [0], [1], [0, 0, 1, 1], [], []>, transpose_lhs_hint = false} : vector<1264x128xf32>, vector<128x16xf32>, vector<1264x16xf32> -> vector<1264x16xf32>
    %get3A_20 = arith.constant 0 : index
    %get3A_21 = arith.constant 0 : index
    %get3A_22 = vector.load %arg4[%get3A_20, %get3A_21] : memref<1x16xf32, #tpu.memory_space<vmem>>, vector<1x16xf32>
    %add3A_23 = vector.broadcast %get3A_22 : vector<1x16xf32> to vector<1264x16xf32>
    %add3A_24 = arith.addf %dot_general3A_19, %add3A_23 : vector<1264x16xf32>
    %swap3A = arith.constant 0 : index
    %swap3A_25 = arith.constant 0 : index
    %swap3A_26 = vector.load %arg5[%swap3A, %swap3A_25] : memref<1264x16xf32, #tpu.memory_space<vmem>>, vector<1264x16xf32>
    tpu.vector_store %arg5[%swap3A, %swap3A_25], %add3A_24 {strides = array<i32>} : memref<1264x16xf32, #tpu.memory_space<vmem>>, vector<1264x16xf32>,
    return
  }
}

</mosaic_0001>

<sc_bundles>
// kernel: run.10.cloned.1.call-start
scs
__scs_entry_jumppad:
0x0: {  	(pc) =	sbr.rel $0x88, $3  }
0x1: {  	(tag) =	ssettag $0x0;
	lr =	simm.s32 $0x1  }
0x2: {  	[smem:$0x3F9B] =	sst lr;
	_ =	strace $0xD0000000  }
0x3: {  	_ = 	snop  }
0x4: {  	_ = 	snop  }
0x5: {  	_ = 	snop  }
0x6: {  	_ = 	snop  }
0x7: {  	_ = 	snop  }
__scs_overlays_trampoline_lowered:
0x8: {  	[smem:$0x3FAA] =	sst s0  }
0x9: {  	[smem:$0x3FAB] =	sst s1  }
0xa: {  	[smem:$0x3FAC] =	sst s2  }
0xb: {  	[smem:$0x3FAD] =	sst s3  }
0xc: {  	[smem:$0x3FAE] =	sst s4  }
0xd: {  	[smem:$0x3FAF] =	sst s5  }
0xe: {  	[smem:$0x3FB0] =	sst s6  }
0xf: {  	[smem:$0x3FB1] =	sst s7  }
0x10: {  	[smem:$0x3FB2] =	sst s8  }
0x11: {  	[smem:$0x3FB3] =	sst s9;
	s0 =	simm.s32 @!p0 $0x0  }
0x12: {  	s1 =	sld [smem:$0x3F99];
	s0 =	simm.s32 @p0 $0x1  }
0x13: {  	[smem:$0x3FB4] =	sst s0;
	s0 =	simm.s32 @!p1 $0x0  }
0x14: {  	s2 =	sld [smem:$0x3F98];
	s0 =	simm.s32 @p1 $0x1  }
0x15: {  	[smem:$0x3FB5] =	sst s0;
	s0 =	simm.s32 @!p2 $0x0  }
0x16: {  	s3 =	sld [smem:$0x3FDB];
	s0 =	simm.s32 @p2 $0x1  }
0x17: {  	s4 =	simm.s32 $0x1BF5;
	[smem:$0x3FB7] =	sst s0  }
0x18: {  	s0 =	sld [smem:$0x3F9A];
	_ =	swait.ge [sflag:s4], $0x0  }
0x19: {  	s7 =	sld [smem:$0x3F9B]  }
0x1a: {  	s8 =	sadd.s32 $0xFFFFE003, lr  }
0x1b: {  	s9 =	sadd.s32 $0xFFFFFEF7, lr;
	s5 =	simm.s32 $0xFFFFFFFF;
	p2 =	slt.u32 s8, $0xFFFFF086  }
0x1c: {  	p1 =	slt.u32 s9, $0xF7A;
	s5 =	simm.s32 @!p2 $0x0  }
0x1d: {  	s5 =	simm.s32 @p1 $0x1;
	p0 =	seq.s32 s7, s2  }
0x1e: {  	s7 =	smul.u32 @!p0 $0xF7A, s2;
	p2 =	seq.s32 @!p0 s5, $0x0  }
0x1f: {  	s9 =	smul.u32 $0xF7A, s1;
	s8 =	simm.s32 @!p0 $0x1BF5;
	p2 =	por !p2, p0  }
0x20: {  	[sflag:s8] =	ssyncset.s32 @!p0 $0xFFFFF086;
	s6 =	sadd.s32 @!p0 s3, s7;
	s7 =	simm.s32 @!p0 $0x108  }
0x21: {  	s3 =	sadd.s32 s3, s9;
	s6 =	sadd.s32 @!p0 $0x88, s6;
	s7 =	simm.s32 @p2 $0x1082  }
0x22: {  	[simem:s7], [sflag:s8] =	dma.local @!p0 [hbm:s6], $0xF7A  }
0x23: {  	s9 =	sor.u32 $0xD0000000, s2;
	s6 =	simm.s32 $0x108;
	_ =	swait.ge @!p0 [sflag:s8], $0x0  }
0x24: {  	s3 =	sadd.s32 $0x88, s3;
	s6 =	simm.s32 @!p1 $0x1082;
	[sflag:s4] =	ssyncset.s32 $0xFFFFF086  }
0x25: {  	[simem:s6], [sflag:s4] =	dma.local [hbm:s3], $0xF7A  }
0x26: {  	[smem:$0x3F9B] =	sst s1;
	(tag) =	ssettag s2;
	_ =	strace s9  }
0x27: {  	s1 =	sld [smem:$0x3FAB]  }
0x28: {  	s2 =	sld [smem:$0x3FAC]  }
0x29: {  	s4 =	sld [smem:$0x3FAE]  }
0x2a: {  	p0 =	seq.s32 s5, $0x0;
	s5 =	sld [smem:$0x3FAF]  }
0x2b: {  	s6 =	sld [smem:$0x3FB0]  }
0x2c: {  	s7 =	sld [smem:$0x3FB1]  }
0x2d: {  	s3 =	simm.s32 $0x108;
	s8 =	sld [smem:$0x3FB2]  }
0x2e: {  	s3 =	simm.s32 @!p0 $0x1082;
	s9 =	sld [smem:$0x3FB3]  }
0x2f: {  	lr =	sadd.s32 s0, s3;
	s0 =	sld [smem:$0x3FAA]  }
0x30: {  	s3 =	sld [smem:$0x3FAD]  }
0x31: {  	[smem:$0x3FB6] =	sst s10  }
0x32: {  	s10 =	sld [smem:$0x3FB4];
	_ =	sdelay $0x3  }
0x33: {  	p0 =	seq.s32 s10, $0x1;
	s10 =	sld [smem:$0x3FB6];
	_ =	sdelay $0x3  }
0x34: {  	[smem:$0x3FB6] =	sst s10  }
0x35: {  	s10 =	sld [smem:$0x3FB5];
	_ =	sdelay $0x3  }
0x36: {  	p1 =	seq.s32 s10, $0x1;
	s10 =	sld [smem:$0x3FB6];
	_ =	sdelay $0x3  }
0x37: {  	[smem:$0x3FB6] =	sst s10  }
0x38: {  	s10 =	sld [smem:$0x3FB7]  }
0x39: {  	_ = 	snop;
	(pc) =	sbr.ind lr, $3  }
0x3a: {  	_ = 	snop  }
0x3b: {  	_ = 	snop  }
0x3c: {  	p2 =	seq.s32 s10, $0x1;
	s10 =	sld [smem:$0x3FB6]  }
0x3d: {  	_ =	shalt  }
0x3e: {  	_ =	shalt  }
0x3f: {  	_ =	shalt  }
0x40: {  	_ =	shalt  }
0x41: {  	_ =	shalt  }
0x42: {  	_ =	shalt  }
0x43: {  	_ =	shalt  }
0x44: {  	_ =	shalt  }
0x45: {  	_ =	shalt  }
0x46: {  	_ =	shalt  }
0x47: {  	_ =	shalt  }
0x48: {  	_ =	shalt  }
0x49: {  	_ =	shalt  }
0x4a: {  	_ =	shalt  }
0x4b: {  	_ =	shalt  }
0x4c: {  	_ =	shalt  }
0x4d: {  	_ =	shalt  }
0x4e: {  	_ =	shalt  }
0x4f: {  	_ =	shalt  }
0x50: {  	_ =	shalt  }
0x51: {  	_ =	shalt  }
0x52: {  	_ =	shalt  }
0x53: {  	_ =	shalt  }
0x54: {  	_ =	shalt  }
0x55: {  	_ =	shalt  }
0x56: {  	_ =	shalt  }
0x57: {  	_ =	shalt  }
0x58: {  	_ =	shalt  }
0x59: {  	_ =	shalt  }
0x5a: {  	_ =	shalt  }
0x5b: {  	_ =	shalt  }
0x5c: {  	_ =	shalt  }
0x5d: {  	_ =	shalt  }
0x5e: {  	_ =	shalt  }
0x5f: {  	_ =	shalt  }
0x60: {  	_ =	shalt  }
0x61: {  	_ =	shalt  }
0x62: {  	_ =	shalt  }
0x63: {  	_ =	shalt  }
0x64: {  	_ =	shalt  }
0x65: {  	_ =	shalt  }
0x66: {  	_ =	shalt  }
0x67: {  	_ =	shalt  }
0x68: {  	_ =	shalt  }
0x69: {  	_ =	shalt  }
0x6a: {  	_ =	shalt  }
0x6b: {  	_ =	shalt  }
0x6c: {  	_ =	shalt  }
0x6d: {  	_ =	shalt  }
0x6e: {  	_ =	shalt  }
0x6f: {  	_ =	shalt  }
0x70: {  	_ =	shalt  }
0x71: {  	_ =	shalt  }
0x72: {  	_ =	shalt  }
0x73: {  	_ =	shalt  }
0x74: {  	_ =	shalt  }
0x75: {  	_ =	shalt  }
0x76: {  	_ =	shalt  }
0x77: {  	_ =	shalt  }
0x78: {  	_ =	shalt  }
0x79: {  	_ =	shalt  }
0x7a: {  	_ =	shalt  }
0x7b: {  	_ =	shalt  }
0x7c: {  	_ =	shalt  }
0x7d: {  	_ =	shalt  }
0x7e: {  	_ =	shalt  }
0x7f: {  	_ =	shalt  }
0x80: {  	_ =	shalt  }
0x81: {  	_ =	shalt  }
0x82: {  	_ =	shalt  }
0x83: {  	_ =	shalt  }
0x84: {  	_ =	shalt  }
0x85: {  	_ =	shalt  }
0x86: {  	_ =	shalt  }
0x87: {  	_ =	shalt  }
.Lfunc_end0:
.L_simem_size_0:
called_computation.1_lowered:
.L_overlay_start_0:
0x88: {  	s2 =	sld [smem:$0x3FD9]  }
0x89: {  	s3 =	sld [smem:$0x3FFE];
	_ =	sdelay $0x1  }
0x8a: {  	s1 =	srdreg.scid  }
0x8b: {  	s0 =	sand.u32 $0x1, s1  }
0x8c: {  	s16 =	sshll.u32 s0, $0xA;
	s2 =	sadd.s32 s3, s2  }
0x8d: {  	s2 =	sadd.s32 s2, s16  }
0x8e: {  	[smem:$0x3FC2] =	sst s2  }
0x8f: {  	_ = 	snop  }
0x90: {  	(tm) =	ssettm $0x1  }
0x91: {  	s17 =	sld [smem:$0x3FFB];
	_ =	sdelay $0x3  }
0x92: {  	_ =	strace s17  }
0x93: {  	s2 =	sld [smem:$0x3FFC];
	_ =	sdelay $0x3  }
0x94: {  	_ =	strace s2  }
0x95: {  	s2 =	sld [smem:$0x3FFD];
	_ =	sdelay $0x3  }
0x96: {  	_ =	strace s2  }
0x97: {  	_ =	strace $0x8FFFFFFF  }
0x98: {  	s18 =	sld [smem:$0x3FDB];
	_ =	sdelay $0x1  }
0x99: {  	s19 =	simm.s32 $_scs_section_size  }
0x9a: {  	s4 =	simm.s32 $_size__tile_overlayer_lowered;
	s5 =	simm.s32 $_tile_overlayer_lowered  }
0x9b: {  	s22 =	simm.s32 $0x1BFF;
	s21 =	sshll.u32 s5, $0x1;
	s2 =	sadd.s32 s19, s18  }
0x9c: {  	s6 =	simm.s32 $0x0;
	s20 =	sshll.u32 s4, $0x1;
	s4 =	sadd.s32 s21, s2  }
0x9d: {  	[timem:s6], [sflag:s22] =	dma.local [hbm:s4], s20  }
0x9e: {  	_ =	swait.ge [sflag:s22], s20  }
0x9f: {  	s3 =	ssub.s32 $0x0, s20;
	[sflag:s22] =	ssyncset.done $0x0  }
0xa0: {  	[sflag:s22] =	ssyncadd.s32 s3;
	_ =	sdelay $0x1  }
0xa1: {  	s23 =	simm.s32 $0x1B8B  }
0xa2: {  	_ =	swait.ge [sflag:s23], $0x1  }
0xa3: {  	[sflag:s23] =	ssyncset.done $0x0  }
0xa4: {  	s25 =	simm.s32 $0x1B8E;
	s24 =	sld [smem:$0x3FFE];
	[sflag:s23] =	ssyncadd.s32 $0xFFFFFFFF  }
0xa5: {  	s26 =	simm.s32 $execute0_lowered;
	[smem:$0x3FD2] =	sst s25  }
0xa6: {  	s4 =	sshll.u32 s26, $0x1;
	_ =	strace $0x80000049;
	[dreg:$0x1] =	wrdreg $0xFFFFFFFF  }
0xa7: {  	s28 =	simm.s32 $_size_execute0_lowered;
	s2 =	sadd.s32 s2, s4;
	[dreg:$0x0] =	wrdreg $0x0  }
0xa8: {  	s4 =	sshll.u32 s28, $0x1;
	[dreg:$0x2] =	wrdreg s2  }
0xa9: {  	[dreg:$0x3] =	wrdreg s4  }
0xaa: {  	[dreg:$0x4] =	wrdreg $0xC0  }
0xab: {  	_ =	task [dreg:s6], $0x5FFFF  }
0xac: {  	[dreg:$0x1] =	wrdreg $0xFFFFFFFF  }
0xad: {  	[dreg:$0x0] =	wrdreg $0x60  }
0xae: {  	[dreg:$0x2] =	wrdreg s24  }
0xaf: {  	[dreg:$0x3] =	wrdreg $0x156200  }
0xb0: {  	[dreg:$0x4] =	wrdreg $0x17DA00  }
0xb1: {  	[dreg:$0x5] =	wrdreg $0x9  }
0xb2: {  	_ =	task.clear_ibuf [dreg:s6], $0x6FFFF;
	_ =	strace $0x90000049  }
0xb3: {  	s29 =	simm.s32 $0x9;
	_ =	strace $0x8000004B  }
0xb4: {  	_ =	swait.ge [sflag:s29], $0x1  }
0xb5: {  	[sflag:s29] =	ssyncadd.s32 $0xFFFFFFFF  }
0xb6: {  	_ =	strace $0x9000004B  }
0xb7: {  	_ =	sfence  }
0xb8: {  	s30 =	sld [smem:$0x0];
	_ =	sdelay $0x2  }
0xb9: {  	s31 =	sshll.u32 s1, $0xD;
	s1 =	sshrl.u32 s1, $0x2  }
0xba: {  	s3 =	sand.u32 $0x4000, s31;
	s1 =	sadd.s32 s1, s30  }
0xbb: {  	s0 =	sor.u32 s3, s0;
	s1 =	sshll.u32 s1, $0x11  }
0xbc: {  	s0 =	sor.u32 s1, s0  }
0xbd: {  	s0 =	sadd.s32 $0x8F2B, s0  }
0xbe: {  	[sflag:s0] =	ssyncadd.remote.s32 $0x1  }
0xbf: {  	_ =	sfence.sel $0xFFFF  }
0xc0: {  	[dreg:$0x0] =	wrdreg $0xFFFFFFFF;
	(pc) =	sbr.abs _section_cstart, $3  }
0xc1: {  	[dreg:$0x1] =	wrdreg $0xFFFFFFFF  }
0xc2: {  	_ =	task.clear_ibuf [dreg:s6], $0x2FFFF;
	_ =	strace $0x9FFFFFFF  }
0xc3: {  	(tm) =	ssettm $0x7FFFFFFF  }
tec
execute0_lowered:
.L_overlay_start_1:
0x0: {  	(tag) =	ssettag $0x1  }
0x1: {  	s0 =	srdreg.scid  }
0x2: {  	s1 =	rddreg [dreg:$0x0];
	s11 =	stileid.u32  }
0x3: {  	s2 =	rddreg [dreg:$0x1];
	s16 =	simm.s32 $0x9;
	s18 =	simm.s32 $0x5620  }
0x4: {  	s19 =	simm.s32 $0x9620;
	s28 =	simm.s32 $0x2;
	s30 =	simm.s32 $0x5  }
0x5: {  	s31 =	simm.s32 $0x4;
	s29 =	simm.s32 $0x7;
	s0 =	sand.u32 $0x1, s0  }
0x6: {  	s6 =	smul.u32 $0x2780, s11;
	s8 =	sadd.s32 $0x16200, s1;
	p0 =	sne.s32 s11, $0x0  }
0x7: {  	s3 =	sshll.u32 s0, $0x4;
	s7 =	smul.u32 $0x27800, s0;
	s20 =	ssub.s32 $0x2, s0  }
0x8: {  	s15 =	sshrl.u32 @!p0 s2, $0x3;
	p1 =	sne.s32 s0, $0x0;
	s0 =	simm.s32 $0x310  }
0x9: {  	s4 =	sor.u32 s11, s3;
	s3 =	rddreg [dreg:$0x2];
	s9 =	sshrl.u32 s6, $0x3  }
0xa: {  	s10 =	sshrl.u32 s20, $0x1;
	s26 =	sadd.s32 s6, s2;
	s5 =	smul.u32 $0x2710, s4  }
0xb: {  	s4 =	simm.s32 $0x0;
	s7 =	sadd.s32 s6, s7;
	s25 =	sadd.s32 s6, s3  }
0xc: {  	[smem:$0x7FF] =	sst s4;
	s7 =	sshrl.u32 s7, $0x3;
	s5 =	sshrl.u32 s5, $0x3  }
0xd: {  	_ =	strace $0x8000004A;
	[dreg:$0x4] =	wrdreg s8;
	s7 =	sadd.s32 s7, s1  }
0xe: {  	s8 =	ssub.s32 s20, s10;
	[dreg:$0xa] =	wrdreg s25;
	s20 =	simm.s32 $0xD620  }
0xf: {  	s25 =	sshrl.u32 s26, $0x3;
	s26 =	simm.s32 $0x11620;
	s5 =	sadd.s32 s5, s1  }
0x10: {  	s1 =	sadd.s32 s9, s1;
	s13 =	sadd.s32 $0x2A000, s7;
	s21 =	sadd.s32 $0x2800, s5  }
0x11: {  	s14 =	smax.u32 s8, $0x1;
	s5 =	sadd.s32 $0xC440, s5;
	[dreg:$0x5] =	wrdreg s21  }
0x12: {  	s8 =	simm.s32 $0x2B10;
	s22 =	sadd.s32 $0x1B200, s1;
	[dreg:$0x6] =	wrdreg s5  }
0x13: {  	s23 =	sadd.s32 $0x20100, s1;
	s24 =	sadd.s32 $0x25000, s1;
	[dreg:$0x7] =	wrdreg s22  }
0x14: {  	s12 =	sadd.s32 $0x33E00, s1;
	s1 =	simm.s32 $0x3;
	[dreg:$0x8] =	wrdreg s23  }
0x15: {  	[dreg:$0x9] =	wrdreg s24;
	s21 =	simm.s32 $0x400;
	s23 =	simm.s32 $0x1  }
0x16: {  	s24 =	simm.s32 $0x6;
	s22 =	simm.s32 $0x8;
	s5 =	simm.s32 $0x0  }
.LBB2_1:
0x17: {  	s6 =	simm.s32 @!p0 $0x1C09;
	s7 =	rddreg [dreg:$0x4]  }
0x18: {  	[spmem:s15], [sflag:s6] =	dma.local @!p0 [hbm:s7], $0x4F00  }
0x19: {  	s6 =	simm.s32 @!p0 $0x9  }
0x1a: {  	_ =	swait.ge @!p0 [sflag:s6], $0x4F00  }
0x1b: {  	[sflag:s6] =	ssyncset.done @!p0 $0x0  }
0x1c: {  	s11 =	rddreg [dreg:$0x5];
	[sflag:s6] =	ssyncadd.s32 @!p0 $0xFFFFB100  }
0x1d: {  	[tilespmem:s4], [sflag:$0x9] =	stream.linear.gather [hbm4b:s11+s4], $0x2710, $0x38;
	[tilespmem:$0x1A520] =	vst v63  }
0x1e: {  	_ =	swait.ge [sflag:s16], $0x2710  }
0x1f: {  	[sflag:s16] =	ssyncset.done $0x0  }
0x20: {  	s17 =	rddreg [dreg:$0x6];
	[sflag:s16] =	ssyncadd.s32 $0xFFFFD8F0  }
0x21: {  	[tilespmem:s8], [sflag:$0x9] =	stream.linear.gather [hbm4b:s17+s4], $0x2710, $0x38;
	[tilespmem:$0x1A520] =	vst v63  }
0x22: {  	_ =	swait.ge [sflag:s16], $0x2710  }
0x23: {  	[sflag:s16] =	ssyncset.done $0x0  }
0x24: {  	s7 =	rddreg [dreg:$0x7];
	[sflag:s16] =	ssyncadd.s32 $0xFFFFD8F0  }
0x25: {  	[tilespmem:s18], [sflag:$0x9] =	stream.linear.gather [hbm4b:s7+s4], $0x2780, $0x38;
	[tilespmem:$0x1A520] =	vst v63  }
0x26: {  	_ =	swait.ge [sflag:s16], $0x2780  }
0x27: {  	[sflag:s16] =	ssyncset.done $0x0  }
0x28: {  	s8 =	rddreg [dreg:$0x8];
	[sflag:s16] =	ssyncadd.s32 $0xFFFFD880  }
0x29: {  	[tilespmem:s19], [sflag:$0x9] =	stream.linear.gather [hbm4b:s8+s4], $0x2780, $0x38;
	[tilespmem:$0x1A520] =	vst v63  }
0x2a: {  	_ =	swait.ge [sflag:s16], $0x2780  }
0x2b: {  	[sflag:s16] =	ssyncset.done $0x0  }
0x2c: {  	s9 =	rddreg [dreg:$0x9];
	[sflag:s16] =	ssyncadd.s32 $0xFFFFD880  }
0x2d: {  	[tilespmem:s20], [sflag:$0x9] =	stream.linear.gather [hbm4b:s9+s4], $0x2780, $0x38;
	[tilespmem:$0x1A520] =	vst v63  }
0x2e: {  	_ =	swait.ge [sflag:s16], $0x2780  }
0x2f: {  	[sflag:s16] =	ssyncset.done $0x0  }
0x30: {  	s10 =	simm.s32 $0x9660;
	[sflag:s16] =	ssyncadd.s32 $0xFFFFD880  }
0x31: {  	s11 =	simm.s32 $0x5660;
	v0 =	vld [tilespmem:s10+$0x0]  }
0x32: {  	v1 =	vld [tilespmem:s11+$0x20]  }
0x33: {  	v2 =	vld [tilespmem:s11+$0xFFFFFFF0]  }
0x34: {  	v3 =	vld [tilespmem:s11+$0xFFFFFFC0]  }
0x35: {  	v4 =	vld [tilespmem:s10+$0x20]  }
0x36: {  	v5 =	vld [tilespmem:s10+$0xFFFFFFE0]  }
0x37: {  	v6 =	vld [tilespmem:s10+$0xFFFFFFC0]  }
0x38: {  	v7 =	vld [tilespmem:s10+$0x30]  }
0x39: {  	v8 =	vld [tilespmem:s10+$0xFFFFFFF0]  }
0x3a: {  	v9 =	vld [tilespmem:s11+$0xFFFFFFE0]  }
0x3b: {  	v10 =	vld [tilespmem:s11+$0x0]  }
0x3c: {  	v11 =	vld [tilespmem:s11+$0x30];
	_ =	sdelay $0x1  }
0x3d: {  	v1 =	vadd.f32 v4, v1  }
0x3e: {  	v3 =	vadd.f32 v6, v3;
	v2 =	vadd.f32 v8, v2  }
0x3f: {  	v4 =	vld [tilespmem:s10+$0x10];
	v5 =	vadd.f32 v5, v9;
	v10 =	vadd.f32 v0, v10  }
0x40: {  	v6 =	vld [tilespmem:s11+$0x10];
	v7 =	vadd.f32 v7, v11;
	v1 =	vadd.f32 $1.000000000e+00, v1  }
0x41: {  	v3 =	vadd.f32 $1.000000000e+00, v3;
	v0 =	vadd.f32 $1.000000000e+00, v2  }
0x42: {  	v5 =	vadd.f32 $1.000000000e+00, v5;
	v12 =	vshrl.u32 v1, $0x1;
	v1 =	vmul.f32 $5.000000000e-01, v1  }
0x43: {  	v10 =	vadd.f32 $1.000000000e+00, v10;
	v17 =	vadd.f32 $1.000000000e+00, v7;
	v8 =	vsub.s32 $0x5F3759DF, v12  }
0x44: {  	v9 =	vshrl.u32 v3, $0x1;
	v3 =	vmul.f32 $5.000000000e-01, v3;
	v12 =	vmul.f32 v8, v1  }
0x45: {  	v2 =	vld [tilespmem:s10+$0xFFFFFFD0];
	v11 =	vshrl.u32 v0, $0x1;
	v0 =	vmul.f32 $5.000000000e-01, v0;
	v4 =	vadd.f32 v4, v6  }
0x46: {  	v14 =	vmul.f32 $5.000000000e-01, v5;
	v18 =	vshrl.u32 v10, $0x1;
	v6 =	vmul.f32 v8, v12;
	v12 =	vld [tilespmem:s11+$0xFFFFFFD0]  }
0x47: {  	v7 =	vmul.f32 $5.000000000e-01, v17;
	v9 =	vsub.s32 $0x5F3759DF, v9;
	v4 =	vadd.f32 $1.000000000e+00, v4  }
0x48: {  	v17 =	vshrl.u32 v17, $0x1;
	v11 =	vsub.s32 $0x5F3759DF, v11;
	v13 =	vmul.f32 v9, v3  }
0x49: {  	v15 =	vmul.f32 v11, v0;
	v16 =	vshrl.u32 v4, $0x1;
	v4 =	vmul.f32 $5.000000000e-01, v4  }
0x4a: {  	v10 =	vmul.f32 $5.000000000e-01, v10;
	v13 =	vmul.f32 v9, v13;
	v16 =	vsub.s32 $0x5F3759DF, v16  }
0x4b: {  	v2 =	vadd.f32 v2, v12;
	v12 =	vmul.f32 v11, v15;
	v15 =	vmul.f32 v16, v4  }
0x4c: {  	v17 =	vsub.s32 $0x5F3759DF, v17;
	v6 =	vsub.f32 $1.500000000e+00, v6;
	v13 =	vsub.f32 $1.500000000e+00, v13  }
0x4d: {  	v5 =	vshrl.u32 v5, $0x1;
	v19 =	vmul.f32 v17, v7;
	v15 =	vmul.f32 v16, v15  }
0x4e: {  	v5 =	vsub.s32 $0x5F3759DF, v5;
	v6 =	vmul.f32 v8, v6;
	v9 =	vmul.f32 v9, v13  }
0x4f: {  	v19 =	vmul.f32 v17, v19;
	v12 =	vsub.f32 $1.500000000e+00, v12;
	v15 =	vsub.f32 $1.500000000e+00, v15  }
0x50: {  	v8 =	vsub.s32 $0x5F3759DF, v18;
	v18 =	vmul.f32 v6, v1;
	v23 =	vmul.f32 v9, v3  }
0x51: {  	v2 =	vadd.f32 $1.000000000e+00, v2;
	v11 =	vmul.f32 v11, v12;
	v12 =	vmul.f32 v16, v15  }
0x52: {  	v18 =	vmul.f32 v18, v6;
	v15 =	vmul.f32 v5, v14  }
0x53: {  	v21 =	vshrl.u32 v2, $0x1;
	v2 =	vmul.f32 $5.000000000e-01, v2;
	v20 =	vmul.f32 v12, v4  }
0x54: {  	v16 =	vmul.f32 v8, v10;
	v15 =	vmul.f32 v5, v15  }
0x55: {  	v13 =	vsub.s32 $0x5F3759DF, v21;
	v18 =	vsub.f32 $1.500000000e+00, v18;
	v20 =	vmul.f32 v20, v12  }
0x56: {  	v22 =	vmul.f32 v13, v2;
	v16 =	vmul.f32 v8, v16;
	v15 =	vsub.f32 $1.500000000e+00, v15  }
0x57: {  	v21 =	vmul.f32 v11, v0;
	v6 =	vmul.f32 v18, v6;
	v20 =	vsub.f32 $1.500000000e+00, v20  }
0x58: {  	v16 =	vsub.f32 $1.500000000e+00, v16;
	v5 =	vmul.f32 v5, v15;
	v15 =	vmul.f32 v13, v22  }
0x59: {  	s17 =	simm.s32 $0x96E0;
	v1 =	vmul.f32 v6, v1;
	v12 =	vmul.f32 v20, v12  }
0x5a: {  	s6 =	simm.s32 $0x56E0;
	v26 =	vld [tilespmem:s17+$0xFFFFFFF0];
	v8 =	vmul.f32 v8, v16;
	v15 =	vsub.f32 $1.500000000e+00, v15;
	v22 =	vmul.f32 v5, v14  }
0x5b: {  	v16 =	vld [tilespmem:s6+$0xFFFFFFF0];
	v20 =	vmul.f32 v23, v9;
	v4 =	vmul.f32 v12, v4  }
0x5c: {  	v13 =	vmul.f32 v13, v15;
	v15 =	vmul.f32 v22, v5  }
0x5d: {  	v21 =	vmul.f32 v21, v11;
	v1 =	vmul.f32 v1, v6;
	v20 =	vsub.f32 $1.500000000e+00, v20  }
0x5e: {  	v24 =	vld [tilespmem:s17+$0x20];
	v25 =	vmul.f32 v8, v10;
	v4 =	vmul.f32 v4, v12;
	v15 =	vsub.f32 $1.500000000e+00, v15  }
0x5f: {  	v1 =	vsub.f32 $1.500000000e+00, v1;
	v23 =	vld [tilespmem:s6+$0x20];
	v9 =	vmul.f32 v20, v9;
	v20 =	vmul.f32 v13, v2  }
0x60: {  	v18 =	vld [tilespmem:s17+$0xFFFFFFE0];
	v16 =	vadd.f32 v26, v16;
	v4 =	vsub.f32 $1.500000000e+00, v4;
	v5 =	vmul.f32 v15, v5  }
0x61: {  	v3 =	vmul.f32 v9, v3;
	v15 =	vsub.f32 $1.500000000e+00, v21;
	v21 =	vld [tilespmem:s6+$0xFFFFFFE0];
	v20 =	vmul.f32 v20, v13  }
0x62: {  	v22 =	vld [tilespmem:s6+$0xFFFFFFC0];
	v12 =	vmul.f32 v4, v12;
	v4 =	vsub.f32 $1.500000000e+00, v19;
	v14 =	vmul.f32 v5, v14  }
0x63: {  	v19 =	vmul.f32 v25, v8;
	v25 =	vld [tilespmem:s17+$0xFFFFFFC0];
	v3 =	vmul.f32 v3, v9;
	v20 =	vsub.f32 $1.500000000e+00, v20  }
0x64: {  	v28 =	vld [tilespmem:s17+$0xFFFFFFD0];
	v23 =	vadd.f32 v24, v23;
	v15 =	vmul.f32 v15, v11;
	v14 =	vmul.f32 v14, v5  }
0x65: {  	v19 =	vsub.f32 $1.500000000e+00, v19;
	v3 =	vsub.f32 $1.500000000e+00, v3;
	v13 =	vmul.f32 v20, v13;
	v20 =	vld [tilespmem:s6+$0xFFFFFFD0]  }
0x66: {  	v27 =	vld [tilespmem:s17+$0x0];
	v17 =	vmul.f32 v17, v4;
	v18 =	vadd.f32 v18, v21;
	v14 =	vsub.f32 $1.500000000e+00, v14  }
0x67: {  	v24 =	vld [tilespmem:s17+$0x30];
	v19 =	vmul.f32 v19, v8;
	v8 =	vadd.f32 $1.000000000e+00, v23;
	v21 =	vmul.f32 v3, v9  }
0x68: {  	v9 =	vld [tilespmem:s6+$0x0];
	v3 =	vadd.f32 v25, v22;
	v22 =	vmul.f32 v13, v2;
	v14 =	vmul.f32 v14, v5  }
0x69: {  	v23 =	vld [tilespmem:s17+$0x10];
	v5 =	vshrl.u32 v8, $0x1;
	v2 =	vmul.f32 $5.000000000e-01, v8;
	v8 =	vmul.f32 v19, v10  }
0x6a: {  	v25 =	vld [tilespmem:s6+$0x30];
	v3 =	vadd.f32 $1.000000000e+00, v3;
	v5 =	vsub.s32 $0x5F3759DF, v5;
	v11 =	vadd.f32 v28, v20  }
0x6b: {  	v10 =	vld [tilespmem:s6+$0x10];
	v28 =	vmul.f32 v1, v6;
	v6 =	vadd.f32 $1.000000000e+00, v16;
	v16 =	vadd.f32 $1.000000000e+00, v18  }
0x6c: {  	v20 =	vmul.f32 v8, v19;
	v8 =	vmul.f32 v5, v2;
	v26 =	vshrl.u32 v3, $0x1  }
0x6d: {  	s17 =	simm.s32 $0xD660;
	[tilespmem:s11+$0xFFFFFFC0] =	vst v21;
	v3 =	vmul.f32 $5.000000000e-01, v3;
	v1 =	vadd.f32 v27, v9;
	v9 =	vmul.f32 v22, v13  }
0x6e: {  	v63 =	vld [tilespmem:s17+$0xFFFFFFC0];
	v22 =	vadd.f32 $1.000000000e+00, v11;
	v18 =	vshrl.u32 v6, $0x1;
	v26 =	vsub.s32 $0x5F3759DF, v26  }
0x6f: {  	v8 =	vmul.f32 v5, v8;
	v11 =	vadd.f32 v24, v25;
	v18 =	vsub.s32 $0x5F3759DF, v18  }
0x70: {  	v24 =	vmul.f32 v17, v7;
	v10 =	vadd.f32 v23, v10;
	v23 =	vmul.f32 v26, v3  }
0x71: {  	v4 =	vadd.f32 $1.000000000e+00, v1;
	v1 =	vmul.f32 v15, v0;
	v0 =	vmul.f32 $5.000000000e-01, v6  }
0x72: {  	v6 =	vmul.f32 $5.000000000e-01, v16;
	v9 =	vsub.f32 $1.500000000e+00, v9;
	v29 =	vadd.f32 $1.000000000e+00, v11  }
0x73: {  	[tilespmem:s11+$0x10] =	vst v12;
	v8 =	vsub.f32 $1.500000000e+00, v8;
	v24 =	vmul.f32 v24, v17;
	v21 =	vmul.f32 v21, v63  }
0x74: {  	v25 =	vld [tilespmem:s17+$0x10];
	v27 =	vadd.f32 $1.000000000e+00, v10;
	v10 =	vmul.f32 v18, v0;
	v30 =	vmul.f32 v1, v15  }
0x75: {  	v11 =	vshrl.u32 v4, $0x1;
	v4 =	vmul.f32 $5.000000000e-01, v4;
	v23 =	vmul.f32 v26, v23  }
0x76: {  	v20 =	vsub.f32 $1.500000000e+00, v20;
	v13 =	vmul.f32 v9, v13;
	v9 =	vmul.f32 $5.000000000e-01, v22  }
0x77: {  	v8 =	vmul.f32 v5, v8;
	v24 =	vsub.f32 $1.500000000e+00, v24;
	v5 =	vshrl.u32 v29, $0x1  }
0x78: {  	[tilespmem:s11+$0x20] =	vst v28;
	v1 =	vshrl.u32 v27, $0x1;
	v31 =	vmul.f32 v18, v10;
	v10 =	vsub.s32 $0x5F3759DF, v11  }
0x79: {  	v11 =	vmul.f32 $5.000000000e-01, v27;
	v12 =	vmul.f32 v12, v25;
	v25 =	vld [tilespmem:s17+$0x20];
	v5 =	vsub.s32 $0x5F3759DF, v5  }
0x7a: {  	v32 =	vsub.s32 $0x5F3759DF, v1;
	v1 =	vmul.f32 $5.000000000e-01, v29;
	v24 =	vmul.f32 v24, v17  }
0x7b: {  	v17 =	vmul.f32 v8, v2;
	v29 =	vsub.f32 $1.500000000e+00, v31;
	v33 =	vmul.f32 v32, v11  }
0x7c: {  	[tilespmem:s11+$0xFFFFFFE0] =	vst v14;
	v16 =	vshrl.u32 v16, $0x1;
	v27 =	vmul.f32 v5, v1;
	v31 =	vmul.f32 v24, v7  }
0x7d: {  	v35 =	vshrl.u32 v22, $0x1;
	v34 =	vmul.f32 v17, v8;
	v17 =	vld [tilespmem:s17+$0xFFFFFFE0];
	v7 =	vmul.f32 v18, v29  }
0x7e: {  	v18 =	vmul.f32 v32, v33;
	v29 =	vsub.f32 $1.500000000e+00, v30;
	v25 =	vmul.f32 v28, v25  }
0x7f: {  	v28 =	vsub.s32 $0x5F3759DF, v16;
	v16 =	vmul.f32 v31, v24;
	v31 =	vmul.f32 v10, v4  }
0x80: {  	[tilespmem:s11+$0xFFFFFFD0] =	vst v13;
	v23 =	vsub.f32 $1.500000000e+00, v23;
	v62 =	vmul.f32 v5, v27;
	v30 =	vmul.f32 v28, v6  }
0x81: {  	v22 =	vld [tilespmem:s17+$0xFFFFFFD0];
	v18 =	vsub.f32 $1.500000000e+00, v18;
	v29 =	vmul.f32 v29, v15;
	v15 =	vmul.f32 v7, v0  }
0x82: {  	[tilespmem:s17+$0x10] =	vst v12;
	v27 =	vsub.f32 $1.500000000e+00, v16;
	v16 =	vmul.f32 v26, v23;
	v14 =	vmul.f32 v14, v17  }
0x83: {  	v17 =	vmul.f32 v32, v18;
	v18 =	vmul.f32 v20, v19;
	[tilespmem:s11+$0xFFFFFFF0] =	vst v29  }
0x84: {  	[tilespmem:s17+$0x20] =	vst v25;
	v20 =	vmul.f32 v15, v7;
	v23 =	vmul.f32 v28, v30;
	v30 =	vld [tilespmem:s17+$0xFFFFFFF0]  }
0x85: {  	v15 =	vsub.f32 $1.500000000e+00, v34;
	v19 =	vmul.f32 v27, v24;
	v25 =	vmul.f32 v17, v11;
	[tilespmem:s11+$0x0] =	vst v18  }
0x86: {  	v24 =	vmul.f32 v10, v31;
	[tilespmem:s17+$0xFFFFFFE0] =	vst v14;
	v14 =	vmul.f32 v13, v22;
	v22 =	vsub.f32 $1.500000000e+00, v23;
	v23 =	vld [tilespmem:s17+$0x0]  }
0x87: {  	v12 =	vsub.f32 $1.500000000e+00, v20;
	v20 =	vsub.s32 $0x5F3759DF, v35;
	[tilespmem:s11+$0x30] =	vst v19;
	v31 =	vmul.f32 v25, v17  }
0x88: {  	s7 =	simm.s32 $0xD6E0;
	s8 =	simm.s32 $0x8;
	v26 =	vmul.f32 v16, v3;
	v13 =	vsub.f32 $1.500000000e+00, v62;
	v27 =	vmul.f32 v20, v9;
	v25 =	vld [tilespmem:s17+$0x30]  }
0x89: {  	s9 =	simm.s32 $0xD6E0;
	s10 =	simm.s32 $0x9760;
	s11 =	simm.s32 $0x5760;
	[tilespmem:s17+$0xFFFFFFD0] =	vst v14;
	v14 =	vmul.f32 v28, v22;
	v28 =	vsub.f32 $1.500000000e+00, v31;
	v22 =	vmul.f32 v29, v30  }
.LBB2_2:
0x8a: {  	v29 =	vld [tilespmem:s10+$0x0];
	s8 =	sadd.s32 $0x8, s8;
	v26 =	vmul.f32 v26, v16;
	v27 =	vmul.f32 v20, v27;
	v24 =	vsub.f32 $1.500000000e+00, v24;
	s9 =	sadd.s32 $0x80, s9  }
0x8b: {  	v30 =	vld [tilespmem:s11+$0x20];
	p2 =	slt.u32 s8, $0x270;
	v17 =	vmul.f32 v28, v17;
	[tilespmem:s17+$0xFFFFFFF0] =	vst v22;
	v18 =	vmul.f32 v18, v23  }
0x8c: {  	v22 =	vld [tilespmem:s11+$0xFFFFFFF0];
	v23 =	vsub.f32 $1.500000000e+00, v27;
	v27 =	vmul.f32 v14, v6;
	v10 =	vmul.f32 v10, v24;
	[tilespmem:s17+$0xFFFFFFC0] =	vst v21  }
0x8d: {  	v21 =	vld [tilespmem:s10+$0xFFFFFFD0];
	v11 =	vmul.f32 v17, v11;
	[tilespmem:s17+$0x0] =	vst v18;
	v18 =	vmul.f32 v19, v25  }
0x8e: {  	v24 =	vsub.f32 $1.500000000e+00, v26;
	v19 =	vld [tilespmem:s11+$0xFFFFFFC0];
	v20 =	vmul.f32 v20, v23;
	v23 =	vmul.f32 v27, v14  }
0x8f: {  	v8 =	vmul.f32 v15, v8;
	v25 =	vld [tilespmem:s10+$0xFFFFFFE0];
	v11 =	vmul.f32 v11, v17;
	[tilespmem:s17+$0x30] =	vst v18;
	s17 =	smov.u32 s7;
	s7 =	smov.u32 s9  }
0x90: {  	v18 =	vmul.f32 v24, v16;
	v15 =	vld [tilespmem:s10+$0x30];
	v16 =	vmul.f32 v20, v9;
	v23 =	vsub.f32 $1.500000000e+00, v23  }
0x91: {  	v2 =	vmul.f32 v8, v2;
	v26 =	vmul.f32 v10, v4;
	v24 =	vld [tilespmem:s10+$0x20];
	v11 =	vsub.f32 $1.500000000e+00, v11  }
0x92: {  	v3 =	vmul.f32 v18, v3;
	v27 =	vld [tilespmem:s10+$0xFFFFFFF0];
	v23 =	vmul.f32 v23, v14  }
0x93: {  	v16 =	vmul.f32 v16, v20;
	v14 =	vld [tilespmem:s11+$0xFFFFFFE0];
	v17 =	vmul.f32 v11, v17  }
0x94: {  	v11 =	vmul.f32 v26, v10;
	v6 =	vmul.f32 v23, v6  }
0x95: {  	v28 =	vmul.f32 v2, v8;
	v3 =	vmul.f32 v3, v18;
	v16 =	vsub.f32 $1.500000000e+00, v16;
	v26 =	vld [tilespmem:s10+$0xFFFFFFC0];
	[tilespmem:s6+$0x10] =	vst v17  }
0x96: {  	v31 =	vld [tilespmem:s10+$0x10];
	v2 =	vmul.f32 v6, v23;
	v6 =	vsub.f32 $1.500000000e+00, v11  }
0x97: {  	v3 =	vsub.f32 $1.500000000e+00, v3;
	v11 =	vadd.f32 v24, v30;
	v20 =	vmul.f32 v16, v20;
	v24 =	vld [tilespmem:s11+$0x30]  }
0x98: {  	v22 =	vadd.f32 v27, v22;
	v30 =	vld [tilespmem:s11+$0xFFFFFFD0];
	v2 =	vsub.f32 $1.500000000e+00, v2;
	v16 =	vmul.f32 v6, v10  }
0x99: {  	v6 =	vadd.f32 v25, v14;
	v11 =	vadd.f32 $1.000000000e+00, v11;
	v14 =	vmul.f32 v3, v18;
	v10 =	vld [tilespmem:s11+$0x0]  }
0x9a: {  	v9 =	vmul.f32 v20, v9;
	v3 =	vadd.f32 v26, v19;
	v18 =	vmul.f32 v2, v23  }
0x9b: {  	v19 =	vshrl.u32 v11, $0x1;
	v2 =	vmul.f32 $5.000000000e-01, v11;
	v4 =	vmul.f32 v16, v4;
	[tilespmem:s6+$0xFFFFFFC0] =	vst v14  }
0x9c: {  	v12 =	vmul.f32 v12, v7;
	v7 =	vsub.f32 $1.500000000e+00, v28;
	v3 =	vadd.f32 $1.000000000e+00, v3;
	v11 =	vld [tilespmem:s11+$0x10];
	[tilespmem:s6+$0xFFFFFFE0] =	vst v18  }
0x9d: {  	v19 =	vsub.s32 $0x5F3759DF, v19;
	v23 =	vmul.f32 v4, v16;
	v21 =	vadd.f32 v21, v30;
	v25 =	vld [tilespmem:s17+$0x10]  }
0x9e: {  	v7 =	vmul.f32 v7, v8;
	v26 =	vmul.f32 v19, v2;
	v4 =	vshrl.u32 v3, $0x1  }
0x9f: {  	v9 =	vmul.f32 v9, v20;
	v3 =	vmul.f32 $5.000000000e-01, v3;
	v8 =	vadd.f32 v29, v10  }
0xa0: {  	v27 =	vsub.s32 $0x5F3759DF, v4;
	v21 =	vadd.f32 $1.000000000e+00, v21;
	v4 =	vadd.f32 $1.000000000e+00, v22;
	[tilespmem:s6+$0x20] =	vst v7  }
0xa1: {  	v15 =	vadd.f32 v15, v24;
	v10 =	vadd.f32 v31, v11;
	v11 =	vmul.f32 v19, v26  }
0xa2: {  	v13 =	vmul.f32 v5, v13;
	v22 =	vadd.f32 $1.000000000e+00, v6;
	v6 =	vshrl.u32 v4, $0x1  }
0xa3: {  	v24 =	vmul.f32 v27, v3;
	v5 =	vadd.f32 $1.000000000e+00, v8;
	v8 =	vmul.f32 v12, v0  }
0xa4: {  	v0 =	vmul.f32 $5.000000000e-01, v4;
	v4 =	vmul.f32 v13, v1;
	v26 =	vsub.s32 $0x5F3759DF, v6  }
0xa5: {  	v15 =	vadd.f32 $1.000000000e+00, v15;
	v6 =	vmul.f32 $5.000000000e-01, v22;
	v28 =	vadd.f32 $1.000000000e+00, v10  }
0xa6: {  	v29 =	vmul.f32 v8, v12;
	v10 =	vmul.f32 v26, v0;
	v11 =	vsub.f32 $1.500000000e+00, v11  }
0xa7: {  	v8 =	vshrl.u32 v5, $0x1;
	v31 =	vmul.f32 v4, v13;
	v30 =	vshrl.u32 v28, $0x1  }
0xa8: {  	v33 =	vmul.f32 $5.000000000e-01, v15;
	v32 =	vmul.f32 v26, v10;
	v30 =	vsub.s32 $0x5F3759DF, v30  }
0xa9: {  	v9 =	vsub.f32 $1.500000000e+00, v9;
	v4 =	vmul.f32 $5.000000000e-01, v5;
	v10 =	vsub.s32 $0x5F3759DF, v8  }
0xaa: {  	v8 =	vmul.f32 v19, v11;
	v19 =	vsub.f32 $1.500000000e+00, v31;
	v32 =	vsub.f32 $1.500000000e+00, v32  }
0xab: {  	v5 =	vshrl.u32 v15, $0x1;
	v15 =	vmul.f32 v17, v25;
	v11 =	vmul.f32 $5.000000000e-01, v28;
	v17 =	vld [tilespmem:s17+$0x20]  }
0xac: {  	v22 =	vshrl.u32 v22, $0x1;
	v5 =	vsub.s32 $0x5F3759DF, v5;
	v13 =	vmul.f32 v19, v13  }
0xad: {  	v25 =	vshrl.u32 v21, $0x1;
	v28 =	vmul.f32 v5, v33;
	v19 =	vmul.f32 v8, v2;
	[tilespmem:s17+$0x10] =	vst v15  }
0xae: {  	v22 =	vsub.s32 $0x5F3759DF, v22;
	v31 =	vmul.f32 v13, v1;
	v1 =	vmovc v33;
	v15 =	vmul.f32 v27, v24;
	v24 =	vld [tilespmem:s17+$0xFFFFFFE0]  }
0xaf: {  	v20 =	vmul.f32 v9, v20;
	v29 =	vsub.f32 $1.500000000e+00, v29;
	v33 =	vmul.f32 v30, v11;
	v34 =	vld [tilespmem:s17+$0xFFFFFFC0]  }
0xb0: {  	v9 =	vmul.f32 v19, v8;
	v35 =	vsub.f32 $1.500000000e+00, v15;
	v17 =	vmul.f32 v7, v17  }
0xb1: {  	v19 =	vsub.f32 $1.500000000e+00, v23;
	v23 =	vmul.f32 v31, v13;
	v7 =	vmul.f32 v26, v32;
	[tilespmem:s6+$0xFFFFFFD0] =	vst v20  }
0xb2: {  	v31 =	vmul.f32 v30, v33;
	v15 =	vsub.f32 $1.500000000e+00, v9;
	v26 =	vmul.f32 v22, v6;
	v32 =	vld [tilespmem:s17+$0xFFFFFFD0];
	[tilespmem:s17+$0x20] =	vst v17  }
0xb3: {  	v28 =	vmul.f32 v5, v28;
	v33 =	vmul.f32 v10, v4;
	v23 =	vsub.f32 $1.500000000e+00, v23  }
0xb4: {  	v9 =	vmul.f32 $5.000000000e-01, v21;
	v17 =	vsub.f32 $1.500000000e+00, v31;
	v18 =	vmul.f32 v18, v24  }
0xb5: {  	v29 =	vmul.f32 v29, v12;
	v21 =	vmul.f32 v7, v0  }
0xb6: {  	v17 =	vmul.f32 v30, v17;
	[tilespmem:s17+$0xFFFFFFE0] =	vst v18;
	v18 =	vmul.f32 v19, v16  }
0xb7: {  	v12 =	vmul.f32 v21, v7;
	v16 =	vmul.f32 v27, v35;
	[tilespmem:s6+$0xFFFFFFF0] =	vst v29  }
0xb8: {  	v21 =	vmul.f32 v22, v26;
	v19 =	vmul.f32 v23, v13;
	v30 =	vld [tilespmem:s17+$0xFFFFFFF0];
	[tilespmem:s6+$0x0] =	vst v18  }
.Ltmp0:
0xb9: {  	v12 =	vsub.f32 $1.500000000e+00, v12;
	v13 =	vmul.f32 v17, v11;
	v27 =	vmul.f32 v20, v32;
	(pc) =	sbr.rel @p2 .LBB2_2-.Ltmp0, $4  }
0xba: {  	v24 =	vmul.f32 v10, v33;
	v31 =	vsub.f32 $1.500000000e+00, v21;
	v20 =	vsub.s32 $0x5F3759DF, v25;
	v23 =	vld [tilespmem:s17+$0x0];
	[tilespmem:s6+$0x30] =	vst v19;
	s6 =	smov.u32 s11  }
0xbb: {  	v26 =	vmul.f32 v16, v3;
	v32 =	vmul.f32 v13, v17;
	[tilespmem:s17+$0xFFFFFFD0] =	vst v27  }
0xbc: {  	v21 =	vmul.f32 v14, v34;
	v13 =	vsub.f32 $1.500000000e+00, v28;
	v27 =	vmul.f32 v20, v9;
	v25 =	vld [tilespmem:s17+$0x30]  }
0xbd: {  	s10 =	sadd.s32 $0x80, s10;
	v14 =	vmul.f32 v22, v31;
	v28 =	vsub.f32 $1.500000000e+00, v32;
	s11 =	sadd.s32 $0x80, s11;
	v22 =	vmul.f32 v29, v30  }
0xbe: {  	v26 =	vmul.f32 v26, v16  }
0xbf: {  	v27 =	vmul.f32 v20, v27;
	v8 =	vmul.f32 v15, v8  }
0xc0: {  	v24 =	vsub.f32 $1.500000000e+00, v24;
	v5 =	vmul.f32 v5, v13;
	v7 =	vmul.f32 v12, v7  }
0xc1: {  	v17 =	vmul.f32 v28, v17;
	v18 =	vmul.f32 v18, v23  }
0xc2: {  	v33 =	vmul.f32 v14, v6;
	v10 =	vmul.f32 v10, v24  }
0xc3: {  	v27 =	vsub.f32 $1.500000000e+00, v27;
	v2 =	vmul.f32 v8, v2;
	v44 =	vmul.f32 v5, v1  }
0xc4: {  	v34 =	vsub.f32 $1.500000000e+00, v26;
	v0 =	vmul.f32 v7, v0;
	v11 =	vmul.f32 v17, v11  }
0xc5: {  	v19 =	vmul.f32 v19, v25;
	v23 =	vmul.f32 v33, v14  }
0xc6: {  	v35 =	vmul.f32 v20, v27;
	v36 =	vmul.f32 v34, v16  }
0xc7: {  	v39 =	vmul.f32 v10, v4;
	v16 =	vmul.f32 v44, v5  }
0xc8: {  	v2 =	vmul.f32 v2, v8;
	v0 =	vmul.f32 v0, v7  }
0xc9: {  	v11 =	vmul.f32 v11, v17;
	v37 =	vsub.f32 $1.500000000e+00, v23;
	v38 =	vmul.f32 v35, v9  }
0xca: {  	v3 =	vmul.f32 v36, v3;
	v45 =	vmul.f32 v39, v10;
	v47 =	vsub.f32 $1.500000000e+00, v16  }
0xcb: {  	v2 =	vsub.f32 $1.500000000e+00, v2;
	v11 =	vsub.f32 $1.500000000e+00, v11;
	v40 =	vmul.f32 v37, v14  }
0xcc: {  	v0 =	vsub.f32 $1.500000000e+00, v0;
	v41 =	vmul.f32 v38, v35;
	v3 =	vmul.f32 v3, v36  }
0xcd: {  	v5 =	vmul.f32 v47, v5;
	v11 =	vmul.f32 v11, v17;
	v17 =	vsub.f32 $1.500000000e+00, v45  }
0xce: {  	v2 =	vmul.f32 v2, v8;
	v0 =	vmul.f32 v0, v7;
	v43 =	vsub.f32 $1.500000000e+00, v41  }
0xcf: {  	[tilespmem:s17+$0xFFFFFFC0] =	vst v21;
	v42 =	vmul.f32 v40, v6;
	v10 =	vmul.f32 v17, v10  }
0xd0: {  	[tilespmem:s17+$0xFFFFFFF0] =	vst v22;
	v50 =	vmul.f32 v5, v1;
	v13 =	vmul.f32 v43, v35  }
0xd1: {  	[tilespmem:s17+$0x0] =	vst v18;
	v6 =	vmul.f32 v42, v40;
	v48 =	vmul.f32 v10, v4  }
0xd2: {  	[tilespmem:s17+$0x30] =	vst v19;
	v3 =	vsub.f32 $1.500000000e+00, v3;
	v1 =	vmul.f32 v50, v5;
	v46 =	vmul.f32 v13, v9  }
0xd3: {  	[tilespmem:s6+$0x20] =	vst v2;
	v6 =	vsub.f32 $1.500000000e+00, v6;
	v4 =	vmul.f32 v48, v10  }
0xd4: {  	[tilespmem:s6+$0xFFFFFFF0] =	vst v0;
	v52 =	vld [tilespmem:s7+$0x20];
	v3 =	vmul.f32 v3, v36;
	v1 =	vsub.f32 $1.500000000e+00, v1;
	v9 =	vmul.f32 v46, v13  }
0xd5: {  	[tilespmem:s6+$0x10] =	vst v11;
	v55 =	vld [tilespmem:s7+$0xFFFFFFF0];
	v6 =	vmul.f32 v6, v40;
	v4 =	vsub.f32 $1.500000000e+00, v4  }
0xd6: {  	v51 =	vld [tilespmem:s7+$0x10];
	[tilespmem:s6+$0xFFFFFFC0] =	vst v3;
	v1 =	vmul.f32 v1, v5;
	v49 =	vsub.f32 $1.500000000e+00, v9  }
0xd7: {  	v57 =	vld [tilespmem:s7+$0xFFFFFFC0];
	[tilespmem:s6+$0xFFFFFFE0] =	vst v6;
	v4 =	vmul.f32 v4, v10  }
0xd8: {  	v53 =	vld [tilespmem:s7+$0xFFFFFFE0];
	[tilespmem:s6+$0x30] =	vst v1;
	v8 =	vmul.f32 v49, v13  }
0xd9: {  	v2 =	vmul.f32 v2, v52;
	v60 =	vld [tilespmem:s7+$0x30];
	[tilespmem:s6+$0x0] =	vst v4  }
0xda: {  	v0 =	vmul.f32 v0, v55;
	[tilespmem:s6+$0xFFFFFFD0] =	vst v8;
	v58 =	vld [tilespmem:s7+$0x0]  }
0xdb: {  	v56 =	vmul.f32 v11, v51;
	[tilespmem:s7+$0x20] =	vst v2;
	v54 =	vld [tilespmem:s7+$0xFFFFFFD0]  }
0xdc: {  	[tilespmem:s7+$0xFFFFFFF0] =	vst v0;
	v62 =	vmul.f32 v3, v57  }
0xdd: {  	[tilespmem:s7+$0x10] =	vst v56;
	v59 =	vmul.f32 v6, v53  }
0xde: {  	[tilespmem:s7+$0xFFFFFFC0] =	vst v62;
	v1 =	vmul.f32 v1, v60  }
0xdf: {  	[tilespmem:s7+$0xFFFFFFE0] =	vst v59;
	v63 =	vmul.f32 v4, v58  }
0xe0: {  	[tilespmem:s7+$0x30] =	vst v1;
	v61 =	vmul.f32 v8, v54  }
0xe1: {  	[tilespmem:s7+$0x0] =	vst v63  }
0xe2: {  	[tilespmem:s7+$0xFFFFFFD0] =	vst v61  }
0xe3: {  	s6 =	rddreg [dreg:$0xa]  }
0xe4: {  	[spmem:s6] =	stream.linear.scatter [tilespmem:s20], [sflag:$0x9], $0x2780, $0x38;
	[tilespmem:$0x1A520] =	vst v63  }
0xe5: {  	_ =	swait.ge [sflag:s16], $0x2780  }
0xe6: {  	[sflag:s16] =	ssyncset.done $0x0  }
0xe7: {  	s7 =	simm.s32 @!p1 $0x5620;
	s6 =	simm.s32 @!p1 $0x0;
	[sflag:s16] =	ssyncadd.s32 $0xFFFFD880  }
0xe8: {  	[hbm4b:s12+s6] =	stream.linear.scatter @!p1 [tilespmem:s7], [sflag:$0x9], $0x2780, $0x38;
	[tilespmem:$0x1A520] =	vst v63  }
0xe9: {  	s6 =	simm.s32 @!p1 $0x9  }
0xea: {  	_ =	swait.ge @!p1 [sflag:s6], $0x2780  }
0xeb: {  	[sflag:s6] =	ssyncset.done @!p1 $0x0  }
0xec: {  	[sflag:s6] =	ssyncadd.s32 @!p1 $0xFFFFD880  }
0xed: {  	[bflag:$0x0] =	sbarrier.arrive $0xFFFF  }
0xee: {  	[tilespmem:s18], [sflag:$0x1] =	stream.indirect.gather [spmem:s3], $0x10, s4, s21, $0xb8;
	[tilespmem:$0x1A520] =	vst v63  }
0xef: {  	_ = 	snop  }
0xf0: {  	[tilespmem:s19], [sflag:$0x2] =	stream.indirect.gather [spmem:s3], $0x10, s21, s21, $0xb8;
	[tilespmem:$0x1A520] =	vst v63  }
0xf1: {  	s10 =	simm.s32 $0x800  }
0xf2: {  	[tilespmem:s20], [sflag:$0x3] =	stream.indirect.gather [spmem:s3], $0x10, s10, s21, $0xb8;
	[tilespmem:$0x1A520] =	vst v63  }
0xf3: {  	_ =	swait.ge [sflag:s23], $0x4000  }
0xf4: {  	[sflag:s23] =	ssyncset.done $0x0  }
0xf5: {  	s8 =	simm.s32 $0x2B10;
	[sflag:s23] =	ssyncadd.s32 $0xFFFFC000  }
0xf6: {  	[spmem:s2] =	stream.indirect.scatter.add.f32 [tilespmem:s18], [sflag:$0x5], $0x10, s8, s21, $0xb8;
	[tilespmem:$0x1A520] =	vst v63  }
0xf7: {  	s11 =	simm.s32 $0xC00  }
0xf8: {  	[tilespmem:s26], [sflag:$0x4] =	stream.indirect.gather [spmem:s3], $0x10, s11, s21, $0xb8;
	[tilespmem:$0x1A520] =	vst v63  }
0xf9: {  	_ =	swait.ge [sflag:s28], $0x4000  }
0xfa: {  	[sflag:s28] =	ssyncset.done $0x0  }
0xfb: {  	s17 =	simm.s32 $0x2F10;
	[sflag:s28] =	ssyncadd.s32 $0xFFFFC000  }
0xfc: {  	[spmem:s2] =	stream.indirect.scatter.add.f32 [tilespmem:s19], [sflag:$0x6], $0x10, s17, s21, $0xb8;
	[tilespmem:$0x1A520] =	vst v63  }
0xfd: {  	_ =	swait.ge [sflag:s30], $0x4000  }
0xfe: {  	[sflag:s30] =	ssyncset.done $0x0  }
0xff: {  	s7 =	simm.s32 $0x1000;
	[sflag:s30] =	ssyncadd.s32 $0xFFFFC000  }
0x100: {  	[tilespmem:s18], [sflag:$0x1] =	stream.indirect.gather [spmem:s3], $0x10, s7, s21, $0xb8;
	[tilespmem:$0x1A520] =	vst v63  }
0x101: {  	_ =	swait.ge [sflag:s1], $0x4000  }
0x102: {  	[sflag:s1] =	ssyncset.done $0x0  }
0x103: {  	s9 =	simm.s32 $0x3310;
	[sflag:s1] =	ssyncadd.s32 $0xFFFFC000  }
0x104: {  	[spmem:s2] =	stream.indirect.scatter.add.f32 [tilespmem:s20], [sflag:$0x7], $0x10, s9, s21, $0xb8;
	[tilespmem:$0x1A520] =	vst v63  }
0x105: {  	_ =	swait.ge [sflag:s24], $0x4000  }
0x106: {  	[sflag:s24] =	ssyncset.done $0x0  }
0x107: {  	s10 =	simm.s32 $0x1400;
	[sflag:s24] =	ssyncadd.s32 $0xFFFFC000  }
0x108: {  	[tilespmem:s19], [sflag:$0x2] =	stream.indirect.gather [spmem:s3], $0x10, s10, s21, $0xb8;
	[tilespmem:$0x1A520] =	vst v63  }
0x109: {  	_ =	swait.ge [sflag:s31], $0x4000  }
0x10a: {  	[sflag:s31] =	ssyncset.done $0x0  }
0x10b: {  	s11 =	simm.s32 $0x3710;
	[sflag:s31] =	ssyncadd.s32 $0xFFFFC000  }
0x10c: {  	[spmem:s2] =	stream.indirect.scatter.add.f32 [tilespmem:s26], [sflag:$0x8], $0x10, s11, s21, $0xb8;
	[tilespmem:$0x1A520] =	vst v63  }
0x10d: {  	_ =	swait.ge [sflag:s29], $0x4000  }
0x10e: {  	[sflag:s29] =	ssyncset.done $0x0  }
0x10f: {  	s17 =	simm.s32 $0x1800;
	[sflag:s29] =	ssyncadd.s32 $0xFFFFC000  }
0x110: {  	[tilespmem:s20], [sflag:$0x3] =	stream.indirect.gather [spmem:s3], $0x10, s17, s21, $0xb8;
	[tilespmem:$0x1A520] =	vst v63  }
0x111: {  	_ =	swait.ge [sflag:s23], $0x4000  }
0x112: {  	[sflag:s23] =	ssyncset.done $0x0  }
0x113: {  	s7 =	simm.s32 $0x3B10;
	[sflag:s23] =	ssyncadd.s32 $0xFFFFC000  }
0x114: {  	[spmem:s2] =	stream.indirect.scatter.add.f32 [tilespmem:s18], [sflag:$0x5], $0x10, s7, s21, $0xb8;
	[tilespmem:$0x1A520] =	vst v63  }
0x115: {  	_ =	swait.ge [sflag:s22], $0x4000  }
0x116: {  	[sflag:s22] =	ssyncset.done $0x0  }
0x117: {  	s9 =	simm.s32 $0x1C00;
	[sflag:s22] =	ssyncadd.s32 $0xFFFFC000  }
0x118: {  	[tilespmem:s26], [sflag:$0x4] =	stream.indirect.gather [spmem:s3], $0x10, s9, s21, $0xb8;
	[tilespmem:$0x1A520] =	vst v63  }
0x119: {  	_ =	swait.ge [sflag:s28], $0x4000  }
0x11a: {  	[sflag:s28] =	ssyncset.done $0x0  }
0x11b: {  	s10 =	simm.s32 $0x3F10;
	[sflag:s28] =	ssyncadd.s32 $0xFFFFC000  }
0x11c: {  	[spmem:s2] =	stream.indirect.scatter.add.f32 [tilespmem:s19], [sflag:$0x6], $0x10, s10, s21, $0xb8;
	[tilespmem:$0x1A520] =	vst v63  }
0x11d: {  	_ =	swait.ge [sflag:s30], $0x4000  }
0x11e: {  	[sflag:s30] =	ssyncset.done $0x0  }
0x11f: {  	s11 =	simm.s32 $0x2000;
	[sflag:s30] =	ssyncadd.s32 $0xFFFFC000  }
0x120: {  	[tilespmem:s18], [sflag:$0x1] =	stream.indirect.gather [spmem:s3], $0x10, s11, s21, $0xb8;
	[tilespmem:$0x1A520] =	vst v63  }
0x121: {  	_ =	swait.ge [sflag:s1], $0x4000  }
0x122: {  	[sflag:s1] =	ssyncset.done $0x0  }
0x123: {  	s17 =	simm.s32 $0x4310;
	[sflag:s1] =	ssyncadd.s32 $0xFFFFC000  }
0x124: {  	[spmem:s2] =	stream.indirect.scatter.add.f32 [tilespmem:s20], [sflag:$0x7], $0x10, s17, s21, $0xb8;
	[tilespmem:$0x1A520] =	vst v63  }
0x125: {  	_ =	swait.ge [sflag:s24], $0x4000  }
0x126: {  	[sflag:s24] =	ssyncset.done $0x0  }
0x127: {  	s7 =	simm.s32 $0x2400;
	[sflag:s24] =	ssyncadd.s32 $0xFFFFC000  }
0x128: {  	[tilespmem:s19], [sflag:$0x2] =	stream.indirect.gather [spmem:s3], $0x10, s7, s0, $0xb8;
	[tilespmem:$0x1A520] =	vst v63  }
0x129: {  	_ =	swait.ge [sflag:s31], $0x4000  }
0x12a: {  	[sflag:s31] =	ssyncset.done $0x0  }
0x12b: {  	s9 =	simm.s32 $0x4710;
	[sflag:s31] =	ssyncadd.s32 $0xFFFFC000  }
0x12c: {  	[spmem:s2] =	stream.indirect.scatter.add.f32 [tilespmem:s26], [sflag:$0x8], $0x10, s9, s21, $0xb8;
	[tilespmem:$0x1A520] =	vst v63  }
0x12d: {  	_ =	swait.ge [sflag:s23], $0x4000  }
0x12e: {  	[sflag:s23] =	ssyncset.done $0x0  }
0x12f: {  	s10 =	simm.s32 $0x4B10;
	[sflag:s23] =	ssyncadd.s32 $0xFFFFC000  }
0x130: {  	[spmem:s2] =	stream.indirect.scatter.add.f32 [tilespmem:s18], [sflag:$0x5], $0x10, s10, s21, $0xb8;
	[tilespmem:$0x1A520] =	vst v63  }
0x131: {  	_ =	swait.ge [sflag:s28], $0x3100  }
0x132: {  	[sflag:s28] =	ssyncset.done $0x0  }
0x133: {  	s11 =	simm.s32 $0x4F10;
	[sflag:s28] =	ssyncadd.s32 $0xFFFFCF00  }
0x134: {  	[spmem:s2] =	stream.indirect.scatter.add.f32 [tilespmem:s19], [sflag:$0x6], $0x10, s11, s0, $0xb8;
	[tilespmem:$0x1A520] =	vst v63  }
0x135: {  	_ =	swait.ge [sflag:s29], $0x4000  }
0x136: {  	[sflag:s29] =	ssyncset.done $0x0  }
0x137: {  	[sflag:s29] =	ssyncadd.s32 $0xFFFFC000  }
0x138: {  	_ =	swait.ge [sflag:s22], $0x4000  }
0x139: {  	[sflag:s22] =	ssyncset.done $0x0  }
0x13a: {  	[sflag:s22] =	ssyncadd.s32 $0xFFFFC000  }
0x13b: {  	_ =	swait.ge [sflag:s30], $0x4000  }
0x13c: {  	[sflag:s30] =	ssyncset.done $0x0  }
0x13d: {  	[sflag:s30] =	ssyncadd.s32 $0xFFFFC000  }
0x13e: {  	_ =	swait.ge [sflag:s24], $0x3100  }
0x13f: {  	s5 =	sadd.s32 $0x1, s5;
	s17 =	stileid.u32;
	[sflag:s24] =	ssyncset.done $0x0  }
0x140: {  	p2 =	sne.s32 s5, s14;
	s6 =	sshll.u32 s17, $0x6;
	[sflag:s24] =	ssyncadd.s32 $0xFFFFCF00  }
.Ltmp1:
0x141: {  	s6 =	sor.u32 $0x1C09, s6;
	[bflag:$0x0] =	sbarrier.arrive $0xFFFF;
	(pc) =	sbr.rel @p2 .LBB2_1-.Ltmp1, $4  }
0x142: {  	[hbm:s13], [sflag:s6] =	dma.local [spmem:s25], $0x4F0  }
0x143: {  	_ =	swait.ge [sflag:s16], $0x4F0  }
0x144: {  	[sflag:s16] =	ssyncset.done $0x0  }
0x145: {  	[sflag:s16] =	ssyncadd.s32 $0xFFFFFB10  }
0x146: {  	_ =	sfence.sel $0x180000  }
0x147: {  	[bflag:$0x0] =	sbarrier.arrive $0xFFFF  }
0x148: {  	_ =	strace $0x9000004A  }
0x149: {  	[bflag:$0x2] =	sbarrier.arrive $0xFFFF  }
0x14a: {  	s0 =	rddreg [dreg:$0x3]  }
0x14b: {  	s0 =	sadd.s32 @!p0 $0x100000, s0  }
0x14c: {  	[sflag:s0] =	ssyncadd.tile.s32 @!p0 $0x1;
	_ =	shalt  }
.Lfunc_end2:
_tile_overlayer_lowered:
.L_overlay_start_2:
0x14d: {  	(tag) =	ssettag $0x2  }
0x14e: {  	s0 =	rddreg [dreg:$0x0];
	s2 =	stileid.u32  }
0x14f: {  	s1 =	rddreg [dreg:$0x1];
	p0 =	sne.s32 s2, $0x0  }
0x150: {  	s3 =	rddreg [dreg:$0x2];
	[bflag:$0x3] =	sbarrier.arrive $0xFFFF;
	s2 =	simm.s32 @!p0 $0x1C09  }
0x151: {  	[timem:s3], [sflag:s2] =	dma.local @!p0 [hbm:s0], s1  }
0x152: {  	s0 =	simm.s32 @!p0 $0x9  }
0x153: {  	_ =	swait.ge @!p0 [sflag:s0], s1  }
0x154: {  	s1 =	ssub.s32 @!p0 $0x0, s1;
	[sflag:s0] =	ssyncset.done @!p0 $0x0  }
0x155: {  	[sflag:s0] =	ssyncadd.s32 @!p0 s1  }
0x156: {  	[bflag:$0x3] =	sbarrier.arrive $0xFFFF  }
0x157: {  	_ =	shalt  }

// kernel: run.13.cloned.1.call-start
scs
__scs_entry_jumppad:
0x0: {  	(pc) =	sbr.rel $0x88, $3  }
0x1: {  	(tag) =	ssettag $0x0;
	lr =	simm.s32 $0x1  }
0x2: {  	[smem:$0x3F9B] =	sst lr;
	_ =	strace $0xD0000000  }
0x3: {  	_ = 	snop  }
0x4: {  	_ = 	snop  }
0x5: {  	_ = 	snop  }
0x6: {  	_ = 	snop  }
0x7: {  	_ = 	snop  }
__scs_overlays_trampoline_lowered:
0x8: {  	[smem:$0x3FAA] =	sst s0  }
0x9: {  	[smem:$0x3FAB] =	sst s1  }
0xa: {  	[smem:$0x3FAC] =	sst s2  }
0xb: {  	[smem:$0x3FAD] =	sst s3  }
0xc: {  	[smem:$0x3FAE] =	sst s4  }
0xd: {  	[smem:$0x3FAF] =	sst s5  }
0xe: {  	[smem:$0x3FB0] =	sst s6  }
0xf: {  	[smem:$0x3FB1] =	sst s7  }
0x10: {  	[smem:$0x3FB2] =	sst s8  }
0x11: {  	[smem:$0x3FB3] =	sst s9;
	s0 =	simm.s32 @!p0 $0x0  }
0x12: {  	s1 =	sld [smem:$0x3F99];
	s0 =	simm.s32 @p0 $0x1  }
0x13: {  	[smem:$0x3FB4] =	sst s0;
	s0 =	simm.s32 @!p1 $0x0  }
0x14: {  	s2 =	sld [smem:$0x3F98];
	s0 =	simm.s32 @p1 $0x1  }
0x15: {  	[smem:$0x3FB5] =	sst s0;
	s0 =	simm.s32 @!p2 $0x0  }
0x16: {  	s3 =	sld [smem:$0x3FDB];
	s0 =	simm.s32 @p2 $0x1  }
0x17: {  	s4 =	simm.s32 $0x1BF5;
	[smem:$0x3FB7] =	sst s0  }
0x18: {  	s0 =	sld [smem:$0x3F9A];
	_ =	swait.ge [sflag:s4], $0x0  }
0x19: {  	s7 =	sld [smem:$0x3F9B]  }
0x1a: {  	s8 =	sadd.s32 $0xFFFFE003, lr  }
0x1b: {  	s9 =	sadd.s32 $0xFFFFFEF7, lr;
	s5 =	simm.s32 $0xFFFFFFFF;
	p2 =	slt.u32 s8, $0xFFFFF086  }
0x1c: {  	p1 =	slt.u32 s9, $0xF7A;
	s5 =	simm.s32 @!p2 $0x0  }
0x1d: {  	s5 =	simm.s32 @p1 $0x1;
	p0 =	seq.s32 s7, s2  }
0x1e: {  	s7 =	smul.u32 @!p0 $0xF7A, s2;
	p2 =	seq.s32 @!p0 s5, $0x0  }
0x1f: {  	s9 =	smul.u32 $0xF7A, s1;
	s8 =	simm.s32 @!p0 $0x1BF5;
	p2 =	por !p2, p0  }
0x20: {  	[sflag:s8] =	ssyncset.s32 @!p0 $0xFFFFF086;
	s6 =	sadd.s32 @!p0 s3, s7;
	s7 =	simm.s32 @!p0 $0x108  }
0x21: {  	s3 =	sadd.s32 s3, s9;
	s6 =	sadd.s32 @!p0 $0x88, s6;
	s7 =	simm.s32 @p2 $0x1082  }
0x22: {  	[simem:s7], [sflag:s8] =	dma.local @!p0 [hbm:s6], $0xF7A  }
0x23: {  	s9 =	sor.u32 $0xD0000000, s2;
	s6 =	simm.s32 $0x108;
	_ =	swait.ge @!p0 [sflag:s8], $0x0  }
0x24: {  	s3 =	sadd.s32 $0x88, s3;
	s6 =	simm.s32 @!p1 $0x1082;
	[sflag:s4] =	ssyncset.s32 $0xFFFFF086  }
0x25: {  	[simem:s6], [sflag:s4] =	dma.local [hbm:s3], $0xF7A  }
0x26: {  	[smem:$0x3F9B] =	sst s1;
	(tag) =	ssettag s2;
	_ =	strace s9  }
0x27: {  	s1 =	sld [smem:$0x3FAB]  }
0x28: {  	s2 =	sld [smem:$0x3FAC]  }
0x29: {  	s4 =	sld [smem:$0x3FAE]  }
0x2a: {  	p0 =	seq.s32 s5, $0x0;
	s5 =	sld [smem:$0x3FAF]  }
0x2b: {  	s6 =	sld [smem:$0x3FB0]  }
0x2c: {  	s7 =	sld [smem:$0x3FB1]  }
0x2d: {  	s3 =	simm.s32 $0x108;
	s8 =	sld [smem:$0x3FB2]  }
0x2e: {  	s3 =	simm.s32 @!p0 $0x1082;
	s9 =	sld [smem:$0x3FB3]  }
0x2f: {  	lr =	sadd.s32 s0, s3;
	s0 =	sld [smem:$0x3FAA]  }
0x30: {  	s3 =	sld [smem:$0x3FAD]  }
0x31: {  	[smem:$0x3FB6] =	sst s10  }
0x32: {  	s10 =	sld [smem:$0x3FB4];
	_ =	sdelay $0x3  }
0x33: {  	p0 =	seq.s32 s10, $0x1;
	s10 =	sld [smem:$0x3FB6];
	_ =	sdelay $0x3  }
0x34: {  	[smem:$0x3FB6] =	sst s10  }
0x35: {  	s10 =	sld [smem:$0x3FB5];
	_ =	sdelay $0x3  }
0x36: {  	p1 =	seq.s32 s10, $0x1;
	s10 =	sld [smem:$0x3FB6];
	_ =	sdelay $0x3  }
0x37: {  	[smem:$0x3FB6] =	sst s10  }
0x38: {  	s10 =	sld [smem:$0x3FB7]  }
0x39: {  	_ = 	snop;
	(pc) =	sbr.ind lr, $3  }
0x3a: {  	_ = 	snop  }
0x3b: {  	_ = 	snop  }
0x3c: {  	p2 =	seq.s32 s10, $0x1;
	s10 =	sld [smem:$0x3FB6]  }
0x3d: {  	_ =	shalt  }
0x3e: {  	_ =	shalt  }
0x3f: {  	_ =	shalt  }
0x40: {  	_ =	shalt  }
0x41: {  	_ =	shalt  }
0x42: {  	_ =	shalt  }
0x43: {  	_ =	shalt  }
0x44: {  	_ =	shalt  }
0x45: {  	_ =	shalt  }
0x46: {  	_ =	shalt  }
0x47: {  	_ =	shalt  }
0x48: {  	_ =	shalt  }
0x49: {  	_ =	shalt  }
0x4a: {  	_ =	shalt  }
0x4b: {  	_ =	shalt  }
0x4c: {  	_ =	shalt  }
0x4d: {  	_ =	shalt  }
0x4e: {  	_ =	shalt  }
0x4f: {  	_ =	shalt  }
0x50: {  	_ =	shalt  }
0x51: {  	_ =	shalt  }
0x52: {  	_ =	shalt  }
0x53: {  	_ =	shalt  }
0x54: {  	_ =	shalt  }
0x55: {  	_ =	shalt  }
0x56: {  	_ =	shalt  }
0x57: {  	_ =	shalt  }
0x58: {  	_ =	shalt  }
0x59: {  	_ =	shalt  }
0x5a: {  	_ =	shalt  }
0x5b: {  	_ =	shalt  }
0x5c: {  	_ =	shalt  }
0x5d: {  	_ =	shalt  }
0x5e: {  	_ =	shalt  }
0x5f: {  	_ =	shalt  }
0x60: {  	_ =	shalt  }
0x61: {  	_ =	shalt  }
0x62: {  	_ =	shalt  }
0x63: {  	_ =	shalt  }
0x64: {  	_ =	shalt  }
0x65: {  	_ =	shalt  }
0x66: {  	_ =	shalt  }
0x67: {  	_ =	shalt  }
0x68: {  	_ =	shalt  }
0x69: {  	_ =	shalt  }
0x6a: {  	_ =	shalt  }
0x6b: {  	_ =	shalt  }
0x6c: {  	_ =	shalt  }
0x6d: {  	_ =	shalt  }
0x6e: {  	_ =	shalt  }
0x6f: {  	_ =	shalt  }
0x70: {  	_ =	shalt  }
0x71: {  	_ =	shalt  }
0x72: {  	_ =	shalt  }
0x73: {  	_ =	shalt  }
0x74: {  	_ =	shalt  }
0x75: {  	_ =	shalt  }
0x76: {  	_ =	shalt  }
0x77: {  	_ =	shalt  }
0x78: {  	_ =	shalt  }
0x79: {  	_ =	shalt  }
0x7a: {  	_ =	shalt  }
0x7b: {  	_ =	shalt  }
0x7c: {  	_ =	shalt  }
0x7d: {  	_ =	shalt  }
0x7e: {  	_ =	shalt  }
0x7f: {  	_ =	shalt  }
0x80: {  	_ =	shalt  }
0x81: {  	_ =	shalt  }
0x82: {  	_ =	shalt  }
0x83: {  	_ =	shalt  }
0x84: {  	_ =	shalt  }
0x85: {  	_ =	shalt  }
0x86: {  	_ =	shalt  }
0x87: {  	_ =	shalt  }
.Lfunc_end0:
.L_simem_size_0:
called_computation.2_lowered:
.L_overlay_start_0:
0x88: {  	s2 =	sld [smem:$0x3FD9]  }
0x89: {  	s3 =	sld [smem:$0x3FFE];
	_ =	sdelay $0x1  }
0x8a: {  	s1 =	srdreg.scid  }
0x8b: {  	s0 =	sand.u32 $0x1, s1  }
0x8c: {  	s17 =	sshll.u32 s0, $0xA;
	s2 =	sadd.s32 s3, s2  }
0x8d: {  	s2 =	sadd.s32 s2, s17  }
0x8e: {  	[smem:$0x3FC2] =	sst s2  }
0x8f: {  	_ = 	snop  }
0x90: {  	s2 =	sld [smem:$0x3FC6];
	(tm) =	ssettm $0x1  }
0x91: {  	s18 =	sld [smem:$0x3FFB];
	_ =	sdelay $0x3  }
0x92: {  	_ =	strace s18  }
0x93: {  	s3 =	sld [smem:$0x3FFC];
	_ =	sdelay $0x3  }
0x94: {  	_ =	strace s3  }
0x95: {  	s3 =	sld [smem:$0x3FFD];
	_ =	sdelay $0x3  }
0x96: {  	_ =	strace s3  }
0x97: {  	_ =	strace $0x8FFFFFFF  }
0x98: {  	s19 =	sld [smem:$0x3FDB];
	_ =	sdelay $0x1  }
0x99: {  	s4 =	simm.s32 $_scs_section_size  }
0x9a: {  	s5 =	simm.s32 $_size__tile_overlayer_lowered;
	s6 =	simm.s32 $_tile_overlayer_lowered  }
0x9b: {  	s22 =	simm.s32 $0x1BFF;
	s21 =	sshll.u32 s6, $0x1;
	s3 =	sadd.s32 s4, s19  }
0x9c: {  	s7 =	simm.s32 $0x0;
	s20 =	sshll.u32 s5, $0x1;
	s5 =	sadd.s32 s21, s3  }
0x9d: {  	[timem:s7], [sflag:s22] =	dma.local [hbm:s5], s20  }
0x9e: {  	_ =	swait.ge [sflag:s22], s20  }
0x9f: {  	s4 =	ssub.s32 $0x0, s20;
	[sflag:s22] =	ssyncset.done $0x0  }
0xa0: {  	[sflag:s22] =	ssyncadd.s32 s4;
	_ =	sdelay $0x1  }
0xa1: {  	s23 =	simm.s32 $0x1B8B  }
0xa2: {  	_ =	swait.ge [sflag:s23], $0x1  }
0xa3: {  	[sflag:s23] =	ssyncset.done $0x0  }
0xa4: {  	s25 =	simm.s32 $0x1B8E;
	s24 =	sld [smem:$0x3FFE];
	[sflag:s23] =	ssyncadd.s32 $0xFFFFFFFF  }
0xa5: {  	s26 =	simm.s32 $execute0_lowered;
	[smem:$0x3FD2] =	sst s25  }
0xa6: {  	s5 =	sshll.u32 s26, $0x1;
	_ =	strace $0x8000004C;
	[dreg:$0x1] =	wrdreg $0xFFFFFFFF  }
0xa7: {  	s28 =	simm.s32 $_size_execute0_lowered;
	s3 =	sadd.s32 s3, s5;
	[dreg:$0x0] =	wrdreg $0x0  }
0xa8: {  	s5 =	sshll.u32 s28, $0x1;
	[dreg:$0x2] =	wrdreg s3  }
0xa9: {  	[dreg:$0x3] =	wrdreg s5  }
0xaa: {  	[dreg:$0x4] =	wrdreg $0xC0  }
0xab: {  	_ =	task [dreg:s7], $0x5FFFF  }
0xac: {  	[dreg:$0x1] =	wrdreg $0xFFFFFFFF  }
0xad: {  	[dreg:$0x0] =	wrdreg $0x60  }
0xae: {  	[dreg:$0x2] =	wrdreg s24  }
0xaf: {  	[dreg:$0x3] =	wrdreg s2  }
0xb0: {  	[dreg:$0x4] =	wrdreg $0x156300  }
0xb1: {  	[dreg:$0x5] =	wrdreg $0x17DB00  }
0xb2: {  	[dreg:$0x6] =	wrdreg $0x9  }
0xb3: {  	_ =	task.clear_ibuf [dreg:s7], $0x7FFFF;
	_ =	strace $0x9000004C  }
0xb4: {  	s29 =	simm.s32 $0x9;
	_ =	strace $0x8000004E  }
0xb5: {  	_ =	swait.ge [sflag:s29], $0x1  }
0xb6: {  	[sflag:s29] =	ssyncadd.s32 $0xFFFFFFFF  }
0xb7: {  	_ =	strace $0x9000004E  }
0xb8: {  	_ =	sfence  }
0xb9: {  	s30 =	sld [smem:$0x0];
	_ =	sdelay $0x2  }
0xba: {  	s31 =	sshll.u32 s1, $0xD;
	s1 =	sshrl.u32 s1, $0x2  }
0xbb: {  	s3 =	sand.u32 $0x4000, s31;
	s1 =	sadd.s32 s1, s30  }
0xbc: {  	s0 =	sor.u32 s3, s0;
	s1 =	sshll.u32 s1, $0x11  }
0xbd: {  	s0 =	sor.u32 s1, s0  }
0xbe: {  	s0 =	sadd.s32 $0x8F2B, s0  }
0xbf: {  	[sflag:s0] =	ssyncadd.remote.s32 $0x1  }
0xc0: {  	_ =	sfence.sel $0xFFFF  }
0xc1: {  	[dreg:$0x0] =	wrdreg $0xFFFFFFFF;
	(pc) =	sbr.abs _section_cstart, $3  }
0xc2: {  	[dreg:$0x1] =	wrdreg $0xFFFFFFFF  }
0xc3: {  	_ =	task.clear_ibuf [dreg:s7], $0x2FFFF;
	_ =	strace $0x9FFFFFFF  }
0xc4: {  	(tm) =	ssettm $0x7FFFFFFF  }
0xc5: {  	_ =	shalt  }
tec
execute0_lowered:
.L_overlay_start_1:
0x0: {  	(tag) =	ssettag $0x1  }
0x1: {  	s1 =	rddreg [dreg:$0x0]  }
0x2: {  	s0 =	srdreg.scid;
	s3 =	rddreg [dreg:$0x2]  }
0x3: {  	s10 =	stileid.u32;
	s4 =	rddreg [dreg:$0x3]  }
0x4: {  	s5 =	simm.s32 $0x0;
	s29 =	simm.s32 $0x1;
	s31 =	simm.s32 $0x2  }
0x5: {  	s30 =	simm.s32 $0x6;
	s28 =	simm.s32 $0x8;
	s0 =	sand.u32 $0x1, s0  }
0x6: {  	s6 =	smul.u32 $0x2780, s10;
	[smem:$0x7FF] =	sst s5;
	s8 =	sadd.s32 $0x16200, s1  }
0x7: {  	p0 =	sne.s32 s10, $0x0;
	s2 =	sshll.u32 s0, $0x4;
	s7 =	smul.u32 $0x27800, s0  }
0x8: {  	_ =	strace $0x8000004D;
	[dreg:$0x5] =	wrdreg s8;
	s9 =	ssub.s32 $0x2, s0  }
0x9: {  	s17 =	sshrl.u32 @!p0 s3, $0x3;
	p1 =	sne.s32 s0, $0x0;
	s0 =	simm.s32 $0x5  }
0xa: {  	s2 =	sor.u32 s10, s2;
	s18 =	sshrl.u32 s6, $0x3;
	s19 =	sshrl.u32 s9, $0x1  }
0xb: {  	s25 =	sadd.s32 s6, s4;
	s26 =	sadd.s32 s6, s3;
	s2 =	smul.u32 $0x2710, s2  }
0xc: {  	s7 =	sadd.s32 s6, s7;
	s8 =	ssub.s32 s9, s19;
	[dreg:$0xc] =	wrdreg s25  }
0xd: {  	s19 =	simm.s32 $0x2B10;
	s25 =	sshrl.u32 s26, $0x3;
	s2 =	sshrl.u32 s2, $0x3  }
0xe: {  	s26 =	simm.s32 $0x400;
	s7 =	sshrl.u32 s7, $0x3;
	s2 =	sadd.s32 s2, s1  }
0xf: {  	s6 =	simm.s32 $0x310;
	s7 =	sadd.s32 s7, s1;
	s20 =	sadd.s32 $0x2800, s2  }
0x10: {  	s1 =	sadd.s32 s18, s1;
	s2 =	sadd.s32 $0xC440, s2;
	[dreg:$0x6] =	wrdreg s20  }
0x11: {  	s16 =	smax.u32 s8, $0x1;
	s21 =	sadd.s32 $0x2A000, s1;
	[dreg:$0x7] =	wrdreg s2  }
0x12: {  	s15 =	sadd.s32 $0x1B200, s7;
	s22 =	sadd.s32 $0x2EF00, s1;
	[dreg:$0x8] =	wrdreg s21  }
0x13: {  	s18 =	simm.s32 $0x9;
	s23 =	sadd.s32 $0x25000, s1;
	[dreg:$0x9] =	wrdreg s22  }
0x14: {  	s7 =	simm.s32 $0x0;
	s24 =	sadd.s32 $0x33E00, s1;
	[dreg:$0xa] =	wrdreg s23  }
0x15: {  	s14 =	sadd.s32 $0x38E00, s1;
	s1 =	simm.s32 $0x4;
	[dreg:$0xb] =	wrdreg s24  }
0x16: {  	s20 =	simm.s32 $0x5620;
	s21 =	simm.s32 $0x9620;
	s22 =	simm.s32 $0xD620  }
0x17: {  	s23 =	simm.s32 $0x11620;
	s24 =	simm.s32 $0x3;
	s2 =	simm.s32 $0x7  }
.LBB2_1:
0x18: {  	s8 =	simm.s32 @!p0 $0x1C09;
	s9 =	rddreg [dreg:$0x5]  }
0x19: {  	[spmem:s17], [sflag:s8] =	dma.local @!p0 [hbm:s9], $0x4F00  }
0x1a: {  	s8 =	simm.s32 @!p0 $0x9  }
0x1b: {  	_ =	swait.ge @!p0 [sflag:s8], $0x4F00  }
0x1c: {  	[sflag:s8] =	ssyncset.done @!p0 $0x0  }
0x1d: {  	s11 =	rddreg [dreg:$0x6];
	[sflag:s8] =	ssyncadd.s32 @!p0 $0xFFFFB100  }
0x1e: {  	[tilespmem:s5], [sflag:$0x9] =	stream.linear.gather [hbm4b:s11+s5], $0x2710, $0x38;
	[tilespmem:$0x1A530] =	vst v63  }
0x1f: {  	_ =	swait.ge [sflag:s18], $0x2710  }
0x20: {  	[sflag:s18] =	ssyncset.done $0x0  }
0x21: {  	s12 =	rddreg [dreg:$0x7];
	[sflag:s18] =	ssyncadd.s32 $0xFFFFD8F0  }
0x22: {  	[tilespmem:s19], [sflag:$0x9] =	stream.linear.gather [hbm4b:s12+s5], $0x2710, $0x38;
	[tilespmem:$0x1A530] =	vst v63  }
0x23: {  	_ =	swait.ge [sflag:s18], $0x2710  }
0x24: {  	[sflag:s18] =	ssyncset.done $0x0  }
0x25: {  	s13 =	rddreg [dreg:$0x8];
	[sflag:s18] =	ssyncadd.s32 $0xFFFFD8F0  }
0x26: {  	[tilespmem:s20], [sflag:$0x9] =	stream.linear.gather [hbm4b:s13+s5], $0x2780, $0x38;
	[tilespmem:$0x1A530] =	vst v63  }
0x27: {  	_ =	swait.ge [sflag:s18], $0x2780  }
0x28: {  	[sflag:s18] =	ssyncset.done $0x0  }
0x29: {  	s9 =	rddreg [dreg:$0x9];
	[sflag:s18] =	ssyncadd.s32 $0xFFFFD880  }
0x2a: {  	[tilespmem:s21], [sflag:$0x9] =	stream.linear.gather [hbm4b:s9+s5], $0x2780, $0x38;
	[tilespmem:$0x1A530] =	vst v63  }
0x2b: {  	_ =	swait.ge [sflag:s18], $0x2780  }
0x2c: {  	[sflag:s18] =	ssyncset.done $0x0  }
0x2d: {  	s10 =	rddreg [dreg:$0xa];
	[sflag:s18] =	ssyncadd.s32 $0xFFFFD880  }
0x2e: {  	[tilespmem:s22], [sflag:$0x9] =	stream.linear.gather [hbm4b:s10+s5], $0x2780, $0x38;
	[tilespmem:$0x1A530] =	vst v63  }
0x2f: {  	_ =	swait.ge [sflag:s18], $0x2780  }
0x30: {  	[sflag:s18] =	ssyncset.done $0x0  }
0x31: {  	s11 =	rddreg [dreg:$0xb];
	[sflag:s18] =	ssyncadd.s32 $0xFFFFD880  }
0x32: {  	[tilespmem:s23], [sflag:$0x9] =	stream.linear.gather [hbm4b:s11+s5], $0x2780, $0x38;
	[tilespmem:$0x1A530] =	vst v63  }
0x33: {  	_ =	swait.ge [sflag:s18], $0x2780  }
0x34: {  	[sflag:s18] =	ssyncset.done $0x0  }
0x35: {  	[sflag:s18] =	ssyncadd.s32 $0xFFFFD880  }
0x36: {  	s13 =	simm.s32 $0x15620;
	s12 =	rddreg [dreg:$0x1]  }
0x37: {  	[tilespmem:s13], [sflag:$0x9] =	stream.linear.gather [hbm4b:s12+s5], $0x10, $0x38;
	[tilespmem:$0x1A530] =	vst v63  }
0x38: {  	_ =	swait.ge [sflag:s18], $0x10  }
0x39: {  	[sflag:s18] =	ssyncset.done $0x0  }
0x3a: {  	[sflag:s18] =	ssyncadd.s32 $0xFFFFFFF0  }
0x3b: {  	s11 =	simm.s32 $0x11660;
	v0 =	vld [tilespmem:$0x15620]  }
0x3c: {  	s8 =	simm.s32 $0xD660;
	v4 =	vld [tilespmem:s11+$0x30]  }
0x3d: {  	s9 =	simm.s32 $0x5660;
	v3 =	vld [tilespmem:s8+$0x30]  }
0x3e: {  	s10 =	simm.s32 $0x9660;
	v5 =	vld [tilespmem:s9+$0x30]  }
0x3f: {  	v6 =	vld [tilespmem:s10+$0x30]  }
0x40: {  	v1 =	vld [tilespmem:s8+$0xFFFFFFC0]  }
0x41: {  	v7 =	vld [tilespmem:s9+$0xFFFFFFC0]  }
0x42: {  	v10 =	vld [tilespmem:s10+$0xFFFFFFC0]  }
0x43: {  	v8 =	vld [tilespmem:s11+$0xFFFFFFD0]  }
0x44: {  	v9 =	vld [tilespmem:s8+$0xFFFFFFD0]  }
0x45: {  	v11 =	vld [tilespmem:s9+$0xFFFFFFD0]  }
0x46: {  	v12 =	vld [tilespmem:s10+$0xFFFFFFD0]  }
0x47: {  	v13 =	vld [tilespmem:s11+$0xFFFFFFE0]  }
0x48: {  	v14 =	vld [tilespmem:s8+$0xFFFFFFE0]  }
0x49: {  	v15 =	vld [tilespmem:s9+$0xFFFFFFE0]  }
0x4a: {  	v16 =	vld [tilespmem:s10+$0xFFFFFFE0]  }
0x4b: {  	v2 =	vld [tilespmem:s11+$0xFFFFFFF0]  }
0x4c: {  	v17 =	vld [tilespmem:s8+$0xFFFFFFF0]  }
0x4d: {  	v3 =	vmul.f32 v3, v4;
	v5 =	vadd.f32 v6, v5;
	v6 =	vld [tilespmem:s9+$0xFFFFFFF0]  }
0x4e: {  	v9 =	vmul.f32 v9, v8;
	v11 =	vadd.f32 v12, v11;
	v12 =	vld [tilespmem:s10+$0xFFFFFFF0]  }
0x4f: {  	v5 =	vadd.f32 v5, v3;
	v3 =	vld [tilespmem:s11+$0x0]  }
0x50: {  	v9 =	vadd.f32 v11, v9;
	v11 =	vmul.f32 v14, v13;
	v14 =	vadd.f32 v16, v15;
	v15 =	vld [tilespmem:s8+$0x0]  }
0x51: {  	v60 =	vld [tilespmem:s9+$0x0]  }
0x52: {  	v5 =	vmul.f32 v5, v4;
	v9 =	vmul.f32 v9, v8;
	v11 =	vadd.f32 v14, v11;
	v14 =	vld [tilespmem:s10+$0x0]  }
0x53: {  	v61 =	vld [tilespmem:s9+$0x10];
	v17 =	vmul.f32 v17, v2;
	v6 =	vadd.f32 v12, v6  }
0x54: {  	v12 =	vld [tilespmem:s8+$0x10];
	v18 =	vadd.f32 v5, v0;
	v9 =	vadd.f32 v9, v0;
	v11 =	vmul.f32 v11, v13  }
0x55: {  	v5 =	vld [tilespmem:s11+$0x10];
	v6 =	vadd.f32 v6, v17;
	v15 =	vmul.f32 v15, v3  }
0x56: {  	v62 =	vld [tilespmem:s10+$0x10];
	v18 =	vmax.f32 v18, $0.0e+00;
	v9 =	vmax.f32 v9, $0.0e+00;
	v11 =	vadd.f32 v11, v0  }
0x57: {  	v4 =	vmul.f32 v18, v4;
	v19 =	vmul.f32 v6, v2;
	v14 =	vadd.f32 v14, v60;
	v6 =	vld [tilespmem:s11+$0x20]  }
0x58: {  	v63 =	vmul.f32 v9, v8;
	v9 =	vld [tilespmem:s8+$0x20];
	v8 =	vmax.f32 v11, $0.0e+00  }
0x59: {  	[tilespmem:s8+$0x30] =	vst v4;
	v13 =	vmul.f32 v8, v13;
	v19 =	vadd.f32 v19, v0;
	v14 =	vadd.f32 v14, v15;
	v8 =	vld [tilespmem:s9+$0x20]  }
0x5a: {  	v4 =	vadd.f32 v10, v7;
	[tilespmem:s8+$0xFFFFFFD0] =	vst v63;
	v11 =	vmul.f32 v12, v5;
	v10 =	vld [tilespmem:s10+$0x20]  }
0x5b: {  	s12 =	simm.s32 $0x0;
	s13 =	simm.s32 $0x116E0;
	v7 =	vld [tilespmem:s11+$0xFFFFFFC0];
	s11 =	simm.s32 $0xD660;
	[tilespmem:s8+$0xFFFFFFE0] =	vst v13;
	v12 =	vmax.f32 v19, $0.0e+00;
	v13 =	vmul.f32 v14, v3;
	v14 =	vadd.f32 v62, v61  }
.LBB2_2:
0x5c: {  	v15 =	vld [tilespmem:s13+$0x30];
	v2 =	vmul.f32 v12, v2;
	s8 =	sadd.s32 $0x80, s8  }
0x5d: {  	s9 =	sadd.s32 $0x80, s9;
	v12 =	vld [tilespmem:s8+$0x30];
	v13 =	vadd.f32 v13, v0;
	v11 =	vadd.f32 v14, v11;
	v9 =	vmul.f32 v9, v6  }
0x5e: {  	s10 =	sadd.s32 $0x80, s10;
	v14 =	vld [tilespmem:s9+$0x30];
	[tilespmem:s11+$0xFFFFFFF0] =	vst v2  }
0x5f: {  	s12 =	sadd.s32 $0x8, s12;
	v2 =	vld [tilespmem:s10+$0x30];
	v13 =	vmax.f32 v13, $0.0e+00;
	v11 =	vmul.f32 v11, v5;
	v8 =	vadd.f32 v10, v8  }
0x60: {  	p2 =	slt.u32 s12, $0x270;
	v10 =	vmul.f32 v1, v7;
	v1 =	vld [tilespmem:s8+$0xFFFFFFC0];
	v3 =	vmul.f32 v13, v3  }
0x61: {  	v13 =	vld [tilespmem:s9+$0xFFFFFFC0];
	v11 =	vadd.f32 v11, v0;
	v8 =	vadd.f32 v8, v9  }
0x62: {  	v9 =	vld [tilespmem:s10+$0xFFFFFFC0];
	v4 =	vadd.f32 v4, v10;
	[tilespmem:s11+$0x0] =	vst v3  }
0x63: {  	v10 =	vld [tilespmem:s13+$0xFFFFFFD0];
	v3 =	vmax.f32 v11, $0.0e+00;
	v8 =	vmul.f32 v8, v6  }
0x64: {  	v12 =	vmul.f32 v12, v15;
	v11 =	vld [tilespmem:s8+$0xFFFFFFD0];
	v2 =	vadd.f32 v2, v14;
	v4 =	vmul.f32 v4, v7  }
0x65: {  	v3 =	vmul.f32 v3, v5;
	v14 =	vld [tilespmem:s9+$0xFFFFFFD0];
	v5 =	vadd.f32 v8, v0  }
0x66: {  	v8 =	vld [tilespmem:s10+$0xFFFFFFD0];
	v2 =	vadd.f32 v2, v12;
	v12 =	vadd.f32 v4, v0  }
0x67: {  	v4 =	vadd.f32 v9, v13;
	v9 =	vld [tilespmem:s13+$0xFFFFFFE0];
	[tilespmem:s11+$0x10] =	vst v3;
	v3 =	vmax.f32 v5, $0.0e+00  }
0x68: {  	v5 =	vld [tilespmem:s8+$0xFFFFFFE0];
	v2 =	vmul.f32 v2, v15;
	v12 =	vmax.f32 v12, $0.0e+00;
	v3 =	vmul.f32 v3, v6  }
0x69: {  	v6 =	vmul.f32 v11, v10;
	v11 =	vld [tilespmem:s9+$0xFFFFFFE0];
	v7 =	vmul.f32 v12, v7  }
0x6a: {  	v12 =	vld [tilespmem:s10+$0xFFFFFFE0];
	v13 =	vadd.f32 v2, v0;
	[tilespmem:s11+$0x20] =	vst v3  }
0x6b: {  	v3 =	vadd.f32 v8, v14;
	v2 =	vld [tilespmem:s13+$0xFFFFFFF0];
	[tilespmem:s11+$0xFFFFFFC0] =	vst v7;
	s11 =	smov.u32 s8  }
0x6c: {  	v7 =	vld [tilespmem:s8+$0xFFFFFFF0];
	v8 =	vmax.f32 v13, $0.0e+00  }
0x6d: {  	v3 =	vadd.f32 v3, v6;
	v5 =	vmul.f32 v5, v9;
	v6 =	vld [tilespmem:s9+$0xFFFFFFF0];
	v8 =	vmul.f32 v8, v15  }
0x6e: {  	v13 =	vld [tilespmem:s10+$0xFFFFFFF0]  }
0x6f: {  	v14 =	vmul.f32 v3, v10;
	v11 =	vadd.f32 v12, v11;
	v3 =	vld [tilespmem:s13+$0x0];
	[tilespmem:s8+$0x30] =	vst v8  }
0x70: {  	v8 =	vld [tilespmem:s8+$0x0]  }
0x71: {  	v12 =	vadd.f32 v14, v0;
	v5 =	vadd.f32 v11, v5;
	v7 =	vmul.f32 v7, v2;
	v11 =	vld [tilespmem:s9+$0x0]  }
0x72: {  	v14 =	vld [tilespmem:s10+$0x0]  }
0x73: {  	v12 =	vmax.f32 v12, $0.0e+00;
	v15 =	vmul.f32 v5, v9;
	v6 =	vadd.f32 v13, v6;
	v5 =	vld [tilespmem:s13+$0x10]  }
0x74: {  	v10 =	vmul.f32 v12, v10;
	v12 =	vld [tilespmem:s8+$0x10]  }
0x75: {  	v13 =	vadd.f32 v15, v0;
	v6 =	vadd.f32 v6, v7;
	v7 =	vmul.f32 v8, v3;
	v15 =	vld [tilespmem:s9+$0x10]  }
0x76: {  	[tilespmem:s8+$0xFFFFFFD0] =	vst v10;
	v16 =	vld [tilespmem:s10+$0x10]  }
.Ltmp0:
0x77: {  	v8 =	vmax.f32 v13, $0.0e+00;
	v10 =	vmul.f32 v6, v2;
	v11 =	vadd.f32 v14, v11;
	v6 =	vld [tilespmem:s13+$0x20];
	(pc) =	sbr.rel @p2 .LBB2_2-.Ltmp0, $4  }
0x78: {  	v13 =	vmul.f32 v8, v9;
	v9 =	vld [tilespmem:s8+$0x20]  }
0x79: {  	v14 =	vadd.f32 v10, v0;
	v17 =	vadd.f32 v11, v7;
	v11 =	vmul.f32 v12, v5;
	v8 =	vld [tilespmem:s9+$0x20]  }
0x7a: {  	[tilespmem:s8+$0xFFFFFFE0] =	vst v13;
	v10 =	vld [tilespmem:s10+$0x20]  }
0x7b: {  	v7 =	vld [tilespmem:s13+$0xFFFFFFC0];
	v12 =	vmax.f32 v14, $0.0e+00;
	v13 =	vmul.f32 v17, v3;
	v14 =	vadd.f32 v16, v15;
	s13 =	sadd.s32 $0x80, s13  }
0x7c: {  	_ =	sdelay $0x2  }
0x7d: {  	v9 =	vmul.f32 v9, v6;
	v8 =	vadd.f32 v10, v8  }
0x7e: {  	v57 =	vadd.f32 v14, v11;
	v1 =	vmul.f32 v1, v7  }
0x7f: {  	v8 =	vadd.f32 v8, v9  }
0x80: {  	v58 =	vmul.f32 v57, v5;
	v1 =	vadd.f32 v4, v1  }
0x81: {  	v59 =	vadd.f32 v13, v0;
	v8 =	vmul.f32 v8, v6  }
0x82: {  	v9 =	vadd.f32 v58, v0;
	v1 =	vmul.f32 v1, v7  }
0x83: {  	v2 =	vmul.f32 v12, v2;
	v4 =	vmax.f32 v59, $0.0e+00;
	v8 =	vadd.f32 v8, v0  }
0x84: {  	v3 =	vmul.f32 v4, v3;
	v60 =	vmax.f32 v9, $0.0e+00;
	v61 =	vadd.f32 v1, v0  }
0x85: {  	[tilespmem:s11+$0xFFFFFFF0] =	vst v2;
	v62 =	vmul.f32 v60, v5;
	v63 =	vmax.f32 v8, $0.0e+00  }
0x86: {  	[tilespmem:s11+$0x0] =	vst v3;
	v0 =	vmax.f32 v61, $0.0e+00;
	v2 =	vmul.f32 v63, v6  }
0x87: {  	[tilespmem:s11+$0x10] =	vst v62;
	v0 =	vmul.f32 v0, v7  }
0x88: {  	[tilespmem:s11+$0x20] =	vst v2  }
0x89: {  	[tilespmem:s11+$0xFFFFFFC0] =	vst v0  }
0x8a: {  	s8 =	rddreg [dreg:$0xc]  }
0x8b: {  	[spmem:s8] =	stream.linear.scatter [tilespmem:s22], [sflag:$0x9], $0x2780, $0x38;
	[tilespmem:$0x1A530] =	vst v63  }
0x8c: {  	_ =	swait.ge [sflag:s18], $0x2780  }
0x8d: {  	[sflag:s18] =	ssyncset.done $0x0  }
0x8e: {  	s9 =	simm.s32 @!p1 $0xD620;
	s8 =	simm.s32 @!p1 $0x0;
	[sflag:s18] =	ssyncadd.s32 $0xFFFFD880  }
0x8f: {  	[hbm4b:s14+s8] =	stream.linear.scatter @!p1 [tilespmem:s9], [sflag:$0x9], $0x2780, $0x38;
	[tilespmem:$0x1A530] =	vst v63  }
0x90: {  	s8 =	simm.s32 @!p1 $0x9  }
0x91: {  	_ =	swait.ge @!p1 [sflag:s8], $0x2780  }
0x92: {  	[sflag:s8] =	ssyncset.done @!p1 $0x0  }
0x93: {  	[sflag:s8] =	ssyncadd.s32 @!p1 $0xFFFFD880  }
0x94: {  	[bflag:$0x0] =	sbarrier.arrive $0xFFFF  }
0x95: {  	[tilespmem:s20], [sflag:$0x1] =	stream.indirect.gather [spmem:s4], $0x10, s5, s26, $0xb8;
	[tilespmem:$0x1A530] =	vst v63  }
0x96: {  	_ = 	snop  }
0x97: {  	[tilespmem:s21], [sflag:$0x2] =	stream.indirect.gather [spmem:s4], $0x10, s26, s26, $0xb8;
	[tilespmem:$0x1A530] =	vst v63  }
0x98: {  	s11 =	simm.s32 $0x800  }
0x99: {  	[tilespmem:s22], [sflag:$0x3] =	stream.indirect.gather [spmem:s4], $0x10, s11, s26, $0xb8;
	[tilespmem:$0x1A530] =	vst v63  }
0x9a: {  	_ =	swait.ge [sflag:s29], $0x4000  }
0x9b: {  	[sflag:s29] =	ssyncset.done $0x0  }
0x9c: {  	[sflag:s29] =	ssyncadd.s32 $0xFFFFC000  }
0x9d: {  	[spmem:s3] =	stream.indirect.scatter.add.f32 [tilespmem:s20], [sflag:$0x5], $0x10, s19, s26, $0xb8;
	[tilespmem:$0x1A530] =	vst v63  }
0x9e: {  	s12 =	simm.s32 $0xC00  }
0x9f: {  	[tilespmem:s23], [sflag:$0x4] =	stream.indirect.gather [spmem:s4], $0x10, s12, s26, $0xb8;
	[tilespmem:$0x1A530] =	vst v63  }
0xa0: {  	_ =	swait.ge [sflag:s31], $0x4000  }
0xa1: {  	[sflag:s31] =	ssyncset.done $0x0  }
0xa2: {  	s13 =	simm.s32 $0x2F10;
	[sflag:s31] =	ssyncadd.s32 $0xFFFFC000  }
0xa3: {  	[spmem:s3] =	stream.indirect.scatter.add.f32 [tilespmem:s21], [sflag:$0x6], $0x10, s13, s26, $0xb8;
	[tilespmem:$0x1A530] =	vst v63  }
0xa4: {  	_ =	swait.ge [sflag:s0], $0x4000  }
0xa5: {  	[sflag:s0] =	ssyncset.done $0x0  }
0xa6: {  	s9 =	simm.s32 $0x1000;
	[sflag:s0] =	ssyncadd.s32 $0xFFFFC000  }
0xa7: {  	[tilespmem:s20], [sflag:$0x1] =	stream.indirect.gather [spmem:s4], $0x10, s9, s26, $0xb8;
	[tilespmem:$0x1A530] =	vst v63  }
0xa8: {  	_ =	swait.ge [sflag:s24], $0x4000  }
0xa9: {  	[sflag:s24] =	ssyncset.done $0x0  }
0xaa: {  	s10 =	simm.s32 $0x3310;
	[sflag:s24] =	ssyncadd.s32 $0xFFFFC000  }
0xab: {  	[spmem:s3] =	stream.indirect.scatter.add.f32 [tilespmem:s22], [sflag:$0x7], $0x10, s10, s26, $0xb8;
	[tilespmem:$0x1A530] =	vst v63  }
0xac: {  	_ =	swait.ge [sflag:s30], $0x4000  }
0xad: {  	[sflag:s30] =	ssyncset.done $0x0  }
0xae: {  	s11 =	simm.s32 $0x1400;
	[sflag:s30] =	ssyncadd.s32 $0xFFFFC000  }
0xaf: {  	[tilespmem:s21], [sflag:$0x2] =	stream.indirect.gather [spmem:s4], $0x10, s11, s26, $0xb8;
	[tilespmem:$0x1A530] =	vst v63  }
0xb0: {  	_ =	swait.ge [sflag:s1], $0x4000  }
0xb1: {  	[sflag:s1] =	ssyncset.done $0x0  }
0xb2: {  	s12 =	simm.s32 $0x3710;
	[sflag:s1] =	ssyncadd.s32 $0xFFFFC000  }
0xb3: {  	[spmem:s3] =	stream.indirect.scatter.add.f32 [tilespmem:s23], [sflag:$0x8], $0x10, s12, s26, $0xb8;
	[tilespmem:$0x1A530] =	vst v63  }
0xb4: {  	_ =	swait.ge [sflag:s2], $0x4000  }
0xb5: {  	[sflag:s2] =	ssyncset.done $0x0  }
0xb6: {  	s13 =	simm.s32 $0x1800;
	[sflag:s2] =	ssyncadd.s32 $0xFFFFC000  }
0xb7: {  	[tilespmem:s22], [sflag:$0x3] =	stream.indirect.gather [spmem:s4], $0x10, s13, s26, $0xb8;
	[tilespmem:$0x1A530] =	vst v63  }
0xb8: {  	_ =	swait.ge [sflag:s29], $0x4000  }
0xb9: {  	[sflag:s29] =	ssyncset.done $0x0  }
0xba: {  	s9 =	simm.s32 $0x3B10;
	[sflag:s29] =	ssyncadd.s32 $0xFFFFC000  }
0xbb: {  	[spmem:s3] =	stream.indirect.scatter.add.f32 [tilespmem:s20], [sflag:$0x5], $0x10, s9, s26, $0xb8;
	[tilespmem:$0x1A530] =	vst v63  }
0xbc: {  	_ =	swait.ge [sflag:s28], $0x4000  }
0xbd: {  	[sflag:s28] =	ssyncset.done $0x0  }
0xbe: {  	s10 =	simm.s32 $0x1C00;
	[sflag:s28] =	ssyncadd.s32 $0xFFFFC000  }
0xbf: {  	[tilespmem:s23], [sflag:$0x4] =	stream.indirect.gather [spmem:s4], $0x10, s10, s26, $0xb8;
	[tilespmem:$0x1A530] =	vst v63  }
0xc0: {  	_ =	swait.ge [sflag:s31], $0x4000  }
0xc1: {  	[sflag:s31] =	ssyncset.done $0x0  }
0xc2: {  	s11 =	simm.s32 $0x3F10;
	[sflag:s31] =	ssyncadd.s32 $0xFFFFC000  }
0xc3: {  	[spmem:s3] =	stream.indirect.scatter.add.f32 [tilespmem:s21], [sflag:$0x6], $0x10, s11, s26, $0xb8;
	[tilespmem:$0x1A530] =	vst v63  }
0xc4: {  	_ =	swait.ge [sflag:s0], $0x4000  }
0xc5: {  	[sflag:s0] =	ssyncset.done $0x0  }
0xc6: {  	s12 =	simm.s32 $0x2000;
	[sflag:s0] =	ssyncadd.s32 $0xFFFFC000  }
0xc7: {  	[tilespmem:s20], [sflag:$0x1] =	stream.indirect.gather [spmem:s4], $0x10, s12, s26, $0xb8;
	[tilespmem:$0x1A530] =	vst v63  }
0xc8: {  	_ =	swait.ge [sflag:s24], $0x4000  }
0xc9: {  	[sflag:s24] =	ssyncset.done $0x0  }
0xca: {  	s13 =	simm.s32 $0x4310;
	[sflag:s24] =	ssyncadd.s32 $0xFFFFC000  }
0xcb: {  	[spmem:s3] =	stream.indirect.scatter.add.f32 [tilespmem:s22], [sflag:$0x7], $0x10, s13, s26, $0xb8;
	[tilespmem:$0x1A530] =	vst v63  }
0xcc: {  	_ =	swait.ge [sflag:s30], $0x4000  }
0xcd: {  	[sflag:s30] =	ssyncset.done $0x0  }
0xce: {  	s9 =	simm.s32 $0x2400;
	[sflag:s30] =	ssyncadd.s32 $0xFFFFC000  }
0xcf: {  	[tilespmem:s21], [sflag:$0x2] =	stream.indirect.gather [spmem:s4], $0x10, s9, s6, $0xb8;
	[tilespmem:$0x1A530] =	vst v63  }
0xd0: {  	_ =	swait.ge [sflag:s1], $0x4000  }
0xd1: {  	[sflag:s1] =	ssyncset.done $0x0  }
0xd2: {  	s10 =	simm.s32 $0x4710;
	[sflag:s1] =	ssyncadd.s32 $0xFFFFC000  }
0xd3: {  	[spmem:s3] =	stream.indirect.scatter.add.f32 [tilespmem:s23], [sflag:$0x8], $0x10, s10, s26, $0xb8;
	[tilespmem:$0x1A530] =	vst v63  }
0xd4: {  	_ =	swait.ge [sflag:s29], $0x4000  }
0xd5: {  	[sflag:s29] =	ssyncset.done $0x0  }
0xd6: {  	s11 =	simm.s32 $0x4B10;
	[sflag:s29] =	ssyncadd.s32 $0xFFFFC000  }
0xd7: {  	[spmem:s3] =	stream.indirect.scatter.add.f32 [tilespmem:s20], [sflag:$0x5], $0x10, s11, s26, $0xb8;
	[tilespmem:$0x1A530] =	vst v63  }
0xd8: {  	_ =	swait.ge [sflag:s31], $0x3100  }
0xd9: {  	[sflag:s31] =	ssyncset.done $0x0  }
0xda: {  	s12 =	simm.s32 $0x4F10;
	[sflag:s31] =	ssyncadd.s32 $0xFFFFCF00  }
0xdb: {  	[spmem:s3] =	stream.indirect.scatter.add.f32 [tilespmem:s21], [sflag:$0x6], $0x10, s12, s6, $0xb8;
	[tilespmem:$0x1A530] =	vst v63  }
0xdc: {  	_ =	swait.ge [sflag:s2], $0x4000  }
0xdd: {  	[sflag:s2] =	ssyncset.done $0x0  }
0xde: {  	[sflag:s2] =	ssyncadd.s32 $0xFFFFC000  }
0xdf: {  	_ =	swait.ge [sflag:s28], $0x4000  }
0xe0: {  	[sflag:s28] =	ssyncset.done $0x0  }
0xe1: {  	[sflag:s28] =	ssyncadd.s32 $0xFFFFC000  }
0xe2: {  	_ =	swait.ge [sflag:s0], $0x4000  }
0xe3: {  	[sflag:s0] =	ssyncset.done $0x0  }
0xe4: {  	[sflag:s0] =	ssyncadd.s32 $0xFFFFC000  }
0xe5: {  	_ =	swait.ge [sflag:s30], $0x3100  }
0xe6: {  	s7 =	sadd.s32 $0x1, s7;
	s13 =	stileid.u32;
	[sflag:s30] =	ssyncset.done $0x0  }
0xe7: {  	p2 =	sne.s32 s7, s16;
	s8 =	sshll.u32 s13, $0x6;
	[sflag:s30] =	ssyncadd.s32 $0xFFFFCF00  }
.Ltmp1:
0xe8: {  	s8 =	sor.u32 $0x1C09, s8;
	[bflag:$0x0] =	sbarrier.arrive $0xFFFF;
	(pc) =	sbr.rel @p2 .LBB2_1-.Ltmp1, $4  }
0xe9: {  	[hbm:s15], [sflag:s8] =	dma.local [spmem:s25], $0x4F0  }
0xea: {  	_ =	swait.ge [sflag:s18], $0x4F0  }
0xeb: {  	[sflag:s18] =	ssyncset.done $0x0  }
0xec: {  	[sflag:s18] =	ssyncadd.s32 $0xFFFFFB10  }
0xed: {  	_ =	sfence.sel $0x180000  }
0xee: {  	[bflag:$0x0] =	sbarrier.arrive $0xFFFF  }
0xef: {  	_ =	strace $0x9000004D  }
0xf0: {  	[bflag:$0x2] =	sbarrier.arrive $0xFFFF  }
0xf1: {  	s0 =	rddreg [dreg:$0x4]  }
0xf2: {  	s0 =	sadd.s32 @!p0 $0x100000, s0  }
0xf3: {  	[sflag:s0] =	ssyncadd.tile.s32 @!p0 $0x1;
	_ =	shalt  }
.Lfunc_end2:
_tile_overlayer_lowered:
.L_overlay_start_2:
0xf4: {  	(tag) =	ssettag $0x2  }
0xf5: {  	s0 =	rddreg [dreg:$0x0];
	s2 =	stileid.u32  }
0xf6: {  	s1 =	rddreg [dreg:$0x1];
	p0 =	sne.s32 s2, $0x0  }
0xf7: {  	s3 =	rddreg [dreg:$0x2];
	[bflag:$0x3] =	sbarrier.arrive $0xFFFF;
	s2 =	simm.s32 @!p0 $0x1C09  }
0xf8: {  	[timem:s3], [sflag:s2] =	dma.local @!p0 [hbm:s0], s1  }
0xf9: {  	s0 =	simm.s32 @!p0 $0x9  }
0xfa: {  	_ =	swait.ge @!p0 [sflag:s0], s1  }
0xfb: {  	s1 =	ssub.s32 @!p0 $0x0, s1;
	[sflag:s0] =	ssyncset.done @!p0 $0x0  }
0xfc: {  	[sflag:s0] =	ssyncadd.s32 @!p0 s1  }
0xfd: {  	[bflag:$0x3] =	sbarrier.arrive $0xFFFF  }
0xfe: {  	_ =	shalt  }

// kernel: run.7.cloned.1.call-start
scs
__scs_entry_jumppad:
0x0: {  	(pc) =	sbr.rel $0x88, $3  }
0x1: {  	(tag) =	ssettag $0x0;
	lr =	simm.s32 $0x1  }
0x2: {  	[smem:$0x3F9B] =	sst lr;
	_ =	strace $0xD0000000  }
0x3: {  	_ = 	snop  }
0x4: {  	_ = 	snop  }
0x5: {  	_ = 	snop  }
0x6: {  	_ = 	snop  }
0x7: {  	_ = 	snop  }
__scs_overlays_trampoline_lowered:
0x8: {  	[smem:$0x3FAA] =	sst s0  }
0x9: {  	[smem:$0x3FAB] =	sst s1  }
0xa: {  	[smem:$0x3FAC] =	sst s2  }
0xb: {  	[smem:$0x3FAD] =	sst s3  }
0xc: {  	[smem:$0x3FAE] =	sst s4  }
0xd: {  	[smem:$0x3FAF] =	sst s5  }
0xe: {  	[smem:$0x3FB0] =	sst s6  }
0xf: {  	[smem:$0x3FB1] =	sst s7  }
0x10: {  	[smem:$0x3FB2] =	sst s8  }
0x11: {  	[smem:$0x3FB3] =	sst s9;
	s0 =	simm.s32 @!p0 $0x0  }
0x12: {  	s1 =	sld [smem:$0x3F99];
	s0 =	simm.s32 @p0 $0x1  }
0x13: {  	[smem:$0x3FB4] =	sst s0;
	s0 =	simm.s32 @!p1 $0x0  }
0x14: {  	s2 =	sld [smem:$0x3F98];
	s0 =	simm.s32 @p1 $0x1  }
0x15: {  	[smem:$0x3FB5] =	sst s0;
	s0 =	simm.s32 @!p2 $0x0  }
0x16: {  	s3 =	sld [smem:$0x3FDB];
	s0 =	simm.s32 @p2 $0x1  }
0x17: {  	s4 =	simm.s32 $0x1BF5;
	[smem:$0x3FB7] =	sst s0  }
0x18: {  	s0 =	sld [smem:$0x3F9A];
	_ =	swait.ge [sflag:s4], $0x0  }
0x19: {  	s7 =	sld [smem:$0x3F9B]  }
0x1a: {  	s8 =	sadd.s32 $0xFFFFE003, lr  }
0x1b: {  	s9 =	sadd.s32 $0xFFFFFEF7, lr;
	s5 =	simm.s32 $0xFFFFFFFF;
	p2 =	slt.u32 s8, $0xFFFFF086  }
0x1c: {  	p1 =	slt.u32 s9, $0xF7A;
	s5 =	simm.s32 @!p2 $0x0  }
0x1d: {  	s5 =	simm.s32 @p1 $0x1;
	p0 =	seq.s32 s7, s2  }
0x1e: {  	s7 =	smul.u32 @!p0 $0xF7A, s2;
	p2 =	seq.s32 @!p0 s5, $0x0  }
0x1f: {  	s9 =	smul.u32 $0xF7A, s1;
	s8 =	simm.s32 @!p0 $0x1BF5;
	p2 =	por !p2, p0  }
0x20: {  	[sflag:s8] =	ssyncset.s32 @!p0 $0xFFFFF086;
	s6 =	sadd.s32 @!p0 s3, s7;
	s7 =	simm.s32 @!p0 $0x108  }
0x21: {  	s3 =	sadd.s32 s3, s9;
	s6 =	sadd.s32 @!p0 $0x88, s6;
	s7 =	simm.s32 @p2 $0x1082  }
0x22: {  	[simem:s7], [sflag:s8] =	dma.local @!p0 [hbm:s6], $0xF7A  }
0x23: {  	s9 =	sor.u32 $0xD0000000, s2;
	s6 =	simm.s32 $0x108;
	_ =	swait.ge @!p0 [sflag:s8], $0x0  }
0x24: {  	s3 =	sadd.s32 $0x88, s3;
	s6 =	simm.s32 @!p1 $0x1082;
	[sflag:s4] =	ssyncset.s32 $0xFFFFF086  }
0x25: {  	[simem:s6], [sflag:s4] =	dma.local [hbm:s3], $0xF7A  }
0x26: {  	[smem:$0x3F9B] =	sst s1;
	(tag) =	ssettag s2;
	_ =	strace s9  }
0x27: {  	s1 =	sld [smem:$0x3FAB]  }
0x28: {  	s2 =	sld [smem:$0x3FAC]  }
0x29: {  	s4 =	sld [smem:$0x3FAE]  }
0x2a: {  	p0 =	seq.s32 s5, $0x0;
	s5 =	sld [smem:$0x3FAF]  }
0x2b: {  	s6 =	sld [smem:$0x3FB0]  }
0x2c: {  	s7 =	sld [smem:$0x3FB1]  }
0x2d: {  	s3 =	simm.s32 $0x108;
	s8 =	sld [smem:$0x3FB2]  }
0x2e: {  	s3 =	simm.s32 @!p0 $0x1082;
	s9 =	sld [smem:$0x3FB3]  }
0x2f: {  	lr =	sadd.s32 s0, s3;
	s0 =	sld [smem:$0x3FAA]  }
0x30: {  	s3 =	sld [smem:$0x3FAD]  }
0x31: {  	[smem:$0x3FB6] =	sst s10  }
0x32: {  	s10 =	sld [smem:$0x3FB4];
	_ =	sdelay $0x3  }
0x33: {  	p0 =	seq.s32 s10, $0x1;
	s10 =	sld [smem:$0x3FB6];
	_ =	sdelay $0x3  }
0x34: {  	[smem:$0x3FB6] =	sst s10  }
0x35: {  	s10 =	sld [smem:$0x3FB5];
	_ =	sdelay $0x3  }
0x36: {  	p1 =	seq.s32 s10, $0x1;
	s10 =	sld [smem:$0x3FB6];
	_ =	sdelay $0x3  }
0x37: {  	[smem:$0x3FB6] =	sst s10  }
0x38: {  	s10 =	sld [smem:$0x3FB7]  }
0x39: {  	_ = 	snop;
	(pc) =	sbr.ind lr, $3  }
0x3a: {  	_ = 	snop  }
0x3b: {  	_ = 	snop  }
0x3c: {  	p2 =	seq.s32 s10, $0x1;
	s10 =	sld [smem:$0x3FB6]  }
0x3d: {  	_ =	shalt  }
0x3e: {  	_ =	shalt  }
0x3f: {  	_ =	shalt  }
0x40: {  	_ =	shalt  }
0x41: {  	_ =	shalt  }
0x42: {  	_ =	shalt  }
0x43: {  	_ =	shalt  }
0x44: {  	_ =	shalt  }
0x45: {  	_ =	shalt  }
0x46: {  	_ =	shalt  }
0x47: {  	_ =	shalt  }
0x48: {  	_ =	shalt  }
0x49: {  	_ =	shalt  }
0x4a: {  	_ =	shalt  }
0x4b: {  	_ =	shalt  }
0x4c: {  	_ =	shalt  }
0x4d: {  	_ =	shalt  }
0x4e: {  	_ =	shalt  }
0x4f: {  	_ =	shalt  }
0x50: {  	_ =	shalt  }
0x51: {  	_ =	shalt  }
0x52: {  	_ =	shalt  }
0x53: {  	_ =	shalt  }
0x54: {  	_ =	shalt  }
0x55: {  	_ =	shalt  }
0x56: {  	_ =	shalt  }
0x57: {  	_ =	shalt  }
0x58: {  	_ =	shalt  }
0x59: {  	_ =	shalt  }
0x5a: {  	_ =	shalt  }
0x5b: {  	_ =	shalt  }
0x5c: {  	_ =	shalt  }
0x5d: {  	_ =	shalt  }
0x5e: {  	_ =	shalt  }
0x5f: {  	_ =	shalt  }
0x60: {  	_ =	shalt  }
0x61: {  	_ =	shalt  }
0x62: {  	_ =	shalt  }
0x63: {  	_ =	shalt  }
0x64: {  	_ =	shalt  }
0x65: {  	_ =	shalt  }
0x66: {  	_ =	shalt  }
0x67: {  	_ =	shalt  }
0x68: {  	_ =	shalt  }
0x69: {  	_ =	shalt  }
0x6a: {  	_ =	shalt  }
0x6b: {  	_ =	shalt  }
0x6c: {  	_ =	shalt  }
0x6d: {  	_ =	shalt  }
0x6e: {  	_ =	shalt  }
0x6f: {  	_ =	shalt  }
0x70: {  	_ =	shalt  }
0x71: {  	_ =	shalt  }
0x72: {  	_ =	shalt  }
0x73: {  	_ =	shalt  }
0x74: {  	_ =	shalt  }
0x75: {  	_ =	shalt  }
0x76: {  	_ =	shalt  }
0x77: {  	_ =	shalt  }
0x78: {  	_ =	shalt  }
0x79: {  	_ =	shalt  }
0x7a: {  	_ =	shalt  }
0x7b: {  	_ =	shalt  }
0x7c: {  	_ =	shalt  }
0x7d: {  	_ =	shalt  }
0x7e: {  	_ =	shalt  }
0x7f: {  	_ =	shalt  }
0x80: {  	_ =	shalt  }
0x81: {  	_ =	shalt  }
0x82: {  	_ =	shalt  }
0x83: {  	_ =	shalt  }
0x84: {  	_ =	shalt  }
0x85: {  	_ =	shalt  }
0x86: {  	_ =	shalt  }
0x87: {  	_ =	shalt  }
.Lfunc_end0:
.L_simem_size_0:
called_computation_lowered:
.L_overlay_start_0:
0x88: {  	s2 =	sld [smem:$0x3FD9]  }
0x89: {  	s3 =	sld [smem:$0x3FFE];
	_ =	sdelay $0x1  }
0x8a: {  	s1 =	srdreg.scid  }
0x8b: {  	s0 =	sand.u32 $0x1, s1  }
0x8c: {  	s16 =	sshll.u32 s0, $0xA;
	s2 =	sadd.s32 s3, s2  }
0x8d: {  	s2 =	sadd.s32 s2, s16  }
0x8e: {  	[smem:$0x3FC2] =	sst s2  }
0x8f: {  	_ = 	snop  }
0x90: {  	(tm) =	ssettm $0x1  }
0x91: {  	s17 =	sld [smem:$0x3FFB];
	_ =	sdelay $0x3  }
0x92: {  	_ =	strace s17  }
0x93: {  	s2 =	sld [smem:$0x3FFC];
	_ =	sdelay $0x3  }
0x94: {  	_ =	strace s2  }
0x95: {  	s2 =	sld [smem:$0x3FFD];
	_ =	sdelay $0x3  }
0x96: {  	_ =	strace s2  }
0x97: {  	_ =	strace $0x8FFFFFFF  }
0x98: {  	s18 =	sld [smem:$0x3FDB];
	_ =	sdelay $0x1  }
0x99: {  	s19 =	simm.s32 $_scs_section_size  }
0x9a: {  	s4 =	simm.s32 $_size__tile_overlayer_lowered;
	s5 =	simm.s32 $_tile_overlayer_lowered  }
0x9b: {  	s22 =	simm.s32 $0x1BFF;
	s21 =	sshll.u32 s5, $0x1;
	s2 =	sadd.s32 s19, s18  }
0x9c: {  	s6 =	simm.s32 $0x0;
	s20 =	sshll.u32 s4, $0x1;
	s4 =	sadd.s32 s21, s2  }
0x9d: {  	[timem:s6], [sflag:s22] =	dma.local [hbm:s4], s20  }
0x9e: {  	_ =	swait.ge [sflag:s22], s20  }
0x9f: {  	s3 =	ssub.s32 $0x0, s20;
	[sflag:s22] =	ssyncset.done $0x0  }
0xa0: {  	[sflag:s22] =	ssyncadd.s32 s3;
	_ =	sdelay $0x1  }
0xa1: {  	s23 =	simm.s32 $0x1B8B  }
0xa2: {  	_ =	swait.ge [sflag:s23], $0x1  }
0xa3: {  	[sflag:s23] =	ssyncset.done $0x0  }
0xa4: {  	s25 =	simm.s32 $0x1B8E;
	s24 =	sld [smem:$0x3FFE];
	[sflag:s23] =	ssyncadd.s32 $0xFFFFFFFF  }
0xa5: {  	s26 =	simm.s32 $execute0_lowered;
	[smem:$0x3FD2] =	sst s25  }
0xa6: {  	s4 =	sshll.u32 s26, $0x1;
	_ =	strace $0x80000046;
	[dreg:$0x1] =	wrdreg $0xFFFFFFFF  }
0xa7: {  	s28 =	simm.s32 $_size_execute0_lowered;
	s2 =	sadd.s32 s2, s4;
	[dreg:$0x0] =	wrdreg $0x0  }
0xa8: {  	s4 =	sshll.u32 s28, $0x1;
	[dreg:$0x2] =	wrdreg s2  }
0xa9: {  	[dreg:$0x3] =	wrdreg s4  }
0xaa: {  	[dreg:$0x4] =	wrdreg $0xC0  }
0xab: {  	_ =	task [dreg:s6], $0x5FFFF  }
0xac: {  	[dreg:$0x1] =	wrdreg $0xFFFFFFFF  }
0xad: {  	[dreg:$0x0] =	wrdreg $0x60  }
0xae: {  	[dreg:$0x2] =	wrdreg s24  }
0xaf: {  	[dreg:$0x3] =	wrdreg $0x6B100  }
0xb0: {  	[dreg:$0x4] =	wrdreg $0x9  }
0xb1: {  	_ =	task.clear_ibuf [dreg:s6], $0x5FFFF;
	_ =	strace $0x90000046  }
0xb2: {  	s29 =	simm.s32 $0x9;
	_ =	strace $0x80000048  }
0xb3: {  	_ =	swait.ge [sflag:s29], $0x1  }
0xb4: {  	[sflag:s29] =	ssyncadd.s32 $0xFFFFFFFF  }
0xb5: {  	_ =	strace $0x90000048  }
0xb6: {  	_ =	sfence  }
0xb7: {  	s30 =	sld [smem:$0x0];
	_ =	sdelay $0x2  }
0xb8: {  	s31 =	sshll.u32 s1, $0xD;
	s1 =	sshrl.u32 s1, $0x2  }
0xb9: {  	s3 =	sand.u32 $0x4000, s31;
	s1 =	sadd.s32 s1, s30  }
0xba: {  	s0 =	sor.u32 s3, s0;
	s1 =	sshll.u32 s1, $0x11  }
0xbb: {  	s0 =	sor.u32 s1, s0  }
0xbc: {  	s0 =	sadd.s32 $0x8F2B, s0  }
0xbd: {  	[sflag:s0] =	ssyncadd.remote.s32 $0x1  }
0xbe: {  	_ =	sfence.sel $0xFFFF  }
0xbf: {  	[dreg:$0x0] =	wrdreg $0xFFFFFFFF;
	(pc) =	sbr.abs _section_cstart, $3  }
0xc0: {  	[dreg:$0x1] =	wrdreg $0xFFFFFFFF  }
0xc1: {  	_ =	task.clear_ibuf [dreg:s6], $0x2FFFF;
	_ =	strace $0x9FFFFFFF  }
0xc2: {  	(tm) =	ssettm $0x7FFFFFFF  }
0xc3: {  	_ =	shalt  }
tec
execute0_lowered:
.L_overlay_start_1:
0x0: {  	(tag) =	ssettag $0x1  }
0x1: {  	s5 =	rddreg [dreg:$0x0]  }
0x2: {  	s1 =	rddreg [dreg:$0x1]  }
0x3: {  	s3 =	srdreg.scid;
	s0 =	rddreg [dreg:$0x2];
	s2 =	simm.s32 $0x0  }
0x4: {  	s11 =	simm.s32 $0x2B10;
	s12 =	simm.s32 $0x800;
	s13 =	simm.s32 $0xC00  }
0x5: {  	s14 =	simm.s32 $0x1000;
	s15 =	simm.s32 $0x1400;
	s16 =	simm.s32 $0x1800  }
0x6: {  	s17 =	simm.s32 $0x1C00;
	s18 =	simm.s32 $0x2000;
	s19 =	simm.s32 $0x310  }
0x7: {  	s20 =	simm.s32 $0x2400;
	s21 =	simm.s32 $0x1;
	s6 =	sand.u32 $0x1, s3  }
0x8: {  	s23 =	simm.s32 $0x0;
	s3 =	stileid.u32;
	s7 =	smul.u32 $0x27800, s6  }
0x9: {  	[smem:$0x7FF] =	sst s2;
	s4 =	sshll.u32 s6, $0x4;
	s8 =	smul.u32 $0x2780, s3  }
0xa: {  	_ =	strace $0x80000047;
	s6 =	ssub.s32 $0x2, s6;
	s4 =	sor.u32 s3, s4  }
0xb: {  	p0 =	sne.s32 s3, $0x0;
	s10 =	sshrl.u32 s6, $0x1;
	s9 =	smul.u32 $0x2710, s4  }
0xc: {  	s4 =	sadd.s32 $0x16200, s5;
	s7 =	sadd.s32 s8, s7;
	s10 =	ssub.s32 s6, s10  }
0xd: {  	s22 =	sadd.s32 s8, s1;
	s8 =	sshrl.u32 @!p0 s1, $0x3;
	s7 =	sshrl.u32 s7, $0x3  }
0xe: {  	s22 =	sshrl.u32 s22, $0x3;
	s9 =	sshrl.u32 s9, $0x3;
	s7 =	sadd.s32 s7, s5  }
0xf: {  	s5 =	sadd.s32 s5, s9;
	s6 =	sadd.s32 $0x1B200, s7;
	s7 =	smax.u32 s10, $0x1  }
0x10: {  	v0 =	vimm.f32 $1.000000000e+00;
	s9 =	simm.s32 $0x2;
	s10 =	simm.s32 $0x400;
	s5 =	sadd.s32 $0xC440, s5  }
.LBB2_1:
0x11: {  	s24 =	simm.s32 @!p0 $0x1C02  }
0x12: {  	[spmem:s8], [sflag:s24] =	dma.local @!p0 [hbm:s4], $0x4F00  }
0x13: {  	s24 =	simm.s32 @!p0 $0x2  }
0x14: {  	_ =	swait.ge @!p0 [sflag:s24], $0x4F00  }
0x15: {  	[sflag:s24] =	ssyncset.done @!p0 $0x0  }
0x16: {  	[sflag:s24] =	ssyncadd.s32 @!p0 $0xFFFFB100;
	s24 =	simm.s32 $0x2B50  }
0x17: {  	[tilespmem:s24+$0xFFFFFFC0] =	vst v0  }
0x18: {  	[tilespmem:s24+$0x30] =	vst v0  }
0x19: {  	[tilespmem:s24+$0x20] =	vst v0  }
0x1a: {  	[tilespmem:s24+$0x10] =	vst v0  }
0x1b: {  	[tilespmem:s24+$0x0] =	vst v0  }
0x1c: {  	[tilespmem:s24+$0xFFFFFFF0] =	vst v0  }
0x1d: {  	s25 =	simm.s32 $0x0;
	[tilespmem:s24+$0xFFFFFFE0] =	vst v0  }
.LBB2_2:
0x1e: {  	s25 =	sadd.s32 $0x8, s25;
	[tilespmem:s24+$0xFFFFFFD0] =	vst v0;
	s24 =	sadd.s32 $0x80, s24  }
0x1f: {  	[tilespmem:s24+$0xFFFFFFC0] =	vst v0;
	p1 =	slt.u32 s25, $0x3F8  }
0x20: {  	[tilespmem:s24+$0x30] =	vst v0  }
.Ltmp0:
0x21: {  	[tilespmem:s24+$0x20] =	vst v0;
	(pc) =	sbr.rel @p1 .LBB2_2-.Ltmp0, $4  }
0x22: {  	[tilespmem:s24+$0x10] =	vst v0  }
0x23: {  	[tilespmem:s24+$0x0] =	vst v0  }
0x24: {  	[tilespmem:s24+$0xFFFFFFF0] =	vst v0  }
0x25: {  	[tilespmem:s24+$0xFFFFFFE0] =	vst v0  }
0x26: {  	[tilespmem:s24+$0xFFFFFFD0] =	vst v0  }
0x27: {  	[tilespmem:s2], [sflag:$0x2] =	stream.linear.gather [hbm4b:s5+s2], $0x2710, $0x38;
	[tilespmem:$0x9290] =	vst v63  }
0x28: {  	_ =	swait.ge [sflag:s9], $0x2710  }
0x29: {  	[sflag:s9] =	ssyncset.done $0x0  }
0x2a: {  	[sflag:s9] =	ssyncadd.s32 $0xFFFFD8F0  }
0x2b: {  	[bflag:$0x0] =	sbarrier.arrive $0xFFFF  }
0x2c: {  	[spmem:s1] =	stream.indirect.scatter.add.f32 [tilespmem:s11], [sflag:$0x1], $0x10, s2, s10, $0xb8;
	[tilespmem:$0x9290] =	vst v63  }
0x2d: {  	_ = 	snop  }
0x2e: {  	[spmem:s1] =	stream.indirect.scatter.add.f32 [tilespmem:s11], [sflag:$0x1], $0x10, s10, s10, $0xb8;
	[tilespmem:$0x9290] =	vst v63  }
0x2f: {  	_ = 	snop  }
0x30: {  	[spmem:s1] =	stream.indirect.scatter.add.f32 [tilespmem:s11], [sflag:$0x1], $0x10, s12, s10, $0xb8;
	[tilespmem:$0x9290] =	vst v63  }
0x31: {  	_ = 	snop  }
0x32: {  	[spmem:s1] =	stream.indirect.scatter.add.f32 [tilespmem:s11], [sflag:$0x1], $0x10, s13, s10, $0xb8;
	[tilespmem:$0x9290] =	vst v63  }
0x33: {  	_ = 	snop  }
0x34: {  	[spmem:s1] =	stream.indirect.scatter.add.f32 [tilespmem:s11], [sflag:$0x1], $0x10, s14, s10, $0xb8;
	[tilespmem:$0x9290] =	vst v63  }
0x35: {  	_ = 	snop  }
0x36: {  	[spmem:s1] =	stream.indirect.scatter.add.f32 [tilespmem:s11], [sflag:$0x1], $0x10, s15, s10, $0xb8;
	[tilespmem:$0x9290] =	vst v63  }
0x37: {  	_ = 	snop  }
0x38: {  	[spmem:s1] =	stream.indirect.scatter.add.f32 [tilespmem:s11], [sflag:$0x1], $0x10, s16, s10, $0xb8;
	[tilespmem:$0x9290] =	vst v63  }
0x39: {  	_ = 	snop  }
0x3a: {  	[spmem:s1] =	stream.indirect.scatter.add.f32 [tilespmem:s11], [sflag:$0x1], $0x10, s17, s10, $0xb8;
	[tilespmem:$0x9290] =	vst v63  }
0x3b: {  	_ = 	snop  }
0x3c: {  	[spmem:s1] =	stream.indirect.scatter.add.f32 [tilespmem:s11], [sflag:$0x1], $0x10, s18, s10, $0xb8;
	[tilespmem:$0x9290] =	vst v63  }
0x3d: {  	_ = 	snop  }
0x3e: {  	[spmem:s1] =	stream.indirect.scatter.add.f32 [tilespmem:s11], [sflag:$0x1], $0x10, s20, s19, $0xb8;
	[tilespmem:$0x9290] =	vst v63  }
0x3f: {  	_ =	swait.ge [sflag:s21], $0x4000  }
0x40: {  	[sflag:s21] =	ssyncset.done $0x0  }
0x41: {  	[sflag:s21] =	ssyncadd.s32 $0xFFFFC000  }
0x42: {  	_ =	swait.ge [sflag:s21], $0x4000  }
0x43: {  	[sflag:s21] =	ssyncset.done $0x0  }
0x44: {  	[sflag:s21] =	ssyncadd.s32 $0xFFFFC000  }
0x45: {  	_ =	swait.ge [sflag:s21], $0x4000  }
0x46: {  	[sflag:s21] =	ssyncset.done $0x0  }
0x47: {  	[sflag:s21] =	ssyncadd.s32 $0xFFFFC000  }
0x48: {  	_ =	swait.ge [sflag:s21], $0x4000  }
0x49: {  	[sflag:s21] =	ssyncset.done $0x0  }
0x4a: {  	[sflag:s21] =	ssyncadd.s32 $0xFFFFC000  }
0x4b: {  	_ =	swait.ge [sflag:s21], $0x4000  }
0x4c: {  	[sflag:s21] =	ssyncset.done $0x0  }
0x4d: {  	[sflag:s21] =	ssyncadd.s32 $0xFFFFC000  }
0x4e: {  	_ =	swait.ge [sflag:s21], $0x4000  }
0x4f: {  	[sflag:s21] =	ssyncset.done $0x0  }
0x50: {  	[sflag:s21] =	ssyncadd.s32 $0xFFFFC000  }
0x51: {  	_ =	swait.ge [sflag:s21], $0x4000  }
0x52: {  	[sflag:s21] =	ssyncset.done $0x0  }
0x53: {  	[sflag:s21] =	ssyncadd.s32 $0xFFFFC000  }
0x54: {  	_ =	swait.ge [sflag:s21], $0x4000  }
0x55: {  	[sflag:s21] =	ssyncset.done $0x0  }
0x56: {  	[sflag:s21] =	ssyncadd.s32 $0xFFFFC000  }
0x57: {  	_ =	swait.ge [sflag:s21], $0x4000  }
0x58: {  	[sflag:s21] =	ssyncset.done $0x0  }
0x59: {  	[sflag:s21] =	ssyncadd.s32 $0xFFFFC000  }
0x5a: {  	_ =	swait.ge [sflag:s21], $0x3100  }
0x5b: {  	s23 =	sadd.s32 $0x1, s23;
	[sflag:s21] =	ssyncset.done $0x0  }
0x5c: {  	s31 =	sshll.u32 s3, $0x6;
	p1 =	sne.s32 s23, s7;
	[sflag:s21] =	ssyncadd.s32 $0xFFFFCF00  }
.Ltmp1:
0x5d: {  	s24 =	sor.u32 $0x1C02, s31;
	[bflag:$0x0] =	sbarrier.arrive $0xFFFF;
	(pc) =	sbr.rel @p1 .LBB2_1-.Ltmp1, $4  }
0x5e: {  	[hbm:s6], [sflag:s24] =	dma.local [spmem:s22], $0x4F0  }
0x5f: {  	_ =	swait.ge [sflag:s9], $0x4F0  }
0x60: {  	[sflag:s9] =	ssyncset.done $0x0  }
0x61: {  	[sflag:s9] =	ssyncadd.s32 $0xFFFFFB10  }
0x62: {  	_ =	sfence.sel $0x180000  }
0x63: {  	[bflag:$0x0] =	sbarrier.arrive $0xFFFF  }
0x64: {  	_ =	strace $0x90000047  }
0x65: {  	s0 =	sadd.s32 @!p0 $0x100000, s0;
	[bflag:$0x2] =	sbarrier.arrive $0xFFFF  }
0x66: {  	[sflag:s0] =	ssyncadd.tile.s32 @!p0 $0x1;
	_ =	shalt  }
.Lfunc_end2:
_tile_overlayer_lowered:
.L_overlay_start_2:
0x67: {  	(tag) =	ssettag $0x2  }
0x68: {  	s0 =	rddreg [dreg:$0x0];
	s2 =	stileid.u32  }
0x69: {  	s1 =	rddreg [dreg:$0x1];
	p0 =	sne.s32 s2, $0x0  }
0x6a: {  	s3 =	rddreg [dreg:$0x2];
	[bflag:$0x3] =	sbarrier.arrive $0xFFFF;
	s2 =	simm.s32 @!p0 $0x1C02  }
0x6b: {  	[timem:s3], [sflag:s2] =	dma.local @!p0 [hbm:s0], s1  }
0x6c: {  	s0 =	simm.s32 @!p0 $0x2  }
0x6d: {  	_ =	swait.ge @!p0 [sflag:s0], s1  }
0x6e: {  	s1 =	ssub.s32 @!p0 $0x0, s1;
	[sflag:s0] =	ssyncset.done @!p0 $0x0  }
0x6f: {  	[sflag:s0] =	ssyncadd.s32 @!p0 s1  }
0x70: {  	[bflag:$0x3] =	sbarrier.arrive $0xFFFF  }
0x71: {  	_ =	shalt  }

</sc_bundles>
